<compile_context>
chip_gen: v7x
topology: tpu7x:2x2x1
jax: 0.10.2.dev20260603
libtpu: 0.0.44.dev20260713+nightly
codegen_flags: <defaults>
</compile_context>

<pallas_src>
import functools

import jax
import jax.numpy as jnp
from jax import lax
from jax.experimental import pallas as pl
from jax.experimental.pallas import tpu as pltpu
from jax.experimental.pallas import tpu_sc as plsc

_N, _D, _H, _GH, _E = 2048, 768, 128, 64, 16
_S = 2 * _N
_SB = 128
_NSB = _S // _SB
_CT = 256
_NCT = _S // _CT
_BALANCE_COEF = 0.01


def _gate_sort_body(x_ref, gw1_ref, gb1_ref, gw2_ref, gb2_ref,
                    pos_ref, ww_ref, se_ref,
                    usage_ref, loss_ref):
    x = x_ref[...]
    gh = jnp.maximum(
        jnp.dot(x, gw1_ref[...], preferred_element_type=jnp.float32)
        + gb1_ref[...], 0.0)
    logits = (jnp.dot(gh, gw2_ref[...], preferred_element_type=jnp.float32)
              + gb2_ref[...])
    eid = jax.lax.broadcasted_iota(jnp.int32, logits.shape, 1)
    l1 = jnp.max(logits, axis=1, keepdims=True)
    i1 = jnp.min(jnp.where(logits == l1, eid, _E), axis=1, keepdims=True)
    m1 = eid == i1
    masked = jnp.where(m1, jnp.float32(-1e30), logits)
    l2 = jnp.max(masked, axis=1, keepdims=True)
    i2 = jnp.min(jnp.where(masked == l2, eid, _E), axis=1, keepdims=True)
    m2 = eid == i2
    wa = 1.0 / (1.0 + jnp.exp(l2 - l1))
    onehot = jnp.concatenate(
        [m1.astype(jnp.float32), m2.astype(jnp.float32)], axis=0)
    wcol = jnp.concatenate([wa, 1.0 - wa], axis=0)
    ww_ref[...] = jnp.broadcast_to(wcol, (_S, 128))

    counts = jnp.sum(onehot, axis=0, keepdims=True)
    usage = counts * (1.0 / _N)
    usage_ref[...] = usage
    loss_ref[...] = (jnp.mean((usage - 1.0 / _E) ** 2)
                     * _BALANCE_COEF).reshape(1, 1)

    ue = jax.lax.broadcasted_iota(jnp.int32, (_E, _E), 0)
    ve = jax.lax.broadcasted_iota(jnp.int32, (_E, _E), 1)
    tri_lt = (ue < ve).astype(jnp.float32)
    starts = jnp.dot(counts, tri_lt, preferred_element_type=jnp.float32)
    ends = starts + counts
    se_ref[...] = jnp.concatenate(
        [starts, ends], axis=0).astype(jnp.int32)

    ub = jax.lax.broadcasted_iota(jnp.int32, (_SB, _SB), 0)
    vb = jax.lax.broadcasted_iota(jnp.int32, (_SB, _SB), 1)
    ltb = (vb < ub).astype(jnp.bfloat16)
    within = [None] * _NSB
    btot = [None] * _NSB
    for b in range(_NSB):
        ob = onehot[b * _SB:(b + 1) * _SB, :]
        wb = jnp.dot(ltb, ob.astype(jnp.bfloat16),
                     preferred_element_type=jnp.float32)
        within[b] = wb
        btot[b] = (wb + ob)[_SB - 1:_SB, :]
    btots = jnp.concatenate(btot, axis=0)
    u3 = jax.lax.broadcasted_iota(jnp.int32, (_NSB, _NSB), 0)
    v3 = jax.lax.broadcasted_iota(jnp.int32, (_NSB, _NSB), 1)
    lt3 = (v3 < u3).astype(jnp.float32)
    bpref = jnp.dot(lt3, btots, preferred_element_type=jnp.float32)
    rank = jnp.concatenate(
        [within[b] + bpref[b:b + 1, :] for b in range(_NSB)], axis=0)
    posmat = (rank + starts) * onehot
    ones_e = jnp.ones((_E, 1), jnp.float32)
    pos = jnp.dot(posmat, ones_e, preferred_element_type=jnp.float32)
    pos_ref[...] = pos.astype(jnp.int32)


def _mk_scatter():
    mesh = plsc.VectorSubcoreMesh(core_axis_name="c", subcore_axis_name="s")

    @functools.partial(
        pl.kernel, mesh=mesh,
        out_type=(
            jax.ShapeDtypeStruct((_S, _D), jnp.float32),
            jax.ShapeDtypeStruct((_S, 128), jnp.float32),
        ),
        scratch_types=[
            pltpu.VMEM((_SB,), jnp.int32),
            pltpu.VMEM((_SB, _D), jnp.float32),
            pltpu.VMEM((_SB, 128), jnp.float32),
            pltpu.SemaphoreType.DMA,
            pltpu.SemaphoreType.DMA,
        ],
    )
    def scatter_k(x_hbm, pos_hbm, ww_hbm, xs_hbm, ws_hbm,
                  idx_v, rows_v, wrow_v, sem, sem2):
        w = lax.axis_index("s") * 2 + lax.axis_index("c")
        tok0 = (w % 16) * _SB
        pltpu.sync_copy(pos_hbm.at[pl.ds(w * _SB, _SB)], idx_v)
        pltpu.sync_copy(x_hbm.at[pl.ds(tok0, _SB)], rows_v)
        pltpu.sync_copy(ww_hbm.at[pl.ds(w * _SB, _SB)], wrow_v)
        cpx = pltpu.async_copy(rows_v, xs_hbm.at[idx_v], sem)
        cpw = pltpu.async_copy(wrow_v, ws_hbm.at[idx_v], sem2)
        cpx.wait()
        cpw.wait()

    return scatter_k


def _group_body(xs_ref, ws_ref, se_ref, w1_ref, b1_ref, w2_ref, b2_ref,
                w3_ref, b3_ref, ys_ref, acc, w1c, w2c, w3c):
    i = pl.program_id(0)

    @pl.when(i == 0)
    def _():
        for e in range(_E):
            w1c[:, e * _H:(e + 1) * _H] = w1_ref[e].astype(jnp.bfloat16)
            w2c[e] = w2_ref[e].astype(jnp.bfloat16)
            w3c[e * _H:(e + 1) * _H, :] = w3_ref[e].astype(jnp.bfloat16)

    base = i * _CT
    xt = xs_ref[...].astype(jnp.bfloat16)
    p = base + jax.lax.broadcasted_iota(jnp.int32, (_CT, 1), 0)
    acc[...] = jnp.zeros((_CT, _D), jnp.float32)
    for e in range(_E):
        s_e = se_ref[0, e]
        e_e = se_ref[1, e]

        @pl.when(jnp.logical_and(e_e > base, s_e < base + _CT))
        def _(e=e, s_e=s_e, e_e=e_e):
            h1e = jnp.maximum(
                jnp.dot(xt, w1c[:, e * _H:(e + 1) * _H],
                        preferred_element_type=jnp.float32)
                + b1_ref[:, e * _H:(e + 1) * _H], 0.0)
            h2e = jnp.maximum(
                jnp.dot(h1e.astype(jnp.bfloat16), w2c[e],
                        preferred_element_type=jnp.float32)
                + b2_ref[:, e * _H:(e + 1) * _H], 0.0)
            mcol = jnp.logical_and(p >= s_e, p < e_e).astype(jnp.float32)
            acc[...] += (jnp.dot((h2e * mcol).astype(jnp.bfloat16),
                                 w3c[e * _H:(e + 1) * _H, :],
                                 preferred_element_type=jnp.float32)
                         + mcol * b3_ref[e])
    wsm = ws_ref[...]
    lid = jax.lax.broadcasted_iota(jnp.int32, wsm.shape, 1)
    wcol = jnp.sum(jnp.where(lid == 0, wsm, 0.0), axis=1, keepdims=True)
    ys_ref[...] = acc[...] * wcol


def _mk_combine():
    mesh = plsc.VectorSubcoreMesh(core_axis_name="c", subcore_axis_name="s")
    TB = _N // 32

    @functools.partial(
        pl.kernel, mesh=mesh,
        out_type=jax.ShapeDtypeStruct((_N, _D), jnp.float32),
        scratch_types=[
            pltpu.VMEM((TB,), jnp.int32),
            pltpu.VMEM((TB,), jnp.int32),
            pltpu.VMEM((TB, _D), jnp.float32),
            pltpu.VMEM((TB, _D), jnp.float32),
            pltpu.SemaphoreType.DMA,
            pltpu.SemaphoreType.DMA,
        ],
    )
    def combine_k(pos_hbm, ys_hbm, out_hbm,
                  idx0, idx1, rows0, rows1, sem0, sem1):
        w = lax.axis_index("s") * 2 + lax.axis_index("c")
        t0 = w * TB
        pltpu.sync_copy(pos_hbm.at[pl.ds(t0, TB)], idx0)
        pltpu.sync_copy(pos_hbm.at[pl.ds(_N + t0, TB)], idx1)
        cp0 = pltpu.async_copy(ys_hbm.at[idx0], rows0, sem0)
        cp1 = pltpu.async_copy(ys_hbm.at[idx1], rows1, sem1)
        cp0.wait()
        cp1.wait()
        for t in range(TB):
            def body(ch, carry, t=t):
                a0 = rows0[t, pl.ds(ch * 16, 16)]
                a1 = rows1[t, pl.ds(ch * 16, 16)]
                rows0[t, pl.ds(ch * 16, 16)] = a0 + a1
                return carry
            lax.fori_loop(0, _D // 16, body, 0)
        pltpu.sync_copy(rows0, out_hbm.at[pl.ds(t0, TB)])

    return combine_k


def kernel(x, gate_W1, gate_b1, gate_W2, gate_b2, W1, b1, W2, b2, W3, b3):
    pos, ww, se, usage, loss = pl.pallas_call(
        _gate_sort_body,
        out_shape=(
            jax.ShapeDtypeStruct((_S, 1), jnp.int32),
            jax.ShapeDtypeStruct((_S, 128), jnp.float32),
            jax.ShapeDtypeStruct((2, _E), jnp.int32),
            jax.ShapeDtypeStruct((1, _E), jnp.float32),
            jax.ShapeDtypeStruct((1, 1), jnp.float32),
        ),
    )(x, gate_W1, gate_b1.reshape(1, _GH), gate_W2, gate_b2.reshape(1, _E))

    pos_flat = pos.reshape(_S)
    xs, ws = _mk_scatter()(x, pos_flat, ww)

    ys = pl.pallas_call(
        _group_body,
        grid=(_NCT,),
        in_specs=[
            pl.BlockSpec((_CT, _D), lambda i: (i, 0)),
            pl.BlockSpec((_CT, 128), lambda i: (i, 0)),
            pl.BlockSpec(memory_space=pltpu.SMEM),
            pl.BlockSpec((_E, _D, _H), lambda i: (0, 0, 0)),
            pl.BlockSpec((1, _E * _H), lambda i: (0, 0)),
            pl.BlockSpec((_E, _H, _H), lambda i: (0, 0, 0)),
            pl.BlockSpec((1, _E * _H), lambda i: (0, 0)),
            pl.BlockSpec((_E, _H, _D), lambda i: (0, 0, 0)),
            pl.BlockSpec((_E, _D), lambda i: (0, 0)),
        ],
        out_specs=pl.BlockSpec((_CT, _D), lambda i: (i, 0)),
        out_shape=jax.ShapeDtypeStruct((_S, _D), jnp.float32),
        scratch_shapes=[
            pltpu.VMEM((_CT, _D), jnp.float32),
            pltpu.VMEM((_D, _E * _H), jnp.bfloat16),
            pltpu.VMEM((_E, _H, _H), jnp.bfloat16),
            pltpu.VMEM((_E * _H, _D), jnp.bfloat16),
        ],
    )(xs, ws, se, W1, b1.reshape(1, _E * _H), W2,
      b2.reshape(1, _E * _H), W3, b3)

    out = (jnp.take(ys, pos_flat[:_N], axis=0)
           + jnp.take(ys, pos_flat[_N:], axis=0))
    return out, loss[0, 0], usage.reshape(_E)

# --- scband reference (transcript-rebuilt; emitter-appended) ---
"""Pipeline reference for scband-mo-elayer-1769526526370 (READ-ONLY COPY).

The authoritative reference and input builder live on the scoring server;
editing this copy changes nothing except your own understanding.
"""

import jax, jax.numpy as jnp
import numpy as np

N = 2048   # tokens (batch*seq)
D = 768    # input_dim = output_dim
H = 128    # expert_hidden_dim
GH = 64    # gate_hidden_dim
E = 16     # num_experts
K = 2      # top_k
BALANCE_COEF = 0.01


def _init(key, shape, fan_in):
    return (jax.random.normal(key, shape, dtype=jnp.float32) / np.sqrt(fan_in)).astype(jnp.float32)


def setup_inputs(seed: int = 0) -> dict:
    key = jax.random.key(seed)
    ks = jax.random.split(key, 8)
    return {
        "x": jax.random.normal(ks[0], (N, D), dtype=jnp.float32),
        # gating network: Linear(D, GH) -> ReLU -> Linear(GH, E)
        "gate_W1": _init(ks[1], (D, GH), D),
        "gate_b1": jnp.zeros((GH,), jnp.float32),
        "gate_W2": _init(ks[2], (GH, E), GH),
        "gate_b2": jnp.zeros((E,), jnp.float32),
        # experts (stacked): Linear(D,H) -> ReLU -> Linear(H,H) -> ReLU -> Linear(H,D)
        "W1": _init(ks[3], (E, D, H), D),
        "b1": jnp.zeros((E, H), jnp.float32),
        "W2": _init(ks[4], (E, H, H), H),
        "b2": jnp.zeros((E, H), jnp.float32),
        "W3": _init(ks[5], (E, H, D), H),
        "b3": jnp.zeros((E, D), jnp.float32),
    }


def reference(x, gate_W1, gate_b1, gate_W2, gate_b2, W1, b1, W2, b2, W3, b3):
    # eval mode: no gating noise, dropout is identity
    gh = jax.nn.relu(x @ gate_W1 + gate_b1)
    gate_logits = gh @ gate_W2 + gate_b2                      # [N, E]
    probs = jax.nn.softmax(gate_logits, axis=-1)
    routing_weights, expert_indices = jax.lax.top_k(probs, K) # [N, K], [N, K]
    routing_weights = routing_weights / routing_weights.sum(axis=-1, keepdims=True)

    onehot = jax.nn.one_hot(expert_indices, E, dtype=routing_weights.dtype)  # [N, K, E]
    # combine[n, e] = sum over slots k of routing weight if expert e selected in slot k
    combine = jnp.einsum('nk,nke->ne', routing_weights, onehot)              # [N, E]

    # dense expert computation (mathematically identical to masked dispatch)
    h1 = jax.nn.relu(jnp.einsum('nd,edh->enh', x, W1) + b1[:, None, :])      # [E, N, H]
    h2 = jax.nn.relu(jnp.einsum('enh,ehg->eng', h1, W2) + b2[:, None, :])    # [E, N, H]
    ye = jnp.einsum('eng,egd->end', h2, W3) + b3[:, None, :]                 # [E, N, D]
    output = jnp.einsum('ne,end->nd', combine, ye)                           # [N, D]

    # expert_usage[e] = sum over slots of mean over tokens of (selected == e)
    expert_usage = onehot.mean(axis=0).sum(axis=0)                           # [E]
    target_usage = jnp.full((E,), 1.0 / E, dtype=jnp.float32)
    balance_loss = jnp.mean((expert_usage - target_usage) ** 2) * BALANCE_COEF
    return output, balance_loss, expert_usage

if __name__ == "__main__":
    import jax
    _d = setup_inputs()
    print(jax.jit(kernel)(*tuple(_d.values())))

</pallas_src>

<mosaic_0001>
#map = affine_map<(d0, d1) -> (0, 0)>
#map1 = affine_map<(d0, d1) -> (0)>
module attributes {stable_mosaic.version = 14 : i64} {
  func.func @scatter_k(%arg0: i32, %arg1: i32, %arg2: memref<2048x768xf32, #tpu.memory_space<hbm>>, %arg3: memref<4096xi32, #tpu.memory_space<hbm>>, %arg4: memref<4096x128xf32, #tpu.memory_space<hbm>>, %arg5: memref<4096x768xf32, #tpu.memory_space<hbm>>, %arg6: memref<4096x128xf32, #tpu.memory_space<hbm>>, %arg7: memref<128xi32, #tpu.memory_space<vmem>>, %arg8: memref<128x768xf32, #tpu.memory_space<vmem>>, %arg9: memref<128x128xf32, #tpu.memory_space<vmem>>, %arg10: memref<!tpu.dma_semaphore, #tpu.memory_space<semaphore_mem>>, %arg11: memref<!tpu.dma_semaphore, #tpu.memory_space<semaphore_mem>>) attributes {dimension_semantics = [#tpu.dimension_semantics<core_parallel>, #tpu.dimension_semantics<subcore_parallel>], iteration_bounds = array<i64: 2, 16>, scalar_prefetch = 0 : i64, scratch_operands = 5 : i64, tpu.core_type = #tpu.core_type<sc_vector_subcore>, window_params = [{transform_indices = #map}, {transform_indices = #map1}, {transform_indices = #map}, {transform_indices = #map}, {transform_indices = #map}]} {
    %mul3A = arith.constant 2 : i32
    %mul3A_0 = arith.muli %arg1, %mul3A : i32
    %add3A = arith.addi %mul3A_0, %arg0 : i32
    %jit3A = arith.constant 16 : i32
    %eq3A = arith.constant 0 : i32
    %eq3A_1 = arith.cmpi eq, %jit3A, %eq3A : i32
    %jit3A_2 = arith.constant 1 : i32
    %select_n3A = arith.select %eq3A_1, %jit3A_2, %jit3A : i32
    %rem3A = arith.remsi %add3A, %select_n3A : i32
    %ne3A = arith.constant 0 : i32
    %ne3A_3 = arith.cmpi ne, %rem3A, %ne3A : i32
    %lt3A = arith.constant 0 : i32
    %lt3A_4 = arith.cmpi slt, %rem3A, %lt3A : i32
    %lt3A_5 = arith.constant 0 : i32
    %lt3A_6 = arith.cmpi slt, %select_n3A, %lt3A_5 : i32
    %ne3A_7 = arith.xori %lt3A_4, %lt3A_6 : i1
    %and3A = arith.andi %ne3A_7, %ne3A_3 : i1
    %add3A_8 = arith.addi %rem3A, %select_n3A : i32
    %select_n3A_9 = arith.select %and3A, %add3A_8, %rem3A : i32
    %mul3A_10 = arith.constant 128 : i32
    %mul3A_11 = arith.muli %select_n3A_9, %mul3A_10 : i32
    %mul3A_12 = arith.constant 128 : i32
    %mul3A_13 = arith.muli %add3A, %mul3A_12 : i32
    "tpu.region"() ({
      %run_scoped3A = tpu.sem_alloc : memref<!tpu.dma_semaphore, #tpu.memory_space<semaphore_mem>>
      %dma_start3A_26 = tpu.memref_slice %arg3[%mul3A_13] : memref<4096xi32, #tpu.memory_space<hbm>> -> memref<128xi32, #tpu.memory_space<hbm>>
      %dma_start3A_27 = tpu.memref_slice %arg3[%mul3A_13] : memref<4096xi32, #tpu.memory_space<hbm>> -> memref<128xi32, #tpu.memory_space<hbm>>
      tpu.enqueue_dma source(%dma_start3A_27 : memref<128xi32, #tpu.memory_space<hbm>>) target(%arg7 : memref<128xi32, #tpu.memory_space<vmem>>) target_semaphore(%run_scoped3A : memref<!tpu.dma_semaphore, #tpu.memory_space<semaphore_mem>>)
      %dma_wait3A_28 = tpu.memref_slice %arg3[%mul3A_13] : memref<4096xi32, #tpu.memory_space<hbm>> -> memref<128xi32, #tpu.memory_space<hbm>>
      %dma_wait3A_29 = tpu.memref_slice %arg3[%mul3A_13] : memref<4096xi32, #tpu.memory_space<hbm>> -> memref<128xi32, #tpu.memory_space<hbm>>
      tpu.wait_dma2 semaphore(%run_scoped3A : memref<!tpu.dma_semaphore, #tpu.memory_space<semaphore_mem>>) src(%dma_wait3A_29 : memref<128xi32, #tpu.memory_space<hbm>>) dst(%arg7 : memref<128xi32, #tpu.memory_space<vmem>>)
      tpu.yield
    }) : () -> ()
    "tpu.region"() ({
      %run_scoped3A = tpu.sem_alloc : memref<!tpu.dma_semaphore, #tpu.memory_space<semaphore_mem>>
      %dma_start3A_26 = arith.constant 0 : i32
      %dma_start3A_27 = tpu.memref_slice %arg2[%mul3A_11, %dma_start3A_26] : memref<2048x768xf32, #tpu.memory_space<hbm>> -> memref<128x768xf32, #tpu.memory_space<hbm>>
      %dma_start3A_28 = arith.constant 0 : i32
      %dma_start3A_29 = tpu.memref_slice %arg2[%mul3A_11, %dma_start3A_28] : memref<2048x768xf32, #tpu.memory_space<hbm>> -> memref<128x768xf32, #tpu.memory_space<hbm>>
      tpu.enqueue_dma source(%dma_start3A_29 : memref<128x768xf32, #tpu.memory_space<hbm>>) target(%arg8 : memref<128x768xf32, #tpu.memory_space<vmem>>) target_semaphore(%run_scoped3A : memref<!tpu.dma_semaphore, #tpu.memory_space<semaphore_mem>>)
      %dma_wait3A_30 = arith.constant 0 : i32
      %dma_wait3A_31 = tpu.memref_slice %arg2[%mul3A_11, %dma_wait3A_30] : memref<2048x768xf32, #tpu.memory_space<hbm>> -> memref<128x768xf32, #tpu.memory_space<hbm>>
      %dma_wait3A_32 = arith.constant 0 : i32
      %dma_wait3A_33 = tpu.memref_slice %arg2[%mul3A_11, %dma_wait3A_32] : memref<2048x768xf32, #tpu.memory_space<hbm>> -> memref<128x768xf32, #tpu.memory_space<hbm>>
      tpu.wait_dma2 semaphore(%run_scoped3A : memref<!tpu.dma_semaphore, #tpu.memory_space<semaphore_mem>>) src(%dma_wait3A_33 : memref<128x768xf32, #tpu.memory_space<hbm>>) dst(%arg8 : memref<128x768xf32, #tpu.memory_space<vmem>>)
      tpu.yield
    }) : () -> ()
    %mul3A_14 = arith.constant 128 : i32
    %mul3A_15 = arith.muli %add3A, %mul3A_14 : i32
    "tpu.region"() ({
      %run_scoped3A = tpu.sem_alloc : memref<!tpu.dma_semaphore, #tpu.memory_space<semaphore_mem>>
      %dma_start3A_26 = arith.constant 0 : i32
      %dma_start3A_27 = tpu.memref_slice %arg4[%mul3A_15, %dma_start3A_26] : memref<4096x128xf32, #tpu.memory_space<hbm>> -> memref<128x128xf32, #tpu.memory_space<hbm>>
      %dma_start3A_28 = arith.constant 0 : i32
      %dma_start3A_29 = tpu.memref_slice %arg4[%mul3A_15, %dma_start3A_28] : memref<4096x128xf32, #tpu.memory_space<hbm>> -> memref<128x128xf32, #tpu.memory_space<hbm>>
      tpu.enqueue_dma source(%dma_start3A_29 : memref<128x128xf32, #tpu.memory_space<hbm>>) target(%arg9 : memref<128x128xf32, #tpu.memory_space<vmem>>) target_semaphore(%run_scoped3A : memref<!tpu.dma_semaphore, #tpu.memory_space<semaphore_mem>>)
      %dma_wait3A_30 = arith.constant 0 : i32
      %dma_wait3A_31 = tpu.memref_slice %arg4[%mul3A_15, %dma_wait3A_30] : memref<4096x128xf32, #tpu.memory_space<hbm>> -> memref<128x128xf32, #tpu.memory_space<hbm>>
      %dma_wait3A_32 = arith.constant 0 : i32
      %dma_wait3A_33 = tpu.memref_slice %arg4[%mul3A_15, %dma_wait3A_32] : memref<4096x128xf32, #tpu.memory_space<hbm>> -> memref<128x128xf32, #tpu.memory_space<hbm>>
      tpu.wait_dma2 semaphore(%run_scoped3A : memref<!tpu.dma_semaphore, #tpu.memory_space<semaphore_mem>>) src(%dma_wait3A_33 : memref<128x128xf32, #tpu.memory_space<hbm>>) dst(%arg9 : memref<128x128xf32, #tpu.memory_space<vmem>>)
      tpu.yield
    }) : () -> ()
    %dma_start3A = arith.constant 0 : i32
    %dma_start3A_16 = arith.constant 0 : i32
    %dma_start3A_17 = tpu.memref_slice %arg5[%dma_start3A, %dma_start3A_16] : memref<4096x768xf32, #tpu.memory_space<hbm>> -> memref<4096x768xf32, #tpu.memory_space<hbm>>
    tpu.enqueue_indirect_dma source(%arg8 : memref<128x768xf32, #tpu.memory_space<vmem>>) target(%dma_start3A_17 : memref<4096x768xf32, #tpu.memory_space<hbm>>) offsets(%arg7 : memref<128xi32, #tpu.memory_space<vmem>>) semaphore(%arg10 : memref<!tpu.dma_semaphore, #tpu.memory_space<semaphore_mem>>)
    %dma_start3A_18 = arith.constant 0 : i32
    %dma_start3A_19 = arith.constant 0 : i32
    %dma_start3A_20 = tpu.memref_slice %arg6[%dma_start3A_18, %dma_start3A_19] : memref<4096x128xf32, #tpu.memory_space<hbm>> -> memref<4096x128xf32, #tpu.memory_space<hbm>>
    tpu.enqueue_indirect_dma source(%arg9 : memref<128x128xf32, #tpu.memory_space<vmem>>) target(%dma_start3A_20 : memref<4096x128xf32, #tpu.memory_space<hbm>>) offsets(%arg7 : memref<128xi32, #tpu.memory_space<vmem>>) semaphore(%arg11 : memref<!tpu.dma_semaphore, #tpu.memory_space<semaphore_mem>>)
    %dma_wait3A = arith.constant 0 : i32
    %dma_wait3A_21 = arith.constant 0 : i32
    %dma_wait3A_22 = tpu.memref_slice %arg5[%dma_wait3A, %dma_wait3A_21] : memref<4096x768xf32, #tpu.memory_space<hbm>> -> memref<4096x768xf32, #tpu.memory_space<hbm>>
    tpu.wait_indirect_dma semaphore(%arg10 : memref<!tpu.dma_semaphore, #tpu.memory_space<semaphore_mem>>) src(%arg8 : memref<128x768xf32, #tpu.memory_space<vmem>>) dst(%dma_wait3A_22 : memref<4096x768xf32, #tpu.memory_space<hbm>>)
    %dma_wait3A_23 = arith.constant 0 : i32
    %dma_wait3A_24 = arith.constant 0 : i32
    %dma_wait3A_25 = tpu.memref_slice %arg6[%dma_wait3A_23, %dma_wait3A_24] : memref<4096x128xf32, #tpu.memory_space<hbm>> -> memref<4096x128xf32, #tpu.memory_space<hbm>>
    tpu.wait_indirect_dma semaphore(%arg11 : memref<!tpu.dma_semaphore, #tpu.memory_space<semaphore_mem>>) src(%arg9 : memref<128x128xf32, #tpu.memory_space<vmem>>) dst(%dma_wait3A_25 : memref<4096x128xf32, #tpu.memory_space<hbm>>)
    return
  }
}

module attributes {stable_mosaic.version = 14 : i64} {
  func.func @_gate_sort_body(%arg0: memref<2048x768xf32, #tpu.memory_space<vmem>>, %arg1: memref<768x64xf32, #tpu.memory_space<vmem>>, %arg2: memref<1x64xf32, #tpu.memory_space<vmem>>, %arg3: memref<64x16xf32, #tpu.memory_space<vmem>>, %arg4: memref<1x16xf32, #tpu.memory_space<vmem>>, %arg5: memref<4096x1xi32, #tpu.memory_space<vmem>>, %arg6: memref<4096x128xf32, #tpu.memory_space<vmem>>, %arg7: memref<2x16xi32, #tpu.memory_space<vmem>>, %arg8: memref<1x16xf32, #tpu.memory_space<vmem>>, %arg9: memref<1x1xf32, #tpu.memory_space<vmem>>) attributes {dimension_semantics = [], scalar_prefetch = 0 : i64, scratch_operands = 0 : i64, tpu.core_type = #tpu.core_type<tc>} {
    %get3A = arith.constant 0 : index
    %get3A_0 = arith.constant 0 : index
    %get3A_1 = vector.load %arg0[%get3A, %get3A_0] : memref<2048x768xf32, #tpu.memory_space<vmem>>, vector<2048x768xf32>
    %get3A_2 = arith.constant 0 : index
    %get3A_3 = arith.constant 0 : index
    %get3A_4 = vector.load %arg1[%get3A_2, %get3A_3] : memref<768x64xf32, #tpu.memory_space<vmem>>, vector<768x64xf32>
    %dot_general3A = arith.constant dense<0.000000e+00> : vector<2048x64xf32>
    %dot_general3A_5 = tpu.matmul %get3A_1, %get3A_4, %dot_general3A {dimension_numbers = #tpu.dot_dimension_numbers<[1], [0], [0], [1], [0, 0, 1, 1], [], []>, transpose_lhs_hint = false} : vector<2048x768xf32>, vector<768x64xf32>, vector<2048x64xf32> -> vector<2048x64xf32>
    %get3A_6 = arith.constant 0 : index
    %get3A_7 = arith.constant 0 : index
    %get3A_8 = vector.load %arg2[%get3A_6, %get3A_7] : memref<1x64xf32, #tpu.memory_space<vmem>>, vector<1x64xf32>
    %add3A = vector.broadcast %get3A_8 : vector<1x64xf32> to vector<2048x64xf32>
    %add3A_9 = arith.addf %dot_general3A_5, %add3A : vector<2048x64xf32>
    %max3A = arith.constant 0.000000e+00 : f32
    %max3A_10 = vector.broadcast %max3A : f32 to vector<2048x64xf32>
    %max3A_11 = arith.maximumf %add3A_9, %max3A_10 : vector<2048x64xf32>
    %get3A_12 = arith.constant 0 : index
    %get3A_13 = arith.constant 0 : index
    %get3A_14 = vector.load %arg3[%get3A_12, %get3A_13] : memref<64x16xf32, #tpu.memory_space<vmem>>, vector<64x16xf32>
    %dot_general3A_15 = arith.constant dense<0.000000e+00> : vector<2048x16xf32>
    %dot_general3A_16 = tpu.matmul %max3A_11, %get3A_14, %dot_general3A_15 {dimension_numbers = #tpu.dot_dimension_numbers<[1], [0], [0], [1], [0, 0, 1, 1], [], []>, transpose_lhs_hint = false} : vector<2048x64xf32>, vector<64x16xf32>, vector<2048x16xf32> -> vector<2048x16xf32>
    %get3A_17 = arith.constant 0 : index
    %get3A_18 = arith.constant 0 : index
    %get3A_19 = vector.load %arg4[%get3A_17, %get3A_18] : memref<1x16xf32, #tpu.memory_space<vmem>>, vector<1x16xf32>
    %add3A_20 = vector.broadcast %get3A_19 : vector<1x16xf32> to vector<2048x16xf32>
    %add3A_21 = arith.addf %dot_general3A_16, %add3A_20 : vector<2048x16xf32>
    %iota3A = tpu.iota {dimensions = array<i32: 1>} : vector<2048x16xi32>
    %reduce_max3A = arith.constant dense<0xFF800000> : vector<2048xf32>
    %reduce_max3A_22 = vector.multi_reduction <maximumf>, %add3A_21, %reduce_max3A [1] : vector<2048x16xf32> to vector<2048xf32>
    %broadcast_in_dim3A = vector.shape_cast %reduce_max3A_22 : vector<2048xf32> to vector<2048x1xf32>
    %eq3A = vector.broadcast %broadcast_in_dim3A : vector<2048x1xf32> to vector<2048x16xf32>
    %eq3A_23 = arith.cmpf oeq, %add3A_21, %eq3A : vector<2048x16xf32>
    %jit3A = arith.constant 16 : i32
    %broadcast_in_dim3A_24 = vector.broadcast %jit3A : i32 to vector<2048x16xi32>
    %select_n3A = arith.select %eq3A_23, %iota3A, %broadcast_in_dim3A_24 : vector<2048x16xi1>, vector<2048x16xi32>
    %reduce_min3A = arith.constant dense<2147483647> : vector<2048xi32>
    %reduce_min3A_25 = vector.multi_reduction <minsi>, %select_n3A, %reduce_min3A [1] : vector<2048x16xi32> to vector<2048xi32>
    %broadcast_in_dim3A_26 = vector.shape_cast %reduce_min3A_25 : vector<2048xi32> to vector<2048x1xi32>
    %eq3A_27 = vector.broadcast %broadcast_in_dim3A_26 : vector<2048x1xi32> to vector<2048x16xi32>
    %eq3A_28 = arith.cmpi eq, %iota3A, %eq3A_27 : vector<2048x16xi32>
    %jit3A_29 = arith.constant -1.000000e+30 : f32
    %broadcast_in_dim3A_30 = vector.broadcast %jit3A_29 : f32 to vector<2048x16xf32>
    %select_n3A_31 = arith.select %eq3A_28, %broadcast_in_dim3A_30, %add3A_21 : vector<2048x16xi1>, vector<2048x16xf32>
    %reduce_max3A_32 = arith.constant dense<0xFF800000> : vector<2048xf32>
    %reduce_max3A_33 = vector.multi_reduction <maximumf>, %select_n3A_31, %reduce_max3A_32 [1] : vector<2048x16xf32> to vector<2048xf32>
    %broadcast_in_dim3A_34 = vector.shape_cast %reduce_max3A_33 : vector<2048xf32> to vector<2048x1xf32>
    %eq3A_35 = vector.broadcast %broadcast_in_dim3A_34 : vector<2048x1xf32> to vector<2048x16xf32>
    %eq3A_36 = arith.cmpf oeq, %select_n3A_31, %eq3A_35 : vector<2048x16xf32>
    %jit3A_37 = arith.constant 16 : i32
    %broadcast_in_dim3A_38 = vector.broadcast %jit3A_37 : i32 to vector<2048x16xi32>
    %select_n3A_39 = arith.select %eq3A_36, %iota3A, %broadcast_in_dim3A_38 : vector<2048x16xi1>, vector<2048x16xi32>
    %reduce_min3A_40 = arith.constant dense<2147483647> : vector<2048xi32>
    %reduce_min3A_41 = vector.multi_reduction <minsi>, %select_n3A_39, %reduce_min3A_40 [1] : vector<2048x16xi32> to vector<2048xi32>
    %broadcast_in_dim3A_42 = vector.shape_cast %reduce_min3A_41 : vector<2048xi32> to vector<2048x1xi32>
    %eq3A_43 = vector.broadcast %broadcast_in_dim3A_42 : vector<2048x1xi32> to vector<2048x16xi32>
    %eq3A_44 = arith.cmpi eq, %iota3A, %eq3A_43 : vector<2048x16xi32>
    %sub3A = arith.subf %broadcast_in_dim3A_34, %broadcast_in_dim3A : vector<2048x1xf32>
    %exp3A = math.exp %sub3A : vector<2048x1xf32>
    %add3A_45 = arith.constant 1.000000e+00 : f32
    %add3A_46 = vector.broadcast %add3A_45 : f32 to vector<2048x1xf32>
    %add3A_47 = arith.addf %add3A_46, %exp3A : vector<2048x1xf32>
    %div3A = arith.constant 1.000000e+00 : f32
    %div3A_48 = vector.broadcast %div3A : f32 to vector<2048x1xf32>
    %div3A_49 = arith.divf %div3A_48, %add3A_47 : vector<2048x1xf32>
    %convert_element_type3A = arith.extui %eq3A_28 : vector<2048x16xi1> to vector<2048x16xi32>
    %convert_element_type3A_50 = arith.sitofp %convert_element_type3A : vector<2048x16xi32> to vector<2048x16xf32>
    %convert_element_type3A_51 = arith.extui %eq3A_44 : vector<2048x16xi1> to vector<2048x16xi32>
    %convert_element_type3A_52 = arith.sitofp %convert_element_type3A_51 : vector<2048x16xi32> to vector<2048x16xf32>
    %concatenate3A = tpu.concatenate %convert_element_type3A_50, %convert_element_type3A_52 in 0 : vector<2048x16xf32>, vector<2048x16xf32> -> vector<4096x16xf32>
    %sub3A_53 = arith.constant 1.000000e+00 : f32
    %sub3A_54 = vector.broadcast %sub3A_53 : f32 to vector<2048x1xf32>
    %sub3A_55 = arith.subf %sub3A_54, %div3A_49 : vector<2048x1xf32>
    %concatenate3A_56 = tpu.concatenate %div3A_49, %sub3A_55 in 0 : vector<2048x1xf32>, vector<2048x1xf32> -> vector<4096x1xf32>
    %broadcast_in_dim3A_57 = vector.shape_cast %concatenate3A_56 : vector<4096x1xf32> to vector<4096x1xf32>
    %broadcast_in_dim3A_58 = vector.broadcast %broadcast_in_dim3A_57 : vector<4096x1xf32> to vector<4096x128xf32>
    %swap3A = arith.constant 0 : index
    %swap3A_59 = arith.constant 0 : index
    %swap3A_60 = vector.load %arg6[%swap3A, %swap3A_59] : memref<4096x128xf32, #tpu.memory_space<vmem>>, vector<4096x128xf32>
    tpu.vector_store %arg6[%swap3A, %swap3A_59], %broadcast_in_dim3A_58 {strides = array<i32>} : memref<4096x128xf32, #tpu.memory_space<vmem>>, vector<4096x128xf32>,
    %reduce_sum3A = arith.constant dense<0.000000e+00> : vector<16xf32>
    %reduce_sum3A_61 = vector.multi_reduction <add>, %concatenate3A, %reduce_sum3A [0] : vector<4096x16xf32> to vector<16xf32>
    %broadcast_in_dim3A_62 = vector.shape_cast %reduce_sum3A_61 : vector<16xf32> to vector<1x16xf32>
    %mul3A = arith.constant 4.8828125E-4 : f32
    %mul3A_63 = vector.broadcast %mul3A : f32 to vector<1x16xf32>
    %mul3A_64 = arith.mulf %broadcast_in_dim3A_62, %mul3A_63 : vector<1x16xf32>
    %swap3A_65 = arith.constant 0 : index
    %swap3A_66 = arith.constant 0 : index
    %swap3A_67 = vector.load %arg8[%swap3A_65, %swap3A_66] : memref<1x16xf32, #tpu.memory_space<vmem>>, vector<1x16xf32>
    tpu.vector_store %arg8[%swap3A_65, %swap3A_66], %mul3A_64 {strides = array<i32>} : memref<1x16xf32, #tpu.memory_space<vmem>>, vector<1x16xf32>,
    %sub3A_68 = arith.constant 6.250000e-02 : f32
    %sub3A_69 = vector.broadcast %sub3A_68 : f32 to vector<1x16xf32>
    %sub3A_70 = arith.subf %mul3A_64, %sub3A_69 : vector<1x16xf32>
    %integer_pow3A = arith.mulf %sub3A_70, %sub3A_70 : vector<1x16xf32>
    %reduce_sum3A_71 = vector.shape_cast %integer_pow3A : vector<1x16xf32> to vector<1x1x16xf32>
    %reduce_sum3A_72 = arith.constant dense<0.000000e+00> : vector<1xf32>
    %reduce_sum3A_73 = vector.multi_reduction <add>, %reduce_sum3A_71, %reduce_sum3A_72 [1, 2] : vector<1x1x16xf32> to vector<1xf32>
    %reduce_sum3A_74 = vector.shape_cast %reduce_sum3A_73 : vector<1xf32> to vector<1x1x1xf32>
    %reduce_sum3A_75 = vector.extract %reduce_sum3A_74[0, 0, 0] : f32 from vector<1x1x1xf32>
    %div3A_76 = arith.constant 1.600000e+01 : f32
    %div3A_77 = arith.divf %reduce_sum3A_75, %div3A_76 : f32
    %mul3A_78 = arith.constant 0.00999999977 : f32
    %mul3A_79 = arith.mulf %div3A_77, %mul3A_78 : f32
    %reshape3A = vector.broadcast %mul3A_79 : f32 to vector<1x1xf32>
    %swap3A_80 = arith.constant 0 : index
    %swap3A_81 = arith.constant 0 : index
    %swap3A_82 = vector.load %arg9[%swap3A_80, %swap3A_81] : memref<1x1xf32, #tpu.memory_space<vmem>>, vector<1x1xf32>
    tpu.vector_store %arg9[%swap3A_80, %swap3A_81], %reshape3A {strides = array<i32>} : memref<1x1xf32, #tpu.memory_space<vmem>>, vector<1x1xf32>,
    %iota3A_83 = tpu.iota {dimensions = array<i32: 0>} : vector<16x16xi32>
    %iota3A_84 = tpu.iota {dimensions = array<i32: 1>} : vector<16x16xi32>
    %lt3A = arith.cmpi slt, %iota3A_83, %iota3A_84 : vector<16x16xi32>
    %convert_element_type3A_85 = arith.extui %lt3A : vector<16x16xi1> to vector<16x16xi32>
    %convert_element_type3A_86 = arith.sitofp %convert_element_type3A_85 : vector<16x16xi32> to vector<16x16xf32>
    %dot_general3A_87 = arith.constant dense<0.000000e+00> : vector<1x16xf32>
    %dot_general3A_88 = tpu.matmul %broadcast_in_dim3A_62, %convert_element_type3A_86, %dot_general3A_87 {dimension_numbers = #tpu.dot_dimension_numbers<[1], [0], [0], [1], [0, 0, 1, 1], [], []>, transpose_lhs_hint = false} : vector<1x16xf32>, vector<16x16xf32>, vector<1x16xf32> -> vector<1x16xf32>
    %add3A_89 = arith.addf %dot_general3A_88, %broadcast_in_dim3A_62 : vector<1x16xf32>
    %concatenate3A_90 = tpu.concatenate %dot_general3A_88, %add3A_89 in 0 : vector<1x16xf32>, vector<1x16xf32> -> vector<2x16xf32>
    %convert_element_type3A_91 = arith.fptosi %concatenate3A_90 : vector<2x16xf32> to vector<2x16xi32>
    %swap3A_92 = arith.constant 0 : index
    %swap3A_93 = arith.constant 0 : index
    %swap3A_94 = vector.load %arg7[%swap3A_92, %swap3A_93] : memref<2x16xi32, #tpu.memory_space<vmem>>, vector<2x16xi32>
    tpu.vector_store %arg7[%swap3A_92, %swap3A_93], %convert_element_type3A_91 {strides = array<i32>} : memref<2x16xi32, #tpu.memory_space<vmem>>, vector<2x16xi32>,
    %iota3A_95 = tpu.iota {dimensions = array<i32: 0>} : vector<128x128xi32>
    %iota3A_96 = tpu.iota {dimensions = array<i32: 1>} : vector<128x128xi32>
    %lt3A_97 = arith.cmpi slt, %iota3A_96, %iota3A_95 : vector<128x128xi32>
    %convert_element_type3A_98 = arith.extui %lt3A_97 : vector<128x128xi1> to vector<128x128xi32>
    %convert_element_type3A_99 = arith.sitofp %convert_element_type3A_98 : vector<128x128xi32> to vector<128x128xf32>
    %convert_element_type3A_100 = arith.truncf %convert_element_type3A_99 : vector<128x128xf32> to vector<128x128xbf16>
    %slice3A = vector.extract_strided_slice %concatenate3A {offsets = [0, 0], sizes = [128, 16], strides = [1, 1]} : vector<4096x16xf32> to vector<128x16xf32>
    %convert_element_type3A_101 = arith.truncf %slice3A : vector<128x16xf32> to vector<128x16xbf16>
    %dot_general3A_102 = arith.constant dense<0.000000e+00> : vector<128x16xf32>
    %dot_general3A_103 = tpu.matmul %convert_element_type3A_100, %convert_element_type3A_101, %dot_general3A_102 {dimension_numbers = #tpu.dot_dimension_numbers<[1], [0], [0], [1], [0, 0, 1, 1], [], []>, transpose_lhs_hint = false} : vector<128x128xbf16>, vector<128x16xbf16>, vector<128x16xf32> -> vector<128x16xf32>
    %add3A_104 = arith.addf %dot_general3A_103, %slice3A : vector<128x16xf32>
    %slice3A_105 = vector.extract_strided_slice %add3A_104 {offsets = [127, 0], sizes = [1, 16], strides = [1, 1]} : vector<128x16xf32> to vector<1x16xf32>
    %slice3A_106 = vector.extract_strided_slice %concatenate3A {offsets = [128, 0], sizes = [128, 16], strides = [1, 1]} : vector<4096x16xf32> to vector<128x16xf32>
    %convert_element_type3A_107 = arith.truncf %slice3A_106 : vector<128x16xf32> to vector<128x16xbf16>
    %dot_general3A_108 = arith.constant dense<0.000000e+00> : vector<128x16xf32>
    %dot_general3A_109 = tpu.matmul %convert_element_type3A_100, %convert_element_type3A_107, %dot_general3A_108 {dimension_numbers = #tpu.dot_dimension_numbers<[1], [0], [0], [1], [0, 0, 1, 1], [], []>, transpose_lhs_hint = false} : vector<128x128xbf16>, vector<128x16xbf16>, vector<128x16xf32> -> vector<128x16xf32>
    %add3A_110 = arith.addf %dot_general3A_109, %slice3A_106 : vector<128x16xf32>
    %slice3A_111 = vector.extract_strided_slice %add3A_110 {offsets = [127, 0], sizes = [1, 16], strides = [1, 1]} : vector<128x16xf32> to vector<1x16xf32>
    %slice3A_112 = vector.extract_strided_slice %concatenate3A {offsets = [256, 0], sizes = [128, 16], strides = [1, 1]} : vector<4096x16xf32> to vector<128x16xf32>
    %convert_element_type3A_113 = arith.truncf %slice3A_112 : vector<128x16xf32> to vector<128x16xbf16>
    %dot_general3A_114 = arith.constant dense<0.000000e+00> : vector<128x16xf32>
    %dot_general3A_115 = tpu.matmul %convert_element_type3A_100, %convert_element_type3A_113, %dot_general3A_114 {dimension_numbers = #tpu.dot_dimension_numbers<[1], [0], [0], [1], [0, 0, 1, 1], [], []>, transpose_lhs_hint = false} : vector<128x128xbf16>, vector<128x16xbf16>, vector<128x16xf32> -> vector<128x16xf32>
    %add3A_116 = arith.addf %dot_general3A_115, %slice3A_112 : vector<128x16xf32>
    %slice3A_117 = vector.extract_strided_slice %add3A_116 {offsets = [127, 0], sizes = [1, 16], strides = [1, 1]} : vector<128x16xf32> to vector<1x16xf32>
    %slice3A_118 = vector.extract_strided_slice %concatenate3A {offsets = [384, 0], sizes = [128, 16], strides = [1, 1]} : vector<4096x16xf32> to vector<128x16xf32>
    %convert_element_type3A_119 = arith.truncf %slice3A_118 : vector<128x16xf32> to vector<128x16xbf16>
    %dot_general3A_120 = arith.constant dense<0.000000e+00> : vector<128x16xf32>
    %dot_general3A_121 = tpu.matmul %convert_element_type3A_100, %convert_element_type3A_119, %dot_general3A_120 {dimension_numbers = #tpu.dot_dimension_numbers<[1], [0], [0], [1], [0, 0, 1, 1], [], []>, transpose_lhs_hint = false} : vector<128x128xbf16>, vector<128x16xbf16>, vector<128x16xf32> -> vector<128x16xf32>
    %add3A_122 = arith.addf %dot_general3A_121, %slice3A_118 : vector<128x16xf32>
    %slice3A_123 = vector.extract_strided_slice %add3A_122 {offsets = [127, 0], sizes = [1, 16], strides = [1, 1]} : vector<128x16xf32> to vector<1x16xf32>
    %slice3A_124 = vector.extract_strided_slice %concatenate3A {offsets = [512, 0], sizes = [128, 16], strides = [1, 1]} : vector<4096x16xf32> to vector<128x16xf32>
    %convert_element_type3A_125 = arith.truncf %slice3A_124 : vector<128x16xf32> to vector<128x16xbf16>
    %dot_general3A_126 = arith.constant dense<0.000000e+00> : vector<128x16xf32>
    %dot_general3A_127 = tpu.matmul %convert_element_type3A_100, %convert_element_type3A_125, %dot_general3A_126 {dimension_numbers = #tpu.dot_dimension_numbers<[1], [0], [0], [1], [0, 0, 1, 1], [], []>, transpose_lhs_hint = false} : vector<128x128xbf16>, vector<128x16xbf16>, vector<128x16xf32> -> vector<128x16xf32>
    %add3A_128 = arith.addf %dot_general3A_127, %slice3A_124 : vector<128x16xf32>
    %slice3A_129 = vector.extract_strided_slice %add3A_128 {offsets = [127, 0], sizes = [1, 16], strides = [1, 1]} : vector<128x16xf32> to vector<1x16xf32>
    %slice3A_130 = vector.extract_strided_slice %concatenate3A {offsets = [640, 0], sizes = [128, 16], strides = [1, 1]} : vector<4096x16xf32> to vector<128x16xf32>
    %convert_element_type3A_131 = arith.truncf %slice3A_130 : vector<128x16xf32> to vector<128x16xbf16>
    %dot_general3A_132 = arith.constant dense<0.000000e+00> : vector<128x16xf32>
    %dot_general3A_133 = tpu.matmul %convert_element_type3A_100, %convert_element_type3A_131, %dot_general3A_132 {dimension_numbers = #tpu.dot_dimension_numbers<[1], [0], [0], [1], [0, 0, 1, 1], [], []>, transpose_lhs_hint = false} : vector<128x128xbf16>, vector<128x16xbf16>, vector<128x16xf32> -> vector<128x16xf32>
    %add3A_134 = arith.addf %dot_general3A_133, %slice3A_130 : vector<128x16xf32>
    %slice3A_135 = vector.extract_strided_slice %add3A_134 {offsets = [127, 0], sizes = [1, 16], strides = [1, 1]} : vector<128x16xf32> to vector<1x16xf32>
    %slice3A_136 = vector.extract_strided_slice %concatenate3A {offsets = [768, 0], sizes = [128, 16], strides = [1, 1]} : vector<4096x16xf32> to vector<128x16xf32>
    %convert_element_type3A_137 = arith.truncf %slice3A_136 : vector<128x16xf32> to vector<128x16xbf16>
    %dot_general3A_138 = arith.constant dense<0.000000e+00> : vector<128x16xf32>
    %dot_general3A_139 = tpu.matmul %convert_element_type3A_100, %convert_element_type3A_137, %dot_general3A_138 {dimension_numbers = #tpu.dot_dimension_numbers<[1], [0], [0], [1], [0, 0, 1, 1], [], []>, transpose_lhs_hint = false} : vector<128x128xbf16>, vector<128x16xbf16>, vector<128x16xf32> -> vector<128x16xf32>
    %add3A_140 = arith.addf %dot_general3A_139, %slice3A_136 : vector<128x16xf32>
    %slice3A_141 = vector.extract_strided_slice %add3A_140 {offsets = [127, 0], sizes = [1, 16], strides = [1, 1]} : vector<128x16xf32> to vector<1x16xf32>
    %slice3A_142 = vector.extract_strided_slice %concatenate3A {offsets = [896, 0], sizes = [128, 16], strides = [1, 1]} : vector<4096x16xf32> to vector<128x16xf32>
    %convert_element_type3A_143 = arith.truncf %slice3A_142 : vector<128x16xf32> to vector<128x16xbf16>
    %dot_general3A_144 = arith.constant dense<0.000000e+00> : vector<128x16xf32>
    %dot_general3A_145 = tpu.matmul %convert_element_type3A_100, %convert_element_type3A_143, %dot_general3A_144 {dimension_numbers = #tpu.dot_dimension_numbers<[1], [0], [0], [1], [0, 0, 1, 1], [], []>, transpose_lhs_hint = false} : vector<128x128xbf16>, vector<128x16xbf16>, vector<128x16xf32> -> vector<128x16xf32>
    %add3A_146 = arith.addf %dot_general3A_145, %slice3A_142 : vector<128x16xf32>
    %slice3A_147 = vector.extract_strided_slice %add3A_146 {offsets = [127, 0], sizes = [1, 16], strides = [1, 1]} : vector<128x16xf32> to vector<1x16xf32>
    %slice3A_148 = vector.extract_strided_slice %concatenate3A {offsets = [1024, 0], sizes = [128, 16], strides = [1, 1]} : vector<4096x16xf32> to vector<128x16xf32>
    %convert_element_type3A_149 = arith.truncf %slice3A_148 : vector<128x16xf32> to vector<128x16xbf16>
    %dot_general3A_150 = arith.constant dense<0.000000e+00> : vector<128x16xf32>
    %dot_general3A_151 = tpu.matmul %convert_element_type3A_100, %convert_element_type3A_149, %dot_general3A_150 {dimension_numbers = #tpu.dot_dimension_numbers<[1], [0], [0], [1], [0, 0, 1, 1], [], []>, transpose_lhs_hint = false} : vector<128x128xbf16>, vector<128x16xbf16>, vector<128x16xf32> -> vector<128x16xf32>
    %add3A_152 = arith.addf %dot_general3A_151, %slice3A_148 : vector<128x16xf32>
    %slice3A_153 = vector.extract_strided_slice %add3A_152 {offsets = [127, 0], sizes = [1, 16], strides = [1, 1]} : vector<128x16xf32> to vector<1x16xf32>
    %slice3A_154 = vector.extract_strided_slice %concatenate3A {offsets = [1152, 0], sizes = [128, 16], strides = [1, 1]} : vector<4096x16xf32> to vector<128x16xf32>
    %convert_element_type3A_155 = arith.truncf %slice3A_154 : vector<128x16xf32> to vector<128x16xbf16>
    %dot_general3A_156 = arith.constant dense<0.000000e+00> : vector<128x16xf32>
    %dot_general3A_157 = tpu.matmul %convert_element_type3A_100, %convert_element_type3A_155, %dot_general3A_156 {dimension_numbers = #tpu.dot_dimension_numbers<[1], [0], [0], [1], [0, 0, 1, 1], [], []>, transpose_lhs_hint = false} : vector<128x128xbf16>, vector<128x16xbf16>, vector<128x16xf32> -> vector<128x16xf32>
    %add3A_158 = arith.addf %dot_general3A_157, %slice3A_154 : vector<128x16xf32>
    %slice3A_159 = vector.extract_strided_slice %add3A_158 {offsets = [127, 0], sizes = [1, 16], strides = [1, 1]} : vector<128x16xf32> to vector<1x16xf32>
    %slice3A_160 = vector.extract_strided_slice %concatenate3A {offsets = [1280, 0], sizes = [128, 16], strides = [1, 1]} : vector<4096x16xf32> to vector<128x16xf32>
    %convert_element_type3A_161 = arith.truncf %slice3A_160 : vector<128x16xf32> to vector<128x16xbf16>
    %dot_general3A_162 = arith.constant dense<0.000000e+00> : vector<128x16xf32>
    %dot_general3A_163 = tpu.matmul %convert_element_type3A_100, %convert_element_type3A_161, %dot_general3A_162 {dimension_numbers = #tpu.dot_dimension_numbers<[1], [0], [0], [1], [0, 0, 1, 1], [], []>, transpose_lhs_hint = false} : vector<128x128xbf16>, vector<128x16xbf16>, vector<128x16xf32> -> vector<128x16xf32>
    %add3A_164 = arith.addf %dot_general3A_163, %slice3A_160 : vector<128x16xf32>
    %slice3A_165 = vector.extract_strided_slice %add3A_164 {offsets = [127, 0], sizes = [1, 16], strides = [1, 1]} : vector<128x16xf32> to vector<1x16xf32>
    %slice3A_166 = vector.extract_strided_slice %concatenate3A {offsets = [1408, 0], sizes = [128, 16], strides = [1, 1]} : vector<4096x16xf32> to vector<128x16xf32>
    %convert_element_type3A_167 = arith.truncf %slice3A_166 : vector<128x16xf32> to vector<128x16xbf16>
    %dot_general3A_168 = arith.constant dense<0.000000e+00> : vector<128x16xf32>
    %dot_general3A_169 = tpu.matmul %convert_element_type3A_100, %convert_element_type3A_167, %dot_general3A_168 {dimension_numbers = #tpu.dot_dimension_numbers<[1], [0], [0], [1], [0, 0, 1, 1], [], []>, transpose_lhs_hint = false} : vector<128x128xbf16>, vector<128x16xbf16>, vector<128x16xf32> -> vector<128x16xf32>
    %add3A_170 = arith.addf %dot_general3A_169, %slice3A_166 : vector<128x16xf32>
    %slice3A_171 = vector.extract_strided_slice %add3A_170 {offsets = [127, 0], sizes = [1, 16], strides = [1, 1]} : vector<128x16xf32> to vector<1x16xf32>
    %slice3A_172 = vector.extract_strided_slice %concatenate3A {offsets = [1536, 0], sizes = [128, 16], strides = [1, 1]} : vector<4096x16xf32> to vector<128x16xf32>
    %convert_element_type3A_173 = arith.truncf %slice3A_172 : vector<128x16xf32> to vector<128x16xbf16>
    %dot_general3A_174 = arith.constant dense<0.000000e+00> : vector<128x16xf32>
    %dot_general3A_175 = tpu.matmul %convert_element_type3A_100, %convert_element_type3A_173, %dot_general3A_174 {dimension_numbers = #tpu.dot_dimension_numbers<[1], [0], [0], [1], [0, 0, 1, 1], [], []>, transpose_lhs_hint = false} : vector<128x128xbf16>, vector<128x16xbf16>, vector<128x16xf32> -> vector<128x16xf32>
    %add3A_176 = arith.addf %dot_general3A_175, %slice3A_172 : vector<128x16xf32>
    %slice3A_177 = vector.extract_strided_slice %add3A_176 {offsets = [127, 0], sizes = [1, 16], strides = [1, 1]} : vector<128x16xf32> to vector<1x16xf32>
    %slice3A_178 = vector.extract_strided_slice %concatenate3A {offsets = [1664, 0], sizes = [128, 16], strides = [1, 1]} : vector<4096x16xf32> to vector<128x16xf32>
    %convert_element_type3A_179 = arith.truncf %slice3A_178 : vector<128x16xf32> to vector<128x16xbf16>
    %dot_general3A_180 = arith.constant dense<0.000000e+00> : vector<128x16xf32>
    %dot_general3A_181 = tpu.matmul %convert_element_type3A_100, %convert_element_type3A_179, %dot_general3A_180 {dimension_numbers = #tpu.dot_dimension_numbers<[1], [0], [0], [1], [0, 0, 1, 1], [], []>, transpose_lhs_hint = false} : vector<128x128xbf16>, vector<128x16xbf16>, vector<128x16xf32> -> vector<128x16xf32>
    %add3A_182 = arith.addf %dot_general3A_181, %slice3A_178 : vector<128x16xf32>
    %slice3A_183 = vector.extract_strided_slice %add3A_182 {offsets = [127, 0], sizes = [1, 16], strides = [1, 1]} : vector<128x16xf32> to vector<1x16xf32>
    %slice3A_184 = vector.extract_strided_slice %concatenate3A {offsets = [1792, 0], sizes = [128, 16], strides = [1, 1]} : vector<4096x16xf32> to vector<128x16xf32>
    %convert_element_type3A_185 = arith.truncf %slice3A_184 : vector<128x16xf32> to vector<128x16xbf16>
    %dot_general3A_186 = arith.constant dense<0.000000e+00> : vector<128x16xf32>
    %dot_general3A_187 = tpu.matmul %convert_element_type3A_100, %convert_element_type3A_185, %dot_general3A_186 {dimension_numbers = #tpu.dot_dimension_numbers<[1], [0], [0], [1], [0, 0, 1, 1], [], []>, transpose_lhs_hint = false} : vector<128x128xbf16>, vector<128x16xbf16>, vector<128x16xf32> -> vector<128x16xf32>
    %add3A_188 = arith.addf %dot_general3A_187, %slice3A_184 : vector<128x16xf32>
    %slice3A_189 = vector.extract_strided_slice %add3A_188 {offsets = [127, 0], sizes = [1, 16], strides = [1, 1]} : vector<128x16xf32> to vector<1x16xf32>
    %slice3A_190 = vector.extract_strided_slice %concatenate3A {offsets = [1920, 0], sizes = [128, 16], strides = [1, 1]} : vector<4096x16xf32> to vector<128x16xf32>
    %convert_element_type3A_191 = arith.truncf %slice3A_190 : vector<128x16xf32> to vector<128x16xbf16>
    %dot_general3A_192 = arith.constant dense<0.000000e+00> : vector<128x16xf32>
    %dot_general3A_193 = tpu.matmul %convert_element_type3A_100, %convert_element_type3A_191, %dot_general3A_192 {dimension_numbers = #tpu.dot_dimension_numbers<[1], [0], [0], [1], [0, 0, 1, 1], [], []>, transpose_lhs_hint = false} : vector<128x128xbf16>, vector<128x16xbf16>, vector<128x16xf32> -> vector<128x16xf32>
    %add3A_194 = arith.addf %dot_general3A_193, %slice3A_190 : vector<128x16xf32>
    %slice3A_195 = vector.extract_strided_slice %add3A_194 {offsets = [127, 0], sizes = [1, 16], strides = [1, 1]} : vector<128x16xf32> to vector<1x16xf32>
    %slice3A_196 = vector.extract_strided_slice %concatenate3A {offsets = [2048, 0], sizes = [128, 16], strides = [1, 1]} : vector<4096x16xf32> to vector<128x16xf32>
    %convert_element_type3A_197 = arith.truncf %slice3A_196 : vector<128x16xf32> to vector<128x16xbf16>
    %dot_general3A_198 = arith.constant dense<0.000000e+00> : vector<128x16xf32>
    %dot_general3A_199 = tpu.matmul %convert_element_type3A_100, %convert_element_type3A_197, %dot_general3A_198 {dimension_numbers = #tpu.dot_dimension_numbers<[1], [0], [0], [1], [0, 0, 1, 1], [], []>, transpose_lhs_hint = false} : vector<128x128xbf16>, vector<128x16xbf16>, vector<128x16xf32> -> vector<128x16xf32>
    %add3A_200 = arith.addf %dot_general3A_199, %slice3A_196 : vector<128x16xf32>
    %slice3A_201 = vector.extract_strided_slice %add3A_200 {offsets = [127, 0], sizes = [1, 16], strides = [1, 1]} : vector<128x16xf32> to vector<1x16xf32>
    %slice3A_202 = vector.extract_strided_slice %concatenate3A {offsets = [2176, 0], sizes = [128, 16], strides = [1, 1]} : vector<4096x16xf32> to vector<128x16xf32>
    %convert_element_type3A_203 = arith.truncf %slice3A_202 : vector<128x16xf32> to vector<128x16xbf16>
    %dot_general3A_204 = arith.constant dense<0.000000e+00> : vector<128x16xf32>
    %dot_general3A_205 = tpu.matmul %convert_element_type3A_100, %convert_element_type3A_203, %dot_general3A_204 {dimension_numbers = #tpu.dot_dimension_numbers<[1], [0], [0], [1], [0, 0, 1, 1], [], []>, transpose_lhs_hint = false} : vector<128x128xbf16>, vector<128x16xbf16>, vector<128x16xf32> -> vector<128x16xf32>
    %add3A_206 = arith.addf %dot_general3A_205, %slice3A_202 : vector<128x16xf32>
    %slice3A_207 = vector.extract_strided_slice %add3A_206 {offsets = [127, 0], sizes = [1, 16], strides = [1, 1]} : vector<128x16xf32> to vector<1x16xf32>
    %slice3A_208 = vector.extract_strided_slice %concatenate3A {offsets = [2304, 0], sizes = [128, 16], strides = [1, 1]} : vector<4096x16xf32> to vector<128x16xf32>
    %convert_element_type3A_209 = arith.truncf %slice3A_208 : vector<128x16xf32> to vector<128x16xbf16>
    %dot_general3A_210 = arith.constant dense<0.000000e+00> : vector<128x16xf32>
    %dot_general3A_211 = tpu.matmul %convert_element_type3A_100, %convert_element_type3A_209, %dot_general3A_210 {dimension_numbers = #tpu.dot_dimension_numbers<[1], [0], [0], [1], [0, 0, 1, 1], [], []>, transpose_lhs_hint = false} : vector<128x128xbf16>, vector<128x16xbf16>, vector<128x16xf32> -> vector<128x16xf32>
    %add3A_212 = arith.addf %dot_general3A_211, %slice3A_208 : vector<128x16xf32>
    %slice3A_213 = vector.extract_strided_slice %add3A_212 {offsets = [127, 0], sizes = [1, 16], strides = [1, 1]} : vector<128x16xf32> to vector<1x16xf32>
    %slice3A_214 = vector.extract_strided_slice %concatenate3A {offsets = [2432, 0], sizes = [128, 16], strides = [1, 1]} : vector<4096x16xf32> to vector<128x16xf32>
    %convert_element_type3A_215 = arith.truncf %slice3A_214 : vector<128x16xf32> to vector<128x16xbf16>
    %dot_general3A_216 = arith.constant dense<0.000000e+00> : vector<128x16xf32>
    %dot_general3A_217 = tpu.matmul %convert_element_type3A_100, %convert_element_type3A_215, %dot_general3A_216 {dimension_numbers = #tpu.dot_dimension_numbers<[1], [0], [0], [1], [0, 0, 1, 1], [], []>, transpose_lhs_hint = false} : vector<128x128xbf16>, vector<128x16xbf16>, vector<128x16xf32> -> vector<128x16xf32>
    %add3A_218 = arith.addf %dot_general3A_217, %slice3A_214 : vector<128x16xf32>
    %slice3A_219 = vector.extract_strided_slice %add3A_218 {offsets = [127, 0], sizes = [1, 16], strides = [1, 1]} : vector<128x16xf32> to vector<1x16xf32>
    %slice3A_220 = vector.extract_strided_slice %concatenate3A {offsets = [2560, 0], sizes = [128, 16], strides = [1, 1]} : vector<4096x16xf32> to vector<128x16xf32>
    %convert_element_type3A_221 = arith.truncf %slice3A_220 : vector<128x16xf32> to vector<128x16xbf16>
    %dot_general3A_222 = arith.constant dense<0.000000e+00> : vector<128x16xf32>
    %dot_general3A_223 = tpu.matmul %convert_element_type3A_100, %convert_element_type3A_221, %dot_general3A_222 {dimension_numbers = #tpu.dot_dimension_numbers<[1], [0], [0], [1], [0, 0, 1, 1], [], []>, transpose_lhs_hint = false} : vector<128x128xbf16>, vector<128x16xbf16>, vector<128x16xf32> -> vector<128x16xf32>
    %add3A_224 = arith.addf %dot_general3A_223, %slice3A_220 : vector<128x16xf32>
    %slice3A_225 = vector.extract_strided_slice %add3A_224 {offsets = [127, 0], sizes = [1, 16], strides = [1, 1]} : vector<128x16xf32> to vector<1x16xf32>
    %slice3A_226 = vector.extract_strided_slice %concatenate3A {offsets = [2688, 0], sizes = [128, 16], strides = [1, 1]} : vector<4096x16xf32> to vector<128x16xf32>
    %convert_element_type3A_227 = arith.truncf %slice3A_226 : vector<128x16xf32> to vector<128x16xbf16>
    %dot_general3A_228 = arith.constant dense<0.000000e+00> : vector<128x16xf32>
    %dot_general3A_229 = tpu.matmul %convert_element_type3A_100, %convert_element_type3A_227, %dot_general3A_228 {dimension_numbers = #tpu.dot_dimension_numbers<[1], [0], [0], [1], [0, 0, 1, 1], [], []>, transpose_lhs_hint = false} : vector<128x128xbf16>, vector<128x16xbf16>, vector<128x16xf32> -> vector<128x16xf32>
    %add3A_230 = arith.addf %dot_general3A_229, %slice3A_226 : vector<128x16xf32>
    %slice3A_231 = vector.extract_strided_slice %add3A_230 {offsets = [127, 0], sizes = [1, 16], strides = [1, 1]} : vector<128x16xf32> to vector<1x16xf32>
    %slice3A_232 = vector.extract_strided_slice %concatenate3A {offsets = [2816, 0], sizes = [128, 16], strides = [1, 1]} : vector<4096x16xf32> to vector<128x16xf32>
    %convert_element_type3A_233 = arith.truncf %slice3A_232 : vector<128x16xf32> to vector<128x16xbf16>
    %dot_general3A_234 = arith.constant dense<0.000000e+00> : vector<128x16xf32>
    %dot_general3A_235 = tpu.matmul %convert_element_type3A_100, %convert_element_type3A_233, %dot_general3A_234 {dimension_numbers = #tpu.dot_dimension_numbers<[1], [0], [0], [1], [0, 0, 1, 1], [], []>, transpose_lhs_hint = false} : vector<128x128xbf16>, vector<128x16xbf16>, vector<128x16xf32> -> vector<128x16xf32>
    %add3A_236 = arith.addf %dot_general3A_235, %slice3A_232 : vector<128x16xf32>
    %slice3A_237 = vector.extract_strided_slice %add3A_236 {offsets = [127, 0], sizes = [1, 16], strides = [1, 1]} : vector<128x16xf32> to vector<1x16xf32>
    %slice3A_238 = vector.extract_strided_slice %concatenate3A {offsets = [2944, 0], sizes = [128, 16], strides = [1, 1]} : vector<4096x16xf32> to vector<128x16xf32>
    %convert_element_type3A_239 = arith.truncf %slice3A_238 : vector<128x16xf32> to vector<128x16xbf16>
    %dot_general3A_240 = arith.constant dense<0.000000e+00> : vector<128x16xf32>
    %dot_general3A_241 = tpu.matmul %convert_element_type3A_100, %convert_element_type3A_239, %dot_general3A_240 {dimension_numbers = #tpu.dot_dimension_numbers<[1], [0], [0], [1], [0, 0, 1, 1], [], []>, transpose_lhs_hint = false} : vector<128x128xbf16>, vector<128x16xbf16>, vector<128x16xf32> -> vector<128x16xf32>
    %add3A_242 = arith.addf %dot_general3A_241, %slice3A_238 : vector<128x16xf32>
    %slice3A_243 = vector.extract_strided_slice %add3A_242 {offsets = [127, 0], sizes = [1, 16], strides = [1, 1]} : vector<128x16xf32> to vector<1x16xf32>
    %slice3A_244 = vector.extract_strided_slice %concatenate3A {offsets = [3072, 0], sizes = [128, 16], strides = [1, 1]} : vector<4096x16xf32> to vector<128x16xf32>
    %convert_element_type3A_245 = arith.truncf %slice3A_244 : vector<128x16xf32> to vector<128x16xbf16>
    %dot_general3A_246 = arith.constant dense<0.000000e+00> : vector<128x16xf32>
    %dot_general3A_247 = tpu.matmul %convert_element_type3A_100, %convert_element_type3A_245, %dot_general3A_246 {dimension_numbers = #tpu.dot_dimension_numbers<[1], [0], [0], [1], [0, 0, 1, 1], [], []>, transpose_lhs_hint = false} : vector<128x128xbf16>, vector<128x16xbf16>, vector<128x16xf32> -> vector<128x16xf32>
    %add3A_248 = arith.addf %dot_general3A_247, %slice3A_244 : vector<128x16xf32>
    %slice3A_249 = vector.extract_strided_slice %add3A_248 {offsets = [127, 0], sizes = [1, 16], strides = [1, 1]} : vector<128x16xf32> to vector<1x16xf32>
    %slice3A_250 = vector.extract_strided_slice %concatenate3A {offsets = [3200, 0], sizes = [128, 16], strides = [1, 1]} : vector<4096x16xf32> to vector<128x16xf32>
    %convert_element_type3A_251 = arith.truncf %slice3A_250 : vector<128x16xf32> to vector<128x16xbf16>
    %dot_general3A_252 = arith.constant dense<0.000000e+00> : vector<128x16xf32>
    %dot_general3A_253 = tpu.matmul %convert_element_type3A_100, %convert_element_type3A_251, %dot_general3A_252 {dimension_numbers = #tpu.dot_dimension_numbers<[1], [0], [0], [1], [0, 0, 1, 1], [], []>, transpose_lhs_hint = false} : vector<128x128xbf16>, vector<128x16xbf16>, vector<128x16xf32> -> vector<128x16xf32>
    %add3A_254 = arith.addf %dot_general3A_253, %slice3A_250 : vector<128x16xf32>
    %slice3A_255 = vector.extract_strided_slice %add3A_254 {offsets = [127, 0], sizes = [1, 16], strides = [1, 1]} : vector<128x16xf32> to vector<1x16xf32>
    %slice3A_256 = vector.extract_strided_slice %concatenate3A {offsets = [3328, 0], sizes = [128, 16], strides = [1, 1]} : vector<4096x16xf32> to vector<128x16xf32>
    %convert_element_type3A_257 = arith.truncf %slice3A_256 : vector<128x16xf32> to vector<128x16xbf16>
    %dot_general3A_258 = arith.constant dense<0.000000e+00> : vector<128x16xf32>
    %dot_general3A_259 = tpu.matmul %convert_element_type3A_100, %convert_element_type3A_257, %dot_general3A_258 {dimension_numbers = #tpu.dot_dimension_numbers<[1], [0], [0], [1], [0, 0, 1, 1], [], []>, transpose_lhs_hint = false} : vector<128x128xbf16>, vector<128x16xbf16>, vector<128x16xf32> -> vector<128x16xf32>
    %add3A_260 = arith.addf %dot_general3A_259, %slice3A_256 : vector<128x16xf32>
    %slice3A_261 = vector.extract_strided_slice %add3A_260 {offsets = [127, 0], sizes = [1, 16], strides = [1, 1]} : vector<128x16xf32> to vector<1x16xf32>
    %slice3A_262 = vector.extract_strided_slice %concatenate3A {offsets = [3456, 0], sizes = [128, 16], strides = [1, 1]} : vector<4096x16xf32> to vector<128x16xf32>
    %convert_element_type3A_263 = arith.truncf %slice3A_262 : vector<128x16xf32> to vector<128x16xbf16>
    %dot_general3A_264 = arith.constant dense<0.000000e+00> : vector<128x16xf32>
    %dot_general3A_265 = tpu.matmul %convert_element_type3A_100, %convert_element_type3A_263, %dot_general3A_264 {dimension_numbers = #tpu.dot_dimension_numbers<[1], [0], [0], [1], [0, 0, 1, 1], [], []>, transpose_lhs_hint = false} : vector<128x128xbf16>, vector<128x16xbf16>, vector<128x16xf32> -> vector<128x16xf32>
    %add3A_266 = arith.addf %dot_general3A_265, %slice3A_262 : vector<128x16xf32>
    %slice3A_267 = vector.extract_strided_slice %add3A_266 {offsets = [127, 0], sizes = [1, 16], strides = [1, 1]} : vector<128x16xf32> to vector<1x16xf32>
    %slice3A_268 = vector.extract_strided_slice %concatenate3A {offsets = [3584, 0], sizes = [128, 16], strides = [1, 1]} : vector<4096x16xf32> to vector<128x16xf32>
    %convert_element_type3A_269 = arith.truncf %slice3A_268 : vector<128x16xf32> to vector<128x16xbf16>
    %dot_general3A_270 = arith.constant dense<0.000000e+00> : vector<128x16xf32>
    %dot_general3A_271 = tpu.matmul %convert_element_type3A_100, %convert_element_type3A_269, %dot_general3A_270 {dimension_numbers = #tpu.dot_dimension_numbers<[1], [0], [0], [1], [0, 0, 1, 1], [], []>, transpose_lhs_hint = false} : vector<128x128xbf16>, vector<128x16xbf16>, vector<128x16xf32> -> vector<128x16xf32>
    %add3A_272 = arith.addf %dot_general3A_271, %slice3A_268 : vector<128x16xf32>
    %slice3A_273 = vector.extract_strided_slice %add3A_272 {offsets = [127, 0], sizes = [1, 16], strides = [1, 1]} : vector<128x16xf32> to vector<1x16xf32>
    %slice3A_274 = vector.extract_strided_slice %concatenate3A {offsets = [3712, 0], sizes = [128, 16], strides = [1, 1]} : vector<4096x16xf32> to vector<128x16xf32>
    %convert_element_type3A_275 = arith.truncf %slice3A_274 : vector<128x16xf32> to vector<128x16xbf16>
    %dot_general3A_276 = arith.constant dense<0.000000e+00> : vector<128x16xf32>
    %dot_general3A_277 = tpu.matmul %convert_element_type3A_100, %convert_element_type3A_275, %dot_general3A_276 {dimension_numbers = #tpu.dot_dimension_numbers<[1], [0], [0], [1], [0, 0, 1, 1], [], []>, transpose_lhs_hint = false} : vector<128x128xbf16>, vector<128x16xbf16>, vector<128x16xf32> -> vector<128x16xf32>
    %add3A_278 = arith.addf %dot_general3A_277, %slice3A_274 : vector<128x16xf32>
    %slice3A_279 = vector.extract_strided_slice %add3A_278 {offsets = [127, 0], sizes = [1, 16], strides = [1, 1]} : vector<128x16xf32> to vector<1x16xf32>
    %slice3A_280 = vector.extract_strided_slice %concatenate3A {offsets = [3840, 0], sizes = [128, 16], strides = [1, 1]} : vector<4096x16xf32> to vector<128x16xf32>
    %convert_element_type3A_281 = arith.truncf %slice3A_280 : vector<128x16xf32> to vector<128x16xbf16>
    %dot_general3A_282 = arith.constant dense<0.000000e+00> : vector<128x16xf32>
    %dot_general3A_283 = tpu.matmul %convert_element_type3A_100, %convert_element_type3A_281, %dot_general3A_282 {dimension_numbers = #tpu.dot_dimension_numbers<[1], [0], [0], [1], [0, 0, 1, 1], [], []>, transpose_lhs_hint = false} : vector<128x128xbf16>, vector<128x16xbf16>, vector<128x16xf32> -> vector<128x16xf32>
    %add3A_284 = arith.addf %dot_general3A_283, %slice3A_280 : vector<128x16xf32>
    %slice3A_285 = vector.extract_strided_slice %add3A_284 {offsets = [127, 0], sizes = [1, 16], strides = [1, 1]} : vector<128x16xf32> to vector<1x16xf32>
    %slice3A_286 = vector.extract_strided_slice %concatenate3A {offsets = [3968, 0], sizes = [128, 16], strides = [1, 1]} : vector<4096x16xf32> to vector<128x16xf32>
    %convert_element_type3A_287 = arith.truncf %slice3A_286 : vector<128x16xf32> to vector<128x16xbf16>
    %dot_general3A_288 = arith.constant dense<0.000000e+00> : vector<128x16xf32>
    %dot_general3A_289 = tpu.matmul %convert_element_type3A_100, %convert_element_type3A_287, %dot_general3A_288 {dimension_numbers = #tpu.dot_dimension_numbers<[1], [0], [0], [1], [0, 0, 1, 1], [], []>, transpose_lhs_hint = false} : vector<128x128xbf16>, vector<128x16xbf16>, vector<128x16xf32> -> vector<128x16xf32>
    %add3A_290 = arith.addf %dot_general3A_289, %slice3A_286 : vector<128x16xf32>
    %slice3A_291 = vector.extract_strided_slice %add3A_290 {offsets = [127, 0], sizes = [1, 16], strides = [1, 1]} : vector<128x16xf32> to vector<1x16xf32>
    %concatenate3A_292 = tpu.concatenate %slice3A_105, %slice3A_111, %slice3A_117, %slice3A_123, %slice3A_129, %slice3A_135, %slice3A_141, %slice3A_147, %slice3A_153, %slice3A_159, %slice3A_165, %slice3A_171, %slice3A_177, %slice3A_183, %slice3A_189, %slice3A_195, %slice3A_201, %slice3A_207, %slice3A_213, %slice3A_219, %slice3A_225, %slice3A_231, %slice3A_237, %slice3A_243, %slice3A_249, %slice3A_255, %slice3A_261, %slice3A_267, %slice3A_273, %slice3A_279, %slice3A_285, %slice3A_291 in 0 : vector<1x16xf32>, vector<1x16xf32>, vector<1x16xf32>, vector<1x16xf32>, vector<1x16xf32>, vector<1x16xf32>, vector<1x16xf32>, vector<1x16xf32>, vector<1x16xf32>, vector<1x16xf32>, vector<1x16xf32>, vector<1x16xf32>, vector<1x16xf32>, vector<1x16xf32>, vector<1x16xf32>, vector<1x16xf32>, vector<1x16xf32>, vector<1x16xf32>, vector<1x16xf32>, vector<1x16xf32>, vector<1x16xf32>, vector<1x16xf32>, vector<1x16xf32>, vector<1x16xf32>, vector<1x16xf32>, vector<1x16xf32>, vector<1x16xf32>, vector<1x16xf32>, vector<1x16xf32>, vector<1x16xf32>, vector<1x16xf32>, vector<1x16xf32> -> vector<32x16xf32>
    %iota3A_293 = tpu.iota {dimensions = array<i32: 0>} : vector<32x32xi32>
    %iota3A_294 = tpu.iota {dimensions = array<i32: 1>} : vector<32x32xi32>
    %lt3A_295 = arith.cmpi slt, %iota3A_294, %iota3A_293 : vector<32x32xi32>
    %convert_element_type3A_296 = arith.extui %lt3A_295 : vector<32x32xi1> to vector<32x32xi32>
    %convert_element_type3A_297 = arith.sitofp %convert_element_type3A_296 : vector<32x32xi32> to vector<32x32xf32>
    %dot_general3A_298 = arith.constant dense<0.000000e+00> : vector<32x16xf32>
    %dot_general3A_299 = tpu.matmul %convert_element_type3A_297, %concatenate3A_292, %dot_general3A_298 {dimension_numbers = #tpu.dot_dimension_numbers<[1], [0], [0], [1], [0, 0, 1, 1], [], []>, transpose_lhs_hint = false} : vector<32x32xf32>, vector<32x16xf32>, vector<32x16xf32> -> vector<32x16xf32>
    %slice3A_300 = vector.extract_strided_slice %dot_general3A_299 {offsets = [0, 0], sizes = [1, 16], strides = [1, 1]} : vector<32x16xf32> to vector<1x16xf32>
    %add3A_301 = vector.broadcast %slice3A_300 : vector<1x16xf32> to vector<128x16xf32>
    %add3A_302 = arith.addf %dot_general3A_103, %add3A_301 : vector<128x16xf32>
    %slice3A_303 = vector.extract_strided_slice %dot_general3A_299 {offsets = [1, 0], sizes = [1, 16], strides = [1, 1]} : vector<32x16xf32> to vector<1x16xf32>
    %add3A_304 = vector.broadcast %slice3A_303 : vector<1x16xf32> to vector<128x16xf32>
    %add3A_305 = arith.addf %dot_general3A_109, %add3A_304 : vector<128x16xf32>
    %slice3A_306 = vector.extract_strided_slice %dot_general3A_299 {offsets = [2, 0], sizes = [1, 16], strides = [1, 1]} : vector<32x16xf32> to vector<1x16xf32>
    %add3A_307 = vector.broadcast %slice3A_306 : vector<1x16xf32> to vector<128x16xf32>
    %add3A_308 = arith.addf %dot_general3A_115, %add3A_307 : vector<128x16xf32>
    %slice3A_309 = vector.extract_strided_slice %dot_general3A_299 {offsets = [3, 0], sizes = [1, 16], strides = [1, 1]} : vector<32x16xf32> to vector<1x16xf32>
    %add3A_310 = vector.broadcast %slice3A_309 : vector<1x16xf32> to vector<128x16xf32>
    %add3A_311 = arith.addf %dot_general3A_121, %add3A_310 : vector<128x16xf32>
    %slice3A_312 = vector.extract_strided_slice %dot_general3A_299 {offsets = [4, 0], sizes = [1, 16], strides = [1, 1]} : vector<32x16xf32> to vector<1x16xf32>
    %add3A_313 = vector.broadcast %slice3A_312 : vector<1x16xf32> to vector<128x16xf32>
    %add3A_314 = arith.addf %dot_general3A_127, %add3A_313 : vector<128x16xf32>
    %slice3A_315 = vector.extract_strided_slice %dot_general3A_299 {offsets = [5, 0], sizes = [1, 16], strides = [1, 1]} : vector<32x16xf32> to vector<1x16xf32>
    %add3A_316 = vector.broadcast %slice3A_315 : vector<1x16xf32> to vector<128x16xf32>
    %add3A_317 = arith.addf %dot_general3A_133, %add3A_316 : vector<128x16xf32>
    %slice3A_318 = vector.extract_strided_slice %dot_general3A_299 {offsets = [6, 0], sizes = [1, 16], strides = [1, 1]} : vector<32x16xf32> to vector<1x16xf32>
    %add3A_319 = vector.broadcast %slice3A_318 : vector<1x16xf32> to vector<128x16xf32>
    %add3A_320 = arith.addf %dot_general3A_139, %add3A_319 : vector<128x16xf32>
    %slice3A_321 = vector.extract_strided_slice %dot_general3A_299 {offsets = [7, 0], sizes = [1, 16], strides = [1, 1]} : vector<32x16xf32> to vector<1x16xf32>
    %add3A_322 = vector.broadcast %slice3A_321 : vector<1x16xf32> to vector<128x16xf32>
    %add3A_323 = arith.addf %dot_general3A_145, %add3A_322 : vector<128x16xf32>
    %slice3A_324 = vector.extract_strided_slice %dot_general3A_299 {offsets = [8, 0], sizes = [1, 16], strides = [1, 1]} : vector<32x16xf32> to vector<1x16xf32>
    %add3A_325 = vector.broadcast %slice3A_324 : vector<1x16xf32> to vector<128x16xf32>
    %add3A_326 = arith.addf %dot_general3A_151, %add3A_325 : vector<128x16xf32>
    %slice3A_327 = vector.extract_strided_slice %dot_general3A_299 {offsets = [9, 0], sizes = [1, 16], strides = [1, 1]} : vector<32x16xf32> to vector<1x16xf32>
    %add3A_328 = vector.broadcast %slice3A_327 : vector<1x16xf32> to vector<128x16xf32>
    %add3A_329 = arith.addf %dot_general3A_157, %add3A_328 : vector<128x16xf32>
    %slice3A_330 = vector.extract_strided_slice %dot_general3A_299 {offsets = [10, 0], sizes = [1, 16], strides = [1, 1]} : vector<32x16xf32> to vector<1x16xf32>
    %add3A_331 = vector.broadcast %slice3A_330 : vector<1x16xf32> to vector<128x16xf32>
    %add3A_332 = arith.addf %dot_general3A_163, %add3A_331 : vector<128x16xf32>
    %slice3A_333 = vector.extract_strided_slice %dot_general3A_299 {offsets = [11, 0], sizes = [1, 16], strides = [1, 1]} : vector<32x16xf32> to vector<1x16xf32>
    %add3A_334 = vector.broadcast %slice3A_333 : vector<1x16xf32> to vector<128x16xf32>
    %add3A_335 = arith.addf %dot_general3A_169, %add3A_334 : vector<128x16xf32>
    %slice3A_336 = vector.extract_strided_slice %dot_general3A_299 {offsets = [12, 0], sizes = [1, 16], strides = [1, 1]} : vector<32x16xf32> to vector<1x16xf32>
    %add3A_337 = vector.broadcast %slice3A_336 : vector<1x16xf32> to vector<128x16xf32>
    %add3A_338 = arith.addf %dot_general3A_175, %add3A_337 : vector<128x16xf32>
    %slice3A_339 = vector.extract_strided_slice %dot_general3A_299 {offsets = [13, 0], sizes = [1, 16], strides = [1, 1]} : vector<32x16xf32> to vector<1x16xf32>
    %add3A_340 = vector.broadcast %slice3A_339 : vector<1x16xf32> to vector<128x16xf32>
    %add3A_341 = arith.addf %dot_general3A_181, %add3A_340 : vector<128x16xf32>
    %slice3A_342 = vector.extract_strided_slice %dot_general3A_299 {offsets = [14, 0], sizes = [1, 16], strides = [1, 1]} : vector<32x16xf32> to vector<1x16xf32>
    %add3A_343 = vector.broadcast %slice3A_342 : vector<1x16xf32> to vector<128x16xf32>
    %add3A_344 = arith.addf %dot_general3A_187, %add3A_343 : vector<128x16xf32>
    %slice3A_345 = vector.extract_strided_slice %dot_general3A_299 {offsets = [15, 0], sizes = [1, 16], strides = [1, 1]} : vector<32x16xf32> to vector<1x16xf32>
    %add3A_346 = vector.broadcast %slice3A_345 : vector<1x16xf32> to vector<128x16xf32>
    %add3A_347 = arith.addf %dot_general3A_193, %add3A_346 : vector<128x16xf32>
    %slice3A_348 = vector.extract_strided_slice %dot_general3A_299 {offsets = [16, 0], sizes = [1, 16], strides = [1, 1]} : vector<32x16xf32> to vector<1x16xf32>
    %add3A_349 = vector.broadcast %slice3A_348 : vector<1x16xf32> to vector<128x16xf32>
    %add3A_350 = arith.addf %dot_general3A_199, %add3A_349 : vector<128x16xf32>
    %slice3A_351 = vector.extract_strided_slice %dot_general3A_299 {offsets = [17, 0], sizes = [1, 16], strides = [1, 1]} : vector<32x16xf32> to vector<1x16xf32>
    %add3A_352 = vector.broadcast %slice3A_351 : vector<1x16xf32> to vector<128x16xf32>
    %add3A_353 = arith.addf %dot_general3A_205, %add3A_352 : vector<128x16xf32>
    %slice3A_354 = vector.extract_strided_slice %dot_general3A_299 {offsets = [18, 0], sizes = [1, 16], strides = [1, 1]} : vector<32x16xf32> to vector<1x16xf32>
    %add3A_355 = vector.broadcast %slice3A_354 : vector<1x16xf32> to vector<128x16xf32>
    %add3A_356 = arith.addf %dot_general3A_211, %add3A_355 : vector<128x16xf32>
    %slice3A_357 = vector.extract_strided_slice %dot_general3A_299 {offsets = [19, 0], sizes = [1, 16], strides = [1, 1]} : vector<32x16xf32> to vector<1x16xf32>
    %add3A_358 = vector.broadcast %slice3A_357 : vector<1x16xf32> to vector<128x16xf32>
    %add3A_359 = arith.addf %dot_general3A_217, %add3A_358 : vector<128x16xf32>
    %slice3A_360 = vector.extract_strided_slice %dot_general3A_299 {offsets = [20, 0], sizes = [1, 16], strides = [1, 1]} : vector<32x16xf32> to vector<1x16xf32>
    %add3A_361 = vector.broadcast %slice3A_360 : vector<1x16xf32> to vector<128x16xf32>
    %add3A_362 = arith.addf %dot_general3A_223, %add3A_361 : vector<128x16xf32>
    %slice3A_363 = vector.extract_strided_slice %dot_general3A_299 {offsets = [21, 0], sizes = [1, 16], strides = [1, 1]} : vector<32x16xf32> to vector<1x16xf32>
    %add3A_364 = vector.broadcast %slice3A_363 : vector<1x16xf32> to vector<128x16xf32>
    %add3A_365 = arith.addf %dot_general3A_229, %add3A_364 : vector<128x16xf32>
    %slice3A_366 = vector.extract_strided_slice %dot_general3A_299 {offsets = [22, 0], sizes = [1, 16], strides = [1, 1]} : vector<32x16xf32> to vector<1x16xf32>
    %add3A_367 = vector.broadcast %slice3A_366 : vector<1x16xf32> to vector<128x16xf32>
    %add3A_368 = arith.addf %dot_general3A_235, %add3A_367 : vector<128x16xf32>
    %slice3A_369 = vector.extract_strided_slice %dot_general3A_299 {offsets = [23, 0], sizes = [1, 16], strides = [1, 1]} : vector<32x16xf32> to vector<1x16xf32>
    %add3A_370 = vector.broadcast %slice3A_369 : vector<1x16xf32> to vector<128x16xf32>
    %add3A_371 = arith.addf %dot_general3A_241, %add3A_370 : vector<128x16xf32>
    %slice3A_372 = vector.extract_strided_slice %dot_general3A_299 {offsets = [24, 0], sizes = [1, 16], strides = [1, 1]} : vector<32x16xf32> to vector<1x16xf32>
    %add3A_373 = vector.broadcast %slice3A_372 : vector<1x16xf32> to vector<128x16xf32>
    %add3A_374 = arith.addf %dot_general3A_247, %add3A_373 : vector<128x16xf32>
    %slice3A_375 = vector.extract_strided_slice %dot_general3A_299 {offsets = [25, 0], sizes = [1, 16], strides = [1, 1]} : vector<32x16xf32> to vector<1x16xf32>
    %add3A_376 = vector.broadcast %slice3A_375 : vector<1x16xf32> to vector<128x16xf32>
    %add3A_377 = arith.addf %dot_general3A_253, %add3A_376 : vector<128x16xf32>
    %slice3A_378 = vector.extract_strided_slice %dot_general3A_299 {offsets = [26, 0], sizes = [1, 16], strides = [1, 1]} : vector<32x16xf32> to vector<1x16xf32>
    %add3A_379 = vector.broadcast %slice3A_378 : vector<1x16xf32> to vector<128x16xf32>
    %add3A_380 = arith.addf %dot_general3A_259, %add3A_379 : vector<128x16xf32>
    %slice3A_381 = vector.extract_strided_slice %dot_general3A_299 {offsets = [27, 0], sizes = [1, 16], strides = [1, 1]} : vector<32x16xf32> to vector<1x16xf32>
    %add3A_382 = vector.broadcast %slice3A_381 : vector<1x16xf32> to vector<128x16xf32>
    %add3A_383 = arith.addf %dot_general3A_265, %add3A_382 : vector<128x16xf32>
    %slice3A_384 = vector.extract_strided_slice %dot_general3A_299 {offsets = [28, 0], sizes = [1, 16], strides = [1, 1]} : vector<32x16xf32> to vector<1x16xf32>
    %add3A_385 = vector.broadcast %slice3A_384 : vector<1x16xf32> to vector<128x16xf32>
    %add3A_386 = arith.addf %dot_general3A_271, %add3A_385 : vector<128x16xf32>
    %slice3A_387 = vector.extract_strided_slice %dot_general3A_299 {offsets = [29, 0], sizes = [1, 16], strides = [1, 1]} : vector<32x16xf32> to vector<1x16xf32>
    %add3A_388 = vector.broadcast %slice3A_387 : vector<1x16xf32> to vector<128x16xf32>
    %add3A_389 = arith.addf %dot_general3A_277, %add3A_388 : vector<128x16xf32>
    %slice3A_390 = vector.extract_strided_slice %dot_general3A_299 {offsets = [30, 0], sizes = [1, 16], strides = [1, 1]} : vector<32x16xf32> to vector<1x16xf32>
    %add3A_391 = vector.broadcast %slice3A_390 : vector<1x16xf32> to vector<128x16xf32>
    %add3A_392 = arith.addf %dot_general3A_283, %add3A_391 : vector<128x16xf32>
    %slice3A_393 = vector.extract_strided_slice %dot_general3A_299 {offsets = [31, 0], sizes = [1, 16], strides = [1, 1]} : vector<32x16xf32> to vector<1x16xf32>
    %add3A_394 = vector.broadcast %slice3A_393 : vector<1x16xf32> to vector<128x16xf32>
    %add3A_395 = arith.addf %dot_general3A_289, %add3A_394 : vector<128x16xf32>
    %concatenate3A_396 = tpu.concatenate %add3A_302, %add3A_305, %add3A_308, %add3A_311, %add3A_314, %add3A_317, %add3A_320, %add3A_323, %add3A_326, %add3A_329, %add3A_332, %add3A_335, %add3A_338, %add3A_341, %add3A_344, %add3A_347, %add3A_350, %add3A_353, %add3A_356, %add3A_359, %add3A_362, %add3A_365, %add3A_368, %add3A_371, %add3A_374, %add3A_377, %add3A_380, %add3A_383, %add3A_386, %add3A_389, %add3A_392, %add3A_395 in 0 : vector<128x16xf32>, vector<128x16xf32>, vector<128x16xf32>, vector<128x16xf32>, vector<128x16xf32>, vector<128x16xf32>, vector<128x16xf32>, vector<128x16xf32>, vector<128x16xf32>, vector<128x16xf32>, vector<128x16xf32>, vector<128x16xf32>, vector<128x16xf32>, vector<128x16xf32>, vector<128x16xf32>, vector<128x16xf32>, vector<128x16xf32>, vector<128x16xf32>, vector<128x16xf32>, vector<128x16xf32>, vector<128x16xf32>, vector<128x16xf32>, vector<128x16xf32>, vector<128x16xf32>, vector<128x16xf32>, vector<128x16xf32>, vector<128x16xf32>, vector<128x16xf32>, vector<128x16xf32>, vector<128x16xf32>, vector<128x16xf32>, vector<128x16xf32> -> vector<4096x16xf32>
    %add3A_397 = vector.broadcast %dot_general3A_88 : vector<1x16xf32> to vector<4096x16xf32>
    %add3A_398 = arith.addf %concatenate3A_396, %add3A_397 : vector<4096x16xf32>
    %mul3A_399 = arith.mulf %add3A_398, %concatenate3A : vector<4096x16xf32>
    %broadcast_in_dim3A_400 = arith.constant 1.000000e+00 : f32
    %broadcast_in_dim3A_401 = vector.broadcast %broadcast_in_dim3A_400 : f32 to vector<16x1xf32>
    %dot_general3A_402 = arith.constant dense<0.000000e+00> : vector<4096x1xf32>
    %dot_general3A_403 = tpu.matmul %mul3A_399, %broadcast_in_dim3A_401, %dot_general3A_402 {dimension_numbers = #tpu.dot_dimension_numbers<[1], [0], [0], [1], [0, 0, 1, 1], [], []>, transpose_lhs_hint = false} : vector<4096x16xf32>, vector<16x1xf32>, vector<4096x1xf32> -> vector<4096x1xf32>
    %convert_element_type3A_404 = arith.fptosi %dot_general3A_403 : vector<4096x1xf32> to vector<4096x1xi32>
    %swap3A_405 = arith.constant 0 : index
    %swap3A_406 = arith.constant 0 : index
    %swap3A_407 = vector.load %arg5[%swap3A_405, %swap3A_406] : memref<4096x1xi32, #tpu.memory_space<vmem>>, vector<4096x1xi32>
    tpu.vector_store %arg5[%swap3A_405, %swap3A_406], %convert_element_type3A_404 {strides = array<i32>} : memref<4096x1xi32, #tpu.memory_space<vmem>>, vector<4096x1xi32>,
    return
  }
}

module attributes {stable_mosaic.version = 14 : i64} {
  func.func @_group_body(%arg0: i32, %arg1: memref<256x768xf32, #tpu.memory_space<vmem>>, %arg2: memref<256x128xf32, #tpu.memory_space<vmem>>, %arg3: memref<2x16xi32, #tpu.memory_space<smem>>, %arg4: memref<16x768x128xf32, #tpu.memory_space<vmem>>, %arg5: memref<1x2048xf32, #tpu.memory_space<vmem>>, %arg6: memref<16x128x128xf32, #tpu.memory_space<vmem>>, %arg7: memref<1x2048xf32, #tpu.memory_space<vmem>>, %arg8: memref<16x128x768xf32, #tpu.memory_space<vmem>>, %arg9: memref<16x768xf32, #tpu.memory_space<vmem>>, %arg10: memref<256x768xf32, #tpu.memory_space<vmem>>, %arg11: memref<256x768xf32, #tpu.memory_space<vmem>>, %arg12: memref<768x2048xbf16, #tpu.memory_space<vmem>>, %arg13: memref<16x128x128xbf16, #tpu.memory_space<vmem>>, %arg14: memref<2048x768xbf16, #tpu.memory_space<vmem>>) attributes {dimension_semantics = [#tpu.dimension_semantics<arbitrary>], iteration_bounds = array<i64: 16>, scalar_prefetch = 0 : i64, scratch_operands = 4 : i64, tpu.core_type = #tpu.core_type<tc>, window_params = [{transform_indices = @transform_0, window_bounds = array<i64: 256, 768>}, {transform_indices = @transform_1, window_bounds = array<i64: 256, 128>}, {transform_indices = @transform_2, window_bounds = array<i64: 2, 16>}, {pipeline_mode = #tpu.pipeline_mode<synchronous>, transform_indices = @transform_3, window_bounds = array<i64: 16, 768, 128>}, {pipeline_mode = #tpu.pipeline_mode<synchronous>, transform_indices = @transform_4, window_bounds = array<i64: 1, 2048>}, {pipeline_mode = #tpu.pipeline_mode<synchronous>, transform_indices = @transform_5, window_bounds = array<i64: 16, 128, 128>}, {pipeline_mode = #tpu.pipeline_mode<synchronous>, transform_indices = @transform_6, window_bounds = array<i64: 1, 2048>}, {pipeline_mode = #tpu.pipeline_mode<synchronous>, transform_indices = @transform_7, window_bounds = array<i64: 16, 128, 768>}, {pipeline_mode = #tpu.pipeline_mode<synchronous>, transform_indices = @transform_8, window_bounds = array<i64: 16, 768>}, {transform_indices = @transform_9, window_bounds = array<i64: 256, 768>}]} {
    %eq3A = arith.constant 0 : i32
    %eq3A_0 = arith.cmpi eq, %arg0, %eq3A : i32
    %convert_element_type3A = arith.extui %eq3A_0 : i1 to i32
    %cond3A = arith.constant 0 : i32
    %cond3A_1 = arith.cmpi ne, %convert_element_type3A, %cond3A : i32
    scf.if %cond3A_1 {
      %get3A_249 = arith.constant 0 : index
      %get3A_250 = arith.constant 0 : index
      %get3A_251 = arith.constant 0 : index
      %get3A_252 = vector.load %arg4[%get3A_249, %get3A_250, %get3A_251] : memref<16x768x128xf32, #tpu.memory_space<vmem>>, vector<1x768x128xf32>
      %get3A_253 = vector.shape_cast %get3A_252 : vector<1x768x128xf32> to vector<768x128xf32>
      %convert_element_type3A_254 = arith.truncf %get3A_253 : vector<768x128xf32> to vector<768x128xbf16>
      %swap3A_255 = arith.constant 0 : index
      %swap3A_256 = arith.constant 0 : index
      %swap3A_257 = vector.load %arg12[%swap3A_255, %swap3A_256] : memref<768x2048xbf16, #tpu.memory_space<vmem>>, vector<768x128xbf16>
      tpu.vector_store %arg12[%swap3A_255, %swap3A_256], %convert_element_type3A_254 {strides = array<i32>} : memref<768x2048xbf16, #tpu.memory_space<vmem>>, vector<768x128xbf16>,
      %get3A_258 = arith.constant 0 : index
      %get3A_259 = arith.constant 0 : index
      %get3A_260 = arith.constant 0 : index
      %get3A_261 = vector.load %arg6[%get3A_258, %get3A_259, %get3A_260] : memref<16x128x128xf32, #tpu.memory_space<vmem>>, vector<1x128x128xf32>
      %get3A_262 = vector.shape_cast %get3A_261 : vector<1x128x128xf32> to vector<128x128xf32>
      %convert_element_type3A_263 = arith.truncf %get3A_262 : vector<128x128xf32> to vector<128x128xbf16>
      %swap3A_264 = arith.constant 0 : index
      %swap3A_265 = arith.constant 0 : index
      %swap3A_266 = arith.constant 0 : index
      %swap3A_267 = vector.load %arg13[%swap3A_264, %swap3A_265, %swap3A_266] : memref<16x128x128xbf16, #tpu.memory_space<vmem>>, vector<1x128x128xbf16>
      %swap3A_268 = vector.shape_cast %swap3A_267 : vector<1x128x128xbf16> to vector<128x128xbf16>
      %swap3A_269 = vector.shape_cast %convert_element_type3A_263 : vector<128x128xbf16> to vector<1x128x128xbf16>
      tpu.vector_store %arg13[%swap3A_264, %swap3A_265, %swap3A_266], %swap3A_269 {strides = array<i32>} : memref<16x128x128xbf16, #tpu.memory_space<vmem>>, vector<1x128x128xbf16>,
      %get3A_270 = arith.constant 0 : index
      %get3A_271 = arith.constant 0 : index
      %get3A_272 = arith.constant 0 : index
      %get3A_273 = vector.load %arg8[%get3A_270, %get3A_271, %get3A_272] : memref<16x128x768xf32, #tpu.memory_space<vmem>>, vector<1x128x768xf32>
      %get3A_274 = vector.shape_cast %get3A_273 : vector<1x128x768xf32> to vector<128x768xf32>
      %convert_element_type3A_275 = arith.truncf %get3A_274 : vector<128x768xf32> to vector<128x768xbf16>
      %swap3A_276 = arith.constant 0 : index
      %swap3A_277 = arith.constant 0 : index
      %swap3A_278 = vector.load %arg14[%swap3A_276, %swap3A_277] : memref<2048x768xbf16, #tpu.memory_space<vmem>>, vector<128x768xbf16>
      tpu.vector_store %arg14[%swap3A_276, %swap3A_277], %convert_element_type3A_275 {strides = array<i32>} : memref<2048x768xbf16, #tpu.memory_space<vmem>>, vector<128x768xbf16>,
      %get3A_279 = arith.constant 1 : index
      %get3A_280 = arith.constant 0 : index
      %get3A_281 = arith.constant 0 : index
      %get3A_282 = vector.load %arg4[%get3A_279, %get3A_280, %get3A_281] : memref<16x768x128xf32, #tpu.memory_space<vmem>>, vector<1x768x128xf32>
      %get3A_283 = vector.shape_cast %get3A_282 : vector<1x768x128xf32> to vector<768x128xf32>
      %convert_element_type3A_284 = arith.truncf %get3A_283 : vector<768x128xf32> to vector<768x128xbf16>
      %swap3A_285 = arith.constant 0 : index
      %swap3A_286 = arith.constant 128 : index
      %swap3A_287 = vector.load %arg12[%swap3A_285, %swap3A_286] : memref<768x2048xbf16, #tpu.memory_space<vmem>>, vector<768x128xbf16>
      tpu.vector_store %arg12[%swap3A_285, %swap3A_286], %convert_element_type3A_284 {strides = array<i32>} : memref<768x2048xbf16, #tpu.memory_space<vmem>>, vector<768x128xbf16>,
      %get3A_288 = arith.constant 1 : index
      %get3A_289 = arith.constant 0 : index
      %get3A_290 = arith.constant 0 : index
      %get3A_291 = vector.load %arg6[%get3A_288, %get3A_289, %get3A_290] : memref<16x128x128xf32, #tpu.memory_space<vmem>>, vector<1x128x128xf32>
      %get3A_292 = vector.shape_cast %get3A_291 : vector<1x128x128xf32> to vector<128x128xf32>
      %convert_element_type3A_293 = arith.truncf %get3A_292 : vector<128x128xf32> to vector<128x128xbf16>
      %swap3A_294 = arith.constant 1 : index
      %swap3A_295 = arith.constant 0 : index
      %swap3A_296 = arith.constant 0 : index
      %swap3A_297 = vector.load %arg13[%swap3A_294, %swap3A_295, %swap3A_296] : memref<16x128x128xbf16, #tpu.memory_space<vmem>>, vector<1x128x128xbf16>
      %swap3A_298 = vector.shape_cast %swap3A_297 : vector<1x128x128xbf16> to vector<128x128xbf16>
      %swap3A_299 = vector.shape_cast %convert_element_type3A_293 : vector<128x128xbf16> to vector<1x128x128xbf16>
      tpu.vector_store %arg13[%swap3A_294, %swap3A_295, %swap3A_296], %swap3A_299 {strides = array<i32>} : memref<16x128x128xbf16, #tpu.memory_space<vmem>>, vector<1x128x128xbf16>,
      %get3A_300 = arith.constant 1 : index
      %get3A_301 = arith.constant 0 : index
      %get3A_302 = arith.constant 0 : index
      %get3A_303 = vector.load %arg8[%get3A_300, %get3A_301, %get3A_302] : memref<16x128x768xf32, #tpu.memory_space<vmem>>, vector<1x128x768xf32>
      %get3A_304 = vector.shape_cast %get3A_303 : vector<1x128x768xf32> to vector<128x768xf32>
      %convert_element_type3A_305 = arith.truncf %get3A_304 : vector<128x768xf32> to vector<128x768xbf16>
      %swap3A_306 = arith.constant 128 : index
      %swap3A_307 = arith.constant 0 : index
      %swap3A_308 = vector.load %arg14[%swap3A_306, %swap3A_307] : memref<2048x768xbf16, #tpu.memory_space<vmem>>, vector<128x768xbf16>
      tpu.vector_store %arg14[%swap3A_306, %swap3A_307], %convert_element_type3A_305 {strides = array<i32>} : memref<2048x768xbf16, #tpu.memory_space<vmem>>, vector<128x768xbf16>,
      %get3A_309 = arith.constant 2 : index
      %get3A_310 = arith.constant 0 : index
      %get3A_311 = arith.constant 0 : index
      %get3A_312 = vector.load %arg4[%get3A_309, %get3A_310, %get3A_311] : memref<16x768x128xf32, #tpu.memory_space<vmem>>, vector<1x768x128xf32>
      %get3A_313 = vector.shape_cast %get3A_312 : vector<1x768x128xf32> to vector<768x128xf32>
      %convert_element_type3A_314 = arith.truncf %get3A_313 : vector<768x128xf32> to vector<768x128xbf16>
      %swap3A_315 = arith.constant 0 : index
      %swap3A_316 = arith.constant 256 : index
      %swap3A_317 = vector.load %arg12[%swap3A_315, %swap3A_316] : memref<768x2048xbf16, #tpu.memory_space<vmem>>, vector<768x128xbf16>
      tpu.vector_store %arg12[%swap3A_315, %swap3A_316], %convert_element_type3A_314 {strides = array<i32>} : memref<768x2048xbf16, #tpu.memory_space<vmem>>, vector<768x128xbf16>,
      %get3A_318 = arith.constant 2 : index
      %get3A_319 = arith.constant 0 : index
      %get3A_320 = arith.constant 0 : index
      %get3A_321 = vector.load %arg6[%get3A_318, %get3A_319, %get3A_320] : memref<16x128x128xf32, #tpu.memory_space<vmem>>, vector<1x128x128xf32>
      %get3A_322 = vector.shape_cast %get3A_321 : vector<1x128x128xf32> to vector<128x128xf32>
      %convert_element_type3A_323 = arith.truncf %get3A_322 : vector<128x128xf32> to vector<128x128xbf16>
      %swap3A_324 = arith.constant 2 : index
      %swap3A_325 = arith.constant 0 : index
      %swap3A_326 = arith.constant 0 : index
      %swap3A_327 = vector.load %arg13[%swap3A_324, %swap3A_325, %swap3A_326] : memref<16x128x128xbf16, #tpu.memory_space<vmem>>, vector<1x128x128xbf16>
      %swap3A_328 = vector.shape_cast %swap3A_327 : vector<1x128x128xbf16> to vector<128x128xbf16>
      %swap3A_329 = vector.shape_cast %convert_element_type3A_323 : vector<128x128xbf16> to vector<1x128x128xbf16>
      tpu.vector_store %arg13[%swap3A_324, %swap3A_325, %swap3A_326], %swap3A_329 {strides = array<i32>} : memref<16x128x128xbf16, #tpu.memory_space<vmem>>, vector<1x128x128xbf16>,
      %get3A_330 = arith.constant 2 : index
      %get3A_331 = arith.constant 0 : index
      %get3A_332 = arith.constant 0 : index
      %get3A_333 = vector.load %arg8[%get3A_330, %get3A_331, %get3A_332] : memref<16x128x768xf32, #tpu.memory_space<vmem>>, vector<1x128x768xf32>
      %get3A_334 = vector.shape_cast %get3A_333 : vector<1x128x768xf32> to vector<128x768xf32>
      %convert_element_type3A_335 = arith.truncf %get3A_334 : vector<128x768xf32> to vector<128x768xbf16>
      %swap3A_336 = arith.constant 256 : index
      %swap3A_337 = arith.constant 0 : index
      %swap3A_338 = vector.load %arg14[%swap3A_336, %swap3A_337] : memref<2048x768xbf16, #tpu.memory_space<vmem>>, vector<128x768xbf16>
      tpu.vector_store %arg14[%swap3A_336, %swap3A_337], %convert_element_type3A_335 {strides = array<i32>} : memref<2048x768xbf16, #tpu.memory_space<vmem>>, vector<128x768xbf16>,
      %get3A_339 = arith.constant 3 : index
      %get3A_340 = arith.constant 0 : index
      %get3A_341 = arith.constant 0 : index
      %get3A_342 = vector.load %arg4[%get3A_339, %get3A_340, %get3A_341] : memref<16x768x128xf32, #tpu.memory_space<vmem>>, vector<1x768x128xf32>
      %get3A_343 = vector.shape_cast %get3A_342 : vector<1x768x128xf32> to vector<768x128xf32>
      %convert_element_type3A_344 = arith.truncf %get3A_343 : vector<768x128xf32> to vector<768x128xbf16>
      %swap3A_345 = arith.constant 0 : index
      %swap3A_346 = arith.constant 384 : index
      %swap3A_347 = vector.load %arg12[%swap3A_345, %swap3A_346] : memref<768x2048xbf16, #tpu.memory_space<vmem>>, vector<768x128xbf16>
      tpu.vector_store %arg12[%swap3A_345, %swap3A_346], %convert_element_type3A_344 {strides = array<i32>} : memref<768x2048xbf16, #tpu.memory_space<vmem>>, vector<768x128xbf16>,
      %get3A_348 = arith.constant 3 : index
      %get3A_349 = arith.constant 0 : index
      %get3A_350 = arith.constant 0 : index
      %get3A_351 = vector.load %arg6[%get3A_348, %get3A_349, %get3A_350] : memref<16x128x128xf32, #tpu.memory_space<vmem>>, vector<1x128x128xf32>
      %get3A_352 = vector.shape_cast %get3A_351 : vector<1x128x128xf32> to vector<128x128xf32>
      %convert_element_type3A_353 = arith.truncf %get3A_352 : vector<128x128xf32> to vector<128x128xbf16>
      %swap3A_354 = arith.constant 3 : index
      %swap3A_355 = arith.constant 0 : index
      %swap3A_356 = arith.constant 0 : index
      %swap3A_357 = vector.load %arg13[%swap3A_354, %swap3A_355, %swap3A_356] : memref<16x128x128xbf16, #tpu.memory_space<vmem>>, vector<1x128x128xbf16>
      %swap3A_358 = vector.shape_cast %swap3A_357 : vector<1x128x128xbf16> to vector<128x128xbf16>
      %swap3A_359 = vector.shape_cast %convert_element_type3A_353 : vector<128x128xbf16> to vector<1x128x128xbf16>
      tpu.vector_store %arg13[%swap3A_354, %swap3A_355, %swap3A_356], %swap3A_359 {strides = array<i32>} : memref<16x128x128xbf16, #tpu.memory_space<vmem>>, vector<1x128x128xbf16>,
      %get3A_360 = arith.constant 3 : index
      %get3A_361 = arith.constant 0 : index
      %get3A_362 = arith.constant 0 : index
      %get3A_363 = vector.load %arg8[%get3A_360, %get3A_361, %get3A_362] : memref<16x128x768xf32, #tpu.memory_space<vmem>>, vector<1x128x768xf32>
      %get3A_364 = vector.shape_cast %get3A_363 : vector<1x128x768xf32> to vector<128x768xf32>
      %convert_element_type3A_365 = arith.truncf %get3A_364 : vector<128x768xf32> to vector<128x768xbf16>
      %swap3A_366 = arith.constant 384 : index
      %swap3A_367 = arith.constant 0 : index
      %swap3A_368 = vector.load %arg14[%swap3A_366, %swap3A_367] : memref<2048x768xbf16, #tpu.memory_space<vmem>>, vector<128x768xbf16>
      tpu.vector_store %arg14[%swap3A_366, %swap3A_367], %convert_element_type3A_365 {strides = array<i32>} : memref<2048x768xbf16, #tpu.memory_space<vmem>>, vector<128x768xbf16>,
      %get3A_369 = arith.constant 4 : index
      %get3A_370 = arith.constant 0 : index
      %get3A_371 = arith.constant 0 : index
      %get3A_372 = vector.load %arg4[%get3A_369, %get3A_370, %get3A_371] : memref<16x768x128xf32, #tpu.memory_space<vmem>>, vector<1x768x128xf32>
      %get3A_373 = vector.shape_cast %get3A_372 : vector<1x768x128xf32> to vector<768x128xf32>
      %convert_element_type3A_374 = arith.truncf %get3A_373 : vector<768x128xf32> to vector<768x128xbf16>
      %swap3A_375 = arith.constant 0 : index
      %swap3A_376 = arith.constant 512 : index
      %swap3A_377 = vector.load %arg12[%swap3A_375, %swap3A_376] : memref<768x2048xbf16, #tpu.memory_space<vmem>>, vector<768x128xbf16>
      tpu.vector_store %arg12[%swap3A_375, %swap3A_376], %convert_element_type3A_374 {strides = array<i32>} : memref<768x2048xbf16, #tpu.memory_space<vmem>>, vector<768x128xbf16>,
      %get3A_378 = arith.constant 4 : index
      %get3A_379 = arith.constant 0 : index
      %get3A_380 = arith.constant 0 : index
      %get3A_381 = vector.load %arg6[%get3A_378, %get3A_379, %get3A_380] : memref<16x128x128xf32, #tpu.memory_space<vmem>>, vector<1x128x128xf32>
      %get3A_382 = vector.shape_cast %get3A_381 : vector<1x128x128xf32> to vector<128x128xf32>
      %convert_element_type3A_383 = arith.truncf %get3A_382 : vector<128x128xf32> to vector<128x128xbf16>
      %swap3A_384 = arith.constant 4 : index
      %swap3A_385 = arith.constant 0 : index
      %swap3A_386 = arith.constant 0 : index
      %swap3A_387 = vector.load %arg13[%swap3A_384, %swap3A_385, %swap3A_386] : memref<16x128x128xbf16, #tpu.memory_space<vmem>>, vector<1x128x128xbf16>
      %swap3A_388 = vector.shape_cast %swap3A_387 : vector<1x128x128xbf16> to vector<128x128xbf16>
      %swap3A_389 = vector.shape_cast %convert_element_type3A_383 : vector<128x128xbf16> to vector<1x128x128xbf16>
      tpu.vector_store %arg13[%swap3A_384, %swap3A_385, %swap3A_386], %swap3A_389 {strides = array<i32>} : memref<16x128x128xbf16, #tpu.memory_space<vmem>>, vector<1x128x128xbf16>,
      %get3A_390 = arith.constant 4 : index
      %get3A_391 = arith.constant 0 : index
      %get3A_392 = arith.constant 0 : index
      %get3A_393 = vector.load %arg8[%get3A_390, %get3A_391, %get3A_392] : memref<16x128x768xf32, #tpu.memory_space<vmem>>, vector<1x128x768xf32>
      %get3A_394 = vector.shape_cast %get3A_393 : vector<1x128x768xf32> to vector<128x768xf32>
      %convert_element_type3A_395 = arith.truncf %get3A_394 : vector<128x768xf32> to vector<128x768xbf16>
      %swap3A_396 = arith.constant 512 : index
      %swap3A_397 = arith.constant 0 : index
      %swap3A_398 = vector.load %arg14[%swap3A_396, %swap3A_397] : memref<2048x768xbf16, #tpu.memory_space<vmem>>, vector<128x768xbf16>
      tpu.vector_store %arg14[%swap3A_396, %swap3A_397], %convert_element_type3A_395 {strides = array<i32>} : memref<2048x768xbf16, #tpu.memory_space<vmem>>, vector<128x768xbf16>,
      %get3A_399 = arith.constant 5 : index
      %get3A_400 = arith.constant 0 : index
      %get3A_401 = arith.constant 0 : index
      %get3A_402 = vector.load %arg4[%get3A_399, %get3A_400, %get3A_401] : memref<16x768x128xf32, #tpu.memory_space<vmem>>, vector<1x768x128xf32>
      %get3A_403 = vector.shape_cast %get3A_402 : vector<1x768x128xf32> to vector<768x128xf32>
      %convert_element_type3A_404 = arith.truncf %get3A_403 : vector<768x128xf32> to vector<768x128xbf16>
      %swap3A_405 = arith.constant 0 : index
      %swap3A_406 = arith.constant 640 : index
      %swap3A_407 = vector.load %arg12[%swap3A_405, %swap3A_406] : memref<768x2048xbf16, #tpu.memory_space<vmem>>, vector<768x128xbf16>
      tpu.vector_store %arg12[%swap3A_405, %swap3A_406], %convert_element_type3A_404 {strides = array<i32>} : memref<768x2048xbf16, #tpu.memory_space<vmem>>, vector<768x128xbf16>,
      %get3A_408 = arith.constant 5 : index
      %get3A_409 = arith.constant 0 : index
      %get3A_410 = arith.constant 0 : index
      %get3A_411 = vector.load %arg6[%get3A_408, %get3A_409, %get3A_410] : memref<16x128x128xf32, #tpu.memory_space<vmem>>, vector<1x128x128xf32>
      %get3A_412 = vector.shape_cast %get3A_411 : vector<1x128x128xf32> to vector<128x128xf32>
      %convert_element_type3A_413 = arith.truncf %get3A_412 : vector<128x128xf32> to vector<128x128xbf16>
      %swap3A_414 = arith.constant 5 : index
      %swap3A_415 = arith.constant 0 : index
      %swap3A_416 = arith.constant 0 : index
      %swap3A_417 = vector.load %arg13[%swap3A_414, %swap3A_415, %swap3A_416] : memref<16x128x128xbf16, #tpu.memory_space<vmem>>, vector<1x128x128xbf16>
      %swap3A_418 = vector.shape_cast %swap3A_417 : vector<1x128x128xbf16> to vector<128x128xbf16>
      %swap3A_419 = vector.shape_cast %convert_element_type3A_413 : vector<128x128xbf16> to vector<1x128x128xbf16>
      tpu.vector_store %arg13[%swap3A_414, %swap3A_415, %swap3A_416], %swap3A_419 {strides = array<i32>} : memref<16x128x128xbf16, #tpu.memory_space<vmem>>, vector<1x128x128xbf16>,
      %get3A_420 = arith.constant 5 : index
      %get3A_421 = arith.constant 0 : index
      %get3A_422 = arith.constant 0 : index
      %get3A_423 = vector.load %arg8[%get3A_420, %get3A_421, %get3A_422] : memref<16x128x768xf32, #tpu.memory_space<vmem>>, vector<1x128x768xf32>
      %get3A_424 = vector.shape_cast %get3A_423 : vector<1x128x768xf32> to vector<128x768xf32>
      %convert_element_type3A_425 = arith.truncf %get3A_424 : vector<128x768xf32> to vector<128x768xbf16>
      %swap3A_426 = arith.constant 640 : index
      %swap3A_427 = arith.constant 0 : index
      %swap3A_428 = vector.load %arg14[%swap3A_426, %swap3A_427] : memref<2048x768xbf16, #tpu.memory_space<vmem>>, vector<128x768xbf16>
      tpu.vector_store %arg14[%swap3A_426, %swap3A_427], %convert_element_type3A_425 {strides = array<i32>} : memref<2048x768xbf16, #tpu.memory_space<vmem>>, vector<128x768xbf16>,
      %get3A_429 = arith.constant 6 : index
      %get3A_430 = arith.constant 0 : index
      %get3A_431 = arith.constant 0 : index
      %get3A_432 = vector.load %arg4[%get3A_429, %get3A_430, %get3A_431] : memref<16x768x128xf32, #tpu.memory_space<vmem>>, vector<1x768x128xf32>
      %get3A_433 = vector.shape_cast %get3A_432 : vector<1x768x128xf32> to vector<768x128xf32>
      %convert_element_type3A_434 = arith.truncf %get3A_433 : vector<768x128xf32> to vector<768x128xbf16>
      %swap3A_435 = arith.constant 0 : index
      %swap3A_436 = arith.constant 768 : index
      %swap3A_437 = vector.load %arg12[%swap3A_435, %swap3A_436] : memref<768x2048xbf16, #tpu.memory_space<vmem>>, vector<768x128xbf16>
      tpu.vector_store %arg12[%swap3A_435, %swap3A_436], %convert_element_type3A_434 {strides = array<i32>} : memref<768x2048xbf16, #tpu.memory_space<vmem>>, vector<768x128xbf16>,
      %get3A_438 = arith.constant 6 : index
      %get3A_439 = arith.constant 0 : index
      %get3A_440 = arith.constant 0 : index
      %get3A_441 = vector.load %arg6[%get3A_438, %get3A_439, %get3A_440] : memref<16x128x128xf32, #tpu.memory_space<vmem>>, vector<1x128x128xf32>
      %get3A_442 = vector.shape_cast %get3A_441 : vector<1x128x128xf32> to vector<128x128xf32>
      %convert_element_type3A_443 = arith.truncf %get3A_442 : vector<128x128xf32> to vector<128x128xbf16>
      %swap3A_444 = arith.constant 6 : index
      %swap3A_445 = arith.constant 0 : index
      %swap3A_446 = arith.constant 0 : index
      %swap3A_447 = vector.load %arg13[%swap3A_444, %swap3A_445, %swap3A_446] : memref<16x128x128xbf16, #tpu.memory_space<vmem>>, vector<1x128x128xbf16>
      %swap3A_448 = vector.shape_cast %swap3A_447 : vector<1x128x128xbf16> to vector<128x128xbf16>
      %swap3A_449 = vector.shape_cast %convert_element_type3A_443 : vector<128x128xbf16> to vector<1x128x128xbf16>
      tpu.vector_store %arg13[%swap3A_444, %swap3A_445, %swap3A_446], %swap3A_449 {strides = array<i32>} : memref<16x128x128xbf16, #tpu.memory_space<vmem>>, vector<1x128x128xbf16>,
      %get3A_450 = arith.constant 6 : index
      %get3A_451 = arith.constant 0 : index
      %get3A_452 = arith.constant 0 : index
      %get3A_453 = vector.load %arg8[%get3A_450, %get3A_451, %get3A_452] : memref<16x128x768xf32, #tpu.memory_space<vmem>>, vector<1x128x768xf32>
      %get3A_454 = vector.shape_cast %get3A_453 : vector<1x128x768xf32> to vector<128x768xf32>
      %convert_element_type3A_455 = arith.truncf %get3A_454 : vector<128x768xf32> to vector<128x768xbf16>
      %swap3A_456 = arith.constant 768 : index
      %swap3A_457 = arith.constant 0 : index
      %swap3A_458 = vector.load %arg14[%swap3A_456, %swap3A_457] : memref<2048x768xbf16, #tpu.memory_space<vmem>>, vector<128x768xbf16>
      tpu.vector_store %arg14[%swap3A_456, %swap3A_457], %convert_element_type3A_455 {strides = array<i32>} : memref<2048x768xbf16, #tpu.memory_space<vmem>>, vector<128x768xbf16>,
      %get3A_459 = arith.constant 7 : index
      %get3A_460 = arith.constant 0 : index
      %get3A_461 = arith.constant 0 : index
      %get3A_462 = vector.load %arg4[%get3A_459, %get3A_460, %get3A_461] : memref<16x768x128xf32, #tpu.memory_space<vmem>>, vector<1x768x128xf32>
      %get3A_463 = vector.shape_cast %get3A_462 : vector<1x768x128xf32> to vector<768x128xf32>
      %convert_element_type3A_464 = arith.truncf %get3A_463 : vector<768x128xf32> to vector<768x128xbf16>
      %swap3A_465 = arith.constant 0 : index
      %swap3A_466 = arith.constant 896 : index
      %swap3A_467 = vector.load %arg12[%swap3A_465, %swap3A_466] : memref<768x2048xbf16, #tpu.memory_space<vmem>>, vector<768x128xbf16>
      tpu.vector_store %arg12[%swap3A_465, %swap3A_466], %convert_element_type3A_464 {strides = array<i32>} : memref<768x2048xbf16, #tpu.memory_space<vmem>>, vector<768x128xbf16>,
      %get3A_468 = arith.constant 7 : index
      %get3A_469 = arith.constant 0 : index
      %get3A_470 = arith.constant 0 : index
      %get3A_471 = vector.load %arg6[%get3A_468, %get3A_469, %get3A_470] : memref<16x128x128xf32, #tpu.memory_space<vmem>>, vector<1x128x128xf32>
      %get3A_472 = vector.shape_cast %get3A_471 : vector<1x128x128xf32> to vector<128x128xf32>
      %convert_element_type3A_473 = arith.truncf %get3A_472 : vector<128x128xf32> to vector<128x128xbf16>
      %swap3A_474 = arith.constant 7 : index
      %swap3A_475 = arith.constant 0 : index
      %swap3A_476 = arith.constant 0 : index
      %swap3A_477 = vector.load %arg13[%swap3A_474, %swap3A_475, %swap3A_476] : memref<16x128x128xbf16, #tpu.memory_space<vmem>>, vector<1x128x128xbf16>
      %swap3A_478 = vector.shape_cast %swap3A_477 : vector<1x128x128xbf16> to vector<128x128xbf16>
      %swap3A_479 = vector.shape_cast %convert_element_type3A_473 : vector<128x128xbf16> to vector<1x128x128xbf16>
      tpu.vector_store %arg13[%swap3A_474, %swap3A_475, %swap3A_476], %swap3A_479 {strides = array<i32>} : memref<16x128x128xbf16, #tpu.memory_space<vmem>>, vector<1x128x128xbf16>,
      %get3A_480 = arith.constant 7 : index
      %get3A_481 = arith.constant 0 : index
      %get3A_482 = arith.constant 0 : index
      %get3A_483 = vector.load %arg8[%get3A_480, %get3A_481, %get3A_482] : memref<16x128x768xf32, #tpu.memory_space<vmem>>, vector<1x128x768xf32>
      %get3A_484 = vector.shape_cast %get3A_483 : vector<1x128x768xf32> to vector<128x768xf32>
      %convert_element_type3A_485 = arith.truncf %get3A_484 : vector<128x768xf32> to vector<128x768xbf16>
      %swap3A_486 = arith.constant 896 : index
      %swap3A_487 = arith.constant 0 : index
      %swap3A_488 = vector.load %arg14[%swap3A_486, %swap3A_487] : memref<2048x768xbf16, #tpu.memory_space<vmem>>, vector<128x768xbf16>
      tpu.vector_store %arg14[%swap3A_486, %swap3A_487], %convert_element_type3A_485 {strides = array<i32>} : memref<2048x768xbf16, #tpu.memory_space<vmem>>, vector<128x768xbf16>,
      %get3A_489 = arith.constant 8 : index
      %get3A_490 = arith.constant 0 : index
      %get3A_491 = arith.constant 0 : index
      %get3A_492 = vector.load %arg4[%get3A_489, %get3A_490, %get3A_491] : memref<16x768x128xf32, #tpu.memory_space<vmem>>, vector<1x768x128xf32>
      %get3A_493 = vector.shape_cast %get3A_492 : vector<1x768x128xf32> to vector<768x128xf32>
      %convert_element_type3A_494 = arith.truncf %get3A_493 : vector<768x128xf32> to vector<768x128xbf16>
      %swap3A_495 = arith.constant 0 : index
      %swap3A_496 = arith.constant 1024 : index
      %swap3A_497 = vector.load %arg12[%swap3A_495, %swap3A_496] : memref<768x2048xbf16, #tpu.memory_space<vmem>>, vector<768x128xbf16>
      tpu.vector_store %arg12[%swap3A_495, %swap3A_496], %convert_element_type3A_494 {strides = array<i32>} : memref<768x2048xbf16, #tpu.memory_space<vmem>>, vector<768x128xbf16>,
      %get3A_498 = arith.constant 8 : index
      %get3A_499 = arith.constant 0 : index
      %get3A_500 = arith.constant 0 : index
      %get3A_501 = vector.load %arg6[%get3A_498, %get3A_499, %get3A_500] : memref<16x128x128xf32, #tpu.memory_space<vmem>>, vector<1x128x128xf32>
      %get3A_502 = vector.shape_cast %get3A_501 : vector<1x128x128xf32> to vector<128x128xf32>
      %convert_element_type3A_503 = arith.truncf %get3A_502 : vector<128x128xf32> to vector<128x128xbf16>
      %swap3A_504 = arith.constant 8 : index
      %swap3A_505 = arith.constant 0 : index
      %swap3A_506 = arith.constant 0 : index
      %swap3A_507 = vector.load %arg13[%swap3A_504, %swap3A_505, %swap3A_506] : memref<16x128x128xbf16, #tpu.memory_space<vmem>>, vector<1x128x128xbf16>
      %swap3A_508 = vector.shape_cast %swap3A_507 : vector<1x128x128xbf16> to vector<128x128xbf16>
      %swap3A_509 = vector.shape_cast %convert_element_type3A_503 : vector<128x128xbf16> to vector<1x128x128xbf16>
      tpu.vector_store %arg13[%swap3A_504, %swap3A_505, %swap3A_506], %swap3A_509 {strides = array<i32>} : memref<16x128x128xbf16, #tpu.memory_space<vmem>>, vector<1x128x128xbf16>,
      %get3A_510 = arith.constant 8 : index
      %get3A_511 = arith.constant 0 : index
      %get3A_512 = arith.constant 0 : index
      %get3A_513 = vector.load %arg8[%get3A_510, %get3A_511, %get3A_512] : memref<16x128x768xf32, #tpu.memory_space<vmem>>, vector<1x128x768xf32>
      %get3A_514 = vector.shape_cast %get3A_513 : vector<1x128x768xf32> to vector<128x768xf32>
      %convert_element_type3A_515 = arith.truncf %get3A_514 : vector<128x768xf32> to vector<128x768xbf16>
      %swap3A_516 = arith.constant 1024 : index
      %swap3A_517 = arith.constant 0 : index
      %swap3A_518 = vector.load %arg14[%swap3A_516, %swap3A_517] : memref<2048x768xbf16, #tpu.memory_space<vmem>>, vector<128x768xbf16>
      tpu.vector_store %arg14[%swap3A_516, %swap3A_517], %convert_element_type3A_515 {strides = array<i32>} : memref<2048x768xbf16, #tpu.memory_space<vmem>>, vector<128x768xbf16>,
      %get3A_519 = arith.constant 9 : index
      %get3A_520 = arith.constant 0 : index
      %get3A_521 = arith.constant 0 : index
      %get3A_522 = vector.load %arg4[%get3A_519, %get3A_520, %get3A_521] : memref<16x768x128xf32, #tpu.memory_space<vmem>>, vector<1x768x128xf32>
      %get3A_523 = vector.shape_cast %get3A_522 : vector<1x768x128xf32> to vector<768x128xf32>
      %convert_element_type3A_524 = arith.truncf %get3A_523 : vector<768x128xf32> to vector<768x128xbf16>
      %swap3A_525 = arith.constant 0 : index
      %swap3A_526 = arith.constant 1152 : index
      %swap3A_527 = vector.load %arg12[%swap3A_525, %swap3A_526] : memref<768x2048xbf16, #tpu.memory_space<vmem>>, vector<768x128xbf16>
      tpu.vector_store %arg12[%swap3A_525, %swap3A_526], %convert_element_type3A_524 {strides = array<i32>} : memref<768x2048xbf16, #tpu.memory_space<vmem>>, vector<768x128xbf16>,
      %get3A_528 = arith.constant 9 : index
      %get3A_529 = arith.constant 0 : index
      %get3A_530 = arith.constant 0 : index
      %get3A_531 = vector.load %arg6[%get3A_528, %get3A_529, %get3A_530] : memref<16x128x128xf32, #tpu.memory_space<vmem>>, vector<1x128x128xf32>
      %get3A_532 = vector.shape_cast %get3A_531 : vector<1x128x128xf32> to vector<128x128xf32>
      %convert_element_type3A_533 = arith.truncf %get3A_532 : vector<128x128xf32> to vector<128x128xbf16>
      %swap3A_534 = arith.constant 9 : index
      %swap3A_535 = arith.constant 0 : index
      %swap3A_536 = arith.constant 0 : index
      %swap3A_537 = vector.load %arg13[%swap3A_534, %swap3A_535, %swap3A_536] : memref<16x128x128xbf16, #tpu.memory_space<vmem>>, vector<1x128x128xbf16>
      %swap3A_538 = vector.shape_cast %swap3A_537 : vector<1x128x128xbf16> to vector<128x128xbf16>
      %swap3A_539 = vector.shape_cast %convert_element_type3A_533 : vector<128x128xbf16> to vector<1x128x128xbf16>
      tpu.vector_store %arg13[%swap3A_534, %swap3A_535, %swap3A_536], %swap3A_539 {strides = array<i32>} : memref<16x128x128xbf16, #tpu.memory_space<vmem>>, vector<1x128x128xbf16>,
      %get3A_540 = arith.constant 9 : index
      %get3A_541 = arith.constant 0 : index
      %get3A_542 = arith.constant 0 : index
      %get3A_543 = vector.load %arg8[%get3A_540, %get3A_541, %get3A_542] : memref<16x128x768xf32, #tpu.memory_space<vmem>>, vector<1x128x768xf32>
      %get3A_544 = vector.shape_cast %get3A_543 : vector<1x128x768xf32> to vector<128x768xf32>
      %convert_element_type3A_545 = arith.truncf %get3A_544 : vector<128x768xf32> to vector<128x768xbf16>
      %swap3A_546 = arith.constant 1152 : index
      %swap3A_547 = arith.constant 0 : index
      %swap3A_548 = vector.load %arg14[%swap3A_546, %swap3A_547] : memref<2048x768xbf16, #tpu.memory_space<vmem>>, vector<128x768xbf16>
      tpu.vector_store %arg14[%swap3A_546, %swap3A_547], %convert_element_type3A_545 {strides = array<i32>} : memref<2048x768xbf16, #tpu.memory_space<vmem>>, vector<128x768xbf16>,
      %get3A_549 = arith.constant 10 : index
      %get3A_550 = arith.constant 0 : index
      %get3A_551 = arith.constant 0 : index
      %get3A_552 = vector.load %arg4[%get3A_549, %get3A_550, %get3A_551] : memref<16x768x128xf32, #tpu.memory_space<vmem>>, vector<1x768x128xf32>
      %get3A_553 = vector.shape_cast %get3A_552 : vector<1x768x128xf32> to vector<768x128xf32>
      %convert_element_type3A_554 = arith.truncf %get3A_553 : vector<768x128xf32> to vector<768x128xbf16>
      %swap3A_555 = arith.constant 0 : index
      %swap3A_556 = arith.constant 1280 : index
      %swap3A_557 = vector.load %arg12[%swap3A_555, %swap3A_556] : memref<768x2048xbf16, #tpu.memory_space<vmem>>, vector<768x128xbf16>
      tpu.vector_store %arg12[%swap3A_555, %swap3A_556], %convert_element_type3A_554 {strides = array<i32>} : memref<768x2048xbf16, #tpu.memory_space<vmem>>, vector<768x128xbf16>,
      %get3A_558 = arith.constant 10 : index
      %get3A_559 = arith.constant 0 : index
      %get3A_560 = arith.constant 0 : index
      %get3A_561 = vector.load %arg6[%get3A_558, %get3A_559, %get3A_560] : memref<16x128x128xf32, #tpu.memory_space<vmem>>, vector<1x128x128xf32>
      %get3A_562 = vector.shape_cast %get3A_561 : vector<1x128x128xf32> to vector<128x128xf32>
      %convert_element_type3A_563 = arith.truncf %get3A_562 : vector<128x128xf32> to vector<128x128xbf16>
      %swap3A_564 = arith.constant 10 : index
      %swap3A_565 = arith.constant 0 : index
      %swap3A_566 = arith.constant 0 : index
      %swap3A_567 = vector.load %arg13[%swap3A_564, %swap3A_565, %swap3A_566] : memref<16x128x128xbf16, #tpu.memory_space<vmem>>, vector<1x128x128xbf16>
      %swap3A_568 = vector.shape_cast %swap3A_567 : vector<1x128x128xbf16> to vector<128x128xbf16>
      %swap3A_569 = vector.shape_cast %convert_element_type3A_563 : vector<128x128xbf16> to vector<1x128x128xbf16>
      tpu.vector_store %arg13[%swap3A_564, %swap3A_565, %swap3A_566], %swap3A_569 {strides = array<i32>} : memref<16x128x128xbf16, #tpu.memory_space<vmem>>, vector<1x128x128xbf16>,
      %get3A_570 = arith.constant 10 : index
      %get3A_571 = arith.constant 0 : index
      %get3A_572 = arith.constant 0 : index
      %get3A_573 = vector.load %arg8[%get3A_570, %get3A_571, %get3A_572] : memref<16x128x768xf32, #tpu.memory_space<vmem>>, vector<1x128x768xf32>
      %get3A_574 = vector.shape_cast %get3A_573 : vector<1x128x768xf32> to vector<128x768xf32>
      %convert_element_type3A_575 = arith.truncf %get3A_574 : vector<128x768xf32> to vector<128x768xbf16>
      %swap3A_576 = arith.constant 1280 : index
      %swap3A_577 = arith.constant 0 : index
      %swap3A_578 = vector.load %arg14[%swap3A_576, %swap3A_577] : memref<2048x768xbf16, #tpu.memory_space<vmem>>, vector<128x768xbf16>
      tpu.vector_store %arg14[%swap3A_576, %swap3A_577], %convert_element_type3A_575 {strides = array<i32>} : memref<2048x768xbf16, #tpu.memory_space<vmem>>, vector<128x768xbf16>,
      %get3A_579 = arith.constant 11 : index
      %get3A_580 = arith.constant 0 : index
      %get3A_581 = arith.constant 0 : index
      %get3A_582 = vector.load %arg4[%get3A_579, %get3A_580, %get3A_581] : memref<16x768x128xf32, #tpu.memory_space<vmem>>, vector<1x768x128xf32>
      %get3A_583 = vector.shape_cast %get3A_582 : vector<1x768x128xf32> to vector<768x128xf32>
      %convert_element_type3A_584 = arith.truncf %get3A_583 : vector<768x128xf32> to vector<768x128xbf16>
      %swap3A_585 = arith.constant 0 : index
      %swap3A_586 = arith.constant 1408 : index
      %swap3A_587 = vector.load %arg12[%swap3A_585, %swap3A_586] : memref<768x2048xbf16, #tpu.memory_space<vmem>>, vector<768x128xbf16>
      tpu.vector_store %arg12[%swap3A_585, %swap3A_586], %convert_element_type3A_584 {strides = array<i32>} : memref<768x2048xbf16, #tpu.memory_space<vmem>>, vector<768x128xbf16>,
      %get3A_588 = arith.constant 11 : index
      %get3A_589 = arith.constant 0 : index
      %get3A_590 = arith.constant 0 : index
      %get3A_591 = vector.load %arg6[%get3A_588, %get3A_589, %get3A_590] : memref<16x128x128xf32, #tpu.memory_space<vmem>>, vector<1x128x128xf32>
      %get3A_592 = vector.shape_cast %get3A_591 : vector<1x128x128xf32> to vector<128x128xf32>
      %convert_element_type3A_593 = arith.truncf %get3A_592 : vector<128x128xf32> to vector<128x128xbf16>
      %swap3A_594 = arith.constant 11 : index
      %swap3A_595 = arith.constant 0 : index
      %swap3A_596 = arith.constant 0 : index
      %swap3A_597 = vector.load %arg13[%swap3A_594, %swap3A_595, %swap3A_596] : memref<16x128x128xbf16, #tpu.memory_space<vmem>>, vector<1x128x128xbf16>
      %swap3A_598 = vector.shape_cast %swap3A_597 : vector<1x128x128xbf16> to vector<128x128xbf16>
      %swap3A_599 = vector.shape_cast %convert_element_type3A_593 : vector<128x128xbf16> to vector<1x128x128xbf16>
      tpu.vector_store %arg13[%swap3A_594, %swap3A_595, %swap3A_596], %swap3A_599 {strides = array<i32>} : memref<16x128x128xbf16, #tpu.memory_space<vmem>>, vector<1x128x128xbf16>,
      %get3A_600 = arith.constant 11 : index
      %get3A_601 = arith.constant 0 : index
      %get3A_602 = arith.constant 0 : index
      %get3A_603 = vector.load %arg8[%get3A_600, %get3A_601, %get3A_602] : memref<16x128x768xf32, #tpu.memory_space<vmem>>, vector<1x128x768xf32>
      %get3A_604 = vector.shape_cast %get3A_603 : vector<1x128x768xf32> to vector<128x768xf32>
      %convert_element_type3A_605 = arith.truncf %get3A_604 : vector<128x768xf32> to vector<128x768xbf16>
      %swap3A_606 = arith.constant 1408 : index
      %swap3A_607 = arith.constant 0 : index
      %swap3A_608 = vector.load %arg14[%swap3A_606, %swap3A_607] : memref<2048x768xbf16, #tpu.memory_space<vmem>>, vector<128x768xbf16>
      tpu.vector_store %arg14[%swap3A_606, %swap3A_607], %convert_element_type3A_605 {strides = array<i32>} : memref<2048x768xbf16, #tpu.memory_space<vmem>>, vector<128x768xbf16>,
      %get3A_609 = arith.constant 12 : index
      %get3A_610 = arith.constant 0 : index
      %get3A_611 = arith.constant 0 : index
      %get3A_612 = vector.load %arg4[%get3A_609, %get3A_610, %get3A_611] : memref<16x768x128xf32, #tpu.memory_space<vmem>>, vector<1x768x128xf32>
      %get3A_613 = vector.shape_cast %get3A_612 : vector<1x768x128xf32> to vector<768x128xf32>
      %convert_element_type3A_614 = arith.truncf %get3A_613 : vector<768x128xf32> to vector<768x128xbf16>
      %swap3A_615 = arith.constant 0 : index
      %swap3A_616 = arith.constant 1536 : index
      %swap3A_617 = vector.load %arg12[%swap3A_615, %swap3A_616] : memref<768x2048xbf16, #tpu.memory_space<vmem>>, vector<768x128xbf16>
      tpu.vector_store %arg12[%swap3A_615, %swap3A_616], %convert_element_type3A_614 {strides = array<i32>} : memref<768x2048xbf16, #tpu.memory_space<vmem>>, vector<768x128xbf16>,
      %get3A_618 = arith.constant 12 : index
      %get3A_619 = arith.constant 0 : index
      %get3A_620 = arith.constant 0 : index
      %get3A_621 = vector.load %arg6[%get3A_618, %get3A_619, %get3A_620] : memref<16x128x128xf32, #tpu.memory_space<vmem>>, vector<1x128x128xf32>
      %get3A_622 = vector.shape_cast %get3A_621 : vector<1x128x128xf32> to vector<128x128xf32>
      %convert_element_type3A_623 = arith.truncf %get3A_622 : vector<128x128xf32> to vector<128x128xbf16>
      %swap3A_624 = arith.constant 12 : index
      %swap3A_625 = arith.constant 0 : index
      %swap3A_626 = arith.constant 0 : index
      %swap3A_627 = vector.load %arg13[%swap3A_624, %swap3A_625, %swap3A_626] : memref<16x128x128xbf16, #tpu.memory_space<vmem>>, vector<1x128x128xbf16>
      %swap3A_628 = vector.shape_cast %swap3A_627 : vector<1x128x128xbf16> to vector<128x128xbf16>
      %swap3A_629 = vector.shape_cast %convert_element_type3A_623 : vector<128x128xbf16> to vector<1x128x128xbf16>
      tpu.vector_store %arg13[%swap3A_624, %swap3A_625, %swap3A_626], %swap3A_629 {strides = array<i32>} : memref<16x128x128xbf16, #tpu.memory_space<vmem>>, vector<1x128x128xbf16>,
      %get3A_630 = arith.constant 12 : index
      %get3A_631 = arith.constant 0 : index
      %get3A_632 = arith.constant 0 : index
      %get3A_633 = vector.load %arg8[%get3A_630, %get3A_631, %get3A_632] : memref<16x128x768xf32, #tpu.memory_space<vmem>>, vector<1x128x768xf32>
      %get3A_634 = vector.shape_cast %get3A_633 : vector<1x128x768xf32> to vector<128x768xf32>
      %convert_element_type3A_635 = arith.truncf %get3A_634 : vector<128x768xf32> to vector<128x768xbf16>
      %swap3A_636 = arith.constant 1536 : index
      %swap3A_637 = arith.constant 0 : index
      %swap3A_638 = vector.load %arg14[%swap3A_636, %swap3A_637] : memref<2048x768xbf16, #tpu.memory_space<vmem>>, vector<128x768xbf16>
      tpu.vector_store %arg14[%swap3A_636, %swap3A_637], %convert_element_type3A_635 {strides = array<i32>} : memref<2048x768xbf16, #tpu.memory_space<vmem>>, vector<128x768xbf16>,
      %get3A_639 = arith.constant 13 : index
      %get3A_640 = arith.constant 0 : index
      %get3A_641 = arith.constant 0 : index
      %get3A_642 = vector.load %arg4[%get3A_639, %get3A_640, %get3A_641] : memref<16x768x128xf32, #tpu.memory_space<vmem>>, vector<1x768x128xf32>
      %get3A_643 = vector.shape_cast %get3A_642 : vector<1x768x128xf32> to vector<768x128xf32>
      %convert_element_type3A_644 = arith.truncf %get3A_643 : vector<768x128xf32> to vector<768x128xbf16>
      %swap3A_645 = arith.constant 0 : index
      %swap3A_646 = arith.constant 1664 : index
      %swap3A_647 = vector.load %arg12[%swap3A_645, %swap3A_646] : memref<768x2048xbf16, #tpu.memory_space<vmem>>, vector<768x128xbf16>
      tpu.vector_store %arg12[%swap3A_645, %swap3A_646], %convert_element_type3A_644 {strides = array<i32>} : memref<768x2048xbf16, #tpu.memory_space<vmem>>, vector<768x128xbf16>,
      %get3A_648 = arith.constant 13 : index
      %get3A_649 = arith.constant 0 : index
      %get3A_650 = arith.constant 0 : index
      %get3A_651 = vector.load %arg6[%get3A_648, %get3A_649, %get3A_650] : memref<16x128x128xf32, #tpu.memory_space<vmem>>, vector<1x128x128xf32>
      %get3A_652 = vector.shape_cast %get3A_651 : vector<1x128x128xf32> to vector<128x128xf32>
      %convert_element_type3A_653 = arith.truncf %get3A_652 : vector<128x128xf32> to vector<128x128xbf16>
      %swap3A_654 = arith.constant 13 : index
      %swap3A_655 = arith.constant 0 : index
      %swap3A_656 = arith.constant 0 : index
      %swap3A_657 = vector.load %arg13[%swap3A_654, %swap3A_655, %swap3A_656] : memref<16x128x128xbf16, #tpu.memory_space<vmem>>, vector<1x128x128xbf16>
      %swap3A_658 = vector.shape_cast %swap3A_657 : vector<1x128x128xbf16> to vector<128x128xbf16>
      %swap3A_659 = vector.shape_cast %convert_element_type3A_653 : vector<128x128xbf16> to vector<1x128x128xbf16>
      tpu.vector_store %arg13[%swap3A_654, %swap3A_655, %swap3A_656], %swap3A_659 {strides = array<i32>} : memref<16x128x128xbf16, #tpu.memory_space<vmem>>, vector<1x128x128xbf16>,
      %get3A_660 = arith.constant 13 : index
      %get3A_661 = arith.constant 0 : index
      %get3A_662 = arith.constant 0 : index
      %get3A_663 = vector.load %arg8[%get3A_660, %get3A_661, %get3A_662] : memref<16x128x768xf32, #tpu.memory_space<vmem>>, vector<1x128x768xf32>
      %get3A_664 = vector.shape_cast %get3A_663 : vector<1x128x768xf32> to vector<128x768xf32>
      %convert_element_type3A_665 = arith.truncf %get3A_664 : vector<128x768xf32> to vector<128x768xbf16>
      %swap3A_666 = arith.constant 1664 : index
      %swap3A_667 = arith.constant 0 : index
      %swap3A_668 = vector.load %arg14[%swap3A_666, %swap3A_667] : memref<2048x768xbf16, #tpu.memory_space<vmem>>, vector<128x768xbf16>
      tpu.vector_store %arg14[%swap3A_666, %swap3A_667], %convert_element_type3A_665 {strides = array<i32>} : memref<2048x768xbf16, #tpu.memory_space<vmem>>, vector<128x768xbf16>,
      %get3A_669 = arith.constant 14 : index
      %get3A_670 = arith.constant 0 : index
      %get3A_671 = arith.constant 0 : index
      %get3A_672 = vector.load %arg4[%get3A_669, %get3A_670, %get3A_671] : memref<16x768x128xf32, #tpu.memory_space<vmem>>, vector<1x768x128xf32>
      %get3A_673 = vector.shape_cast %get3A_672 : vector<1x768x128xf32> to vector<768x128xf32>
      %convert_element_type3A_674 = arith.truncf %get3A_673 : vector<768x128xf32> to vector<768x128xbf16>
      %swap3A_675 = arith.constant 0 : index
      %swap3A_676 = arith.constant 1792 : index
      %swap3A_677 = vector.load %arg12[%swap3A_675, %swap3A_676] : memref<768x2048xbf16, #tpu.memory_space<vmem>>, vector<768x128xbf16>
      tpu.vector_store %arg12[%swap3A_675, %swap3A_676], %convert_element_type3A_674 {strides = array<i32>} : memref<768x2048xbf16, #tpu.memory_space<vmem>>, vector<768x128xbf16>,
      %get3A_678 = arith.constant 14 : index
      %get3A_679 = arith.constant 0 : index
      %get3A_680 = arith.constant 0 : index
      %get3A_681 = vector.load %arg6[%get3A_678, %get3A_679, %get3A_680] : memref<16x128x128xf32, #tpu.memory_space<vmem>>, vector<1x128x128xf32>
      %get3A_682 = vector.shape_cast %get3A_681 : vector<1x128x128xf32> to vector<128x128xf32>
      %convert_element_type3A_683 = arith.truncf %get3A_682 : vector<128x128xf32> to vector<128x128xbf16>
      %swap3A_684 = arith.constant 14 : index
      %swap3A_685 = arith.constant 0 : index
      %swap3A_686 = arith.constant 0 : index
      %swap3A_687 = vector.load %arg13[%swap3A_684, %swap3A_685, %swap3A_686] : memref<16x128x128xbf16, #tpu.memory_space<vmem>>, vector<1x128x128xbf16>
      %swap3A_688 = vector.shape_cast %swap3A_687 : vector<1x128x128xbf16> to vector<128x128xbf16>
      %swap3A_689 = vector.shape_cast %convert_element_type3A_683 : vector<128x128xbf16> to vector<1x128x128xbf16>
      tpu.vector_store %arg13[%swap3A_684, %swap3A_685, %swap3A_686], %swap3A_689 {strides = array<i32>} : memref<16x128x128xbf16, #tpu.memory_space<vmem>>, vector<1x128x128xbf16>,
      %get3A_690 = arith.constant 14 : index
      %get3A_691 = arith.constant 0 : index
      %get3A_692 = arith.constant 0 : index
      %get3A_693 = vector.load %arg8[%get3A_690, %get3A_691, %get3A_692] : memref<16x128x768xf32, #tpu.memory_space<vmem>>, vector<1x128x768xf32>
      %get3A_694 = vector.shape_cast %get3A_693 : vector<1x128x768xf32> to vector<128x768xf32>
      %convert_element_type3A_695 = arith.truncf %get3A_694 : vector<128x768xf32> to vector<128x768xbf16>
      %swap3A_696 = arith.constant 1792 : index
      %swap3A_697 = arith.constant 0 : index
      %swap3A_698 = vector.load %arg14[%swap3A_696, %swap3A_697] : memref<2048x768xbf16, #tpu.memory_space<vmem>>, vector<128x768xbf16>
      tpu.vector_store %arg14[%swap3A_696, %swap3A_697], %convert_element_type3A_695 {strides = array<i32>} : memref<2048x768xbf16, #tpu.memory_space<vmem>>, vector<128x768xbf16>,
      %get3A_699 = arith.constant 15 : index
      %get3A_700 = arith.constant 0 : index
      %get3A_701 = arith.constant 0 : index
      %get3A_702 = vector.load %arg4[%get3A_699, %get3A_700, %get3A_701] : memref<16x768x128xf32, #tpu.memory_space<vmem>>, vector<1x768x128xf32>
      %get3A_703 = vector.shape_cast %get3A_702 : vector<1x768x128xf32> to vector<768x128xf32>
      %convert_element_type3A_704 = arith.truncf %get3A_703 : vector<768x128xf32> to vector<768x128xbf16>
      %swap3A_705 = arith.constant 0 : index
      %swap3A_706 = arith.constant 1920 : index
      %swap3A_707 = vector.load %arg12[%swap3A_705, %swap3A_706] : memref<768x2048xbf16, #tpu.memory_space<vmem>>, vector<768x128xbf16>
      tpu.vector_store %arg12[%swap3A_705, %swap3A_706], %convert_element_type3A_704 {strides = array<i32>} : memref<768x2048xbf16, #tpu.memory_space<vmem>>, vector<768x128xbf16>,
      %get3A_708 = arith.constant 15 : index
      %get3A_709 = arith.constant 0 : index
      %get3A_710 = arith.constant 0 : index
      %get3A_711 = vector.load %arg6[%get3A_708, %get3A_709, %get3A_710] : memref<16x128x128xf32, #tpu.memory_space<vmem>>, vector<1x128x128xf32>
      %get3A_712 = vector.shape_cast %get3A_711 : vector<1x128x128xf32> to vector<128x128xf32>
      %convert_element_type3A_713 = arith.truncf %get3A_712 : vector<128x128xf32> to vector<128x128xbf16>
      %swap3A_714 = arith.constant 15 : index
      %swap3A_715 = arith.constant 0 : index
      %swap3A_716 = arith.constant 0 : index
      %swap3A_717 = vector.load %arg13[%swap3A_714, %swap3A_715, %swap3A_716] : memref<16x128x128xbf16, #tpu.memory_space<vmem>>, vector<1x128x128xbf16>
      %swap3A_718 = vector.shape_cast %swap3A_717 : vector<1x128x128xbf16> to vector<128x128xbf16>
      %swap3A_719 = vector.shape_cast %convert_element_type3A_713 : vector<128x128xbf16> to vector<1x128x128xbf16>
      tpu.vector_store %arg13[%swap3A_714, %swap3A_715, %swap3A_716], %swap3A_719 {strides = array<i32>} : memref<16x128x128xbf16, #tpu.memory_space<vmem>>, vector<1x128x128xbf16>,
      %get3A_720 = arith.constant 15 : index
      %get3A_721 = arith.constant 0 : index
      %get3A_722 = arith.constant 0 : index
      %get3A_723 = vector.load %arg8[%get3A_720, %get3A_721, %get3A_722] : memref<16x128x768xf32, #tpu.memory_space<vmem>>, vector<1x128x768xf32>
      %get3A_724 = vector.shape_cast %get3A_723 : vector<1x128x768xf32> to vector<128x768xf32>
      %convert_element_type3A_725 = arith.truncf %get3A_724 : vector<128x768xf32> to vector<128x768xbf16>
      %swap3A_726 = arith.constant 1920 : index
      %swap3A_727 = arith.constant 0 : index
      %swap3A_728 = vector.load %arg14[%swap3A_726, %swap3A_727] : memref<2048x768xbf16, #tpu.memory_space<vmem>>, vector<128x768xbf16>
      tpu.vector_store %arg14[%swap3A_726, %swap3A_727], %convert_element_type3A_725 {strides = array<i32>} : memref<2048x768xbf16, #tpu.memory_space<vmem>>, vector<128x768xbf16>,
    } else {
    }
    %mul3A = arith.constant 256 : i32
    %mul3A_2 = arith.muli %arg0, %mul3A : i32
    %get3A = arith.constant 0 : index
    %get3A_3 = arith.constant 0 : index
    %get3A_4 = vector.load %arg1[%get3A, %get3A_3] : memref<256x768xf32, #tpu.memory_space<vmem>>, vector<256x768xf32>
    %convert_element_type3A_5 = arith.truncf %get3A_4 : vector<256x768xf32> to vector<256x768xbf16>
    %iota3A = tpu.iota {dimensions = array<i32: 0>} : vector<256x1xi32>
    %add3A = vector.broadcast %mul3A_2 : i32 to vector<256x1xi32>
    %add3A_6 = arith.addi %add3A, %iota3A : vector<256x1xi32>
    %broadcast_in_dim3A = arith.constant 0.000000e+00 : f32
    %broadcast_in_dim3A_7 = vector.broadcast %broadcast_in_dim3A : f32 to vector<256x768xf32>
    %swap3A = arith.constant 0 : index
    %swap3A_8 = arith.constant 0 : index
    %swap3A_9 = vector.load %arg11[%swap3A, %swap3A_8] : memref<256x768xf32, #tpu.memory_space<vmem>>, vector<256x768xf32>
    tpu.vector_store %arg11[%swap3A, %swap3A_8], %broadcast_in_dim3A_7 {strides = array<i32>} : memref<256x768xf32, #tpu.memory_space<vmem>>, vector<256x768xf32>,
    %get3A_10 = arith.constant 0 : index
    %get3A_11 = arith.constant 0 : index
    %get3A_12 = memref.load %arg3[%get3A_10, %get3A_11] : memref<2x16xi32, #tpu.memory_space<smem>>
    %get3A_13 = arith.constant 1 : index
    %get3A_14 = arith.constant 0 : index
    %get3A_15 = memref.load %arg3[%get3A_13, %get3A_14] : memref<2x16xi32, #tpu.memory_space<smem>>
    %gt3A = arith.cmpi sgt, %get3A_15, %mul3A_2 : i32
    %add3A_16 = arith.constant 256 : i32
    %add3A_17 = arith.addi %mul3A_2, %add3A_16 : i32
    %lt3A = arith.cmpi slt, %get3A_12, %add3A_17 : i32
    %and3A = arith.andi %gt3A, %lt3A : i1
    %convert_element_type3A_18 = arith.extui %and3A : i1 to i32
    %cond3A_19 = arith.constant 0 : i32
    %cond3A_20 = arith.cmpi ne, %convert_element_type3A_18, %cond3A_19 : i32
    scf.if %cond3A_20 {
      %get3A_249 = arith.constant 0 : index
      %get3A_250 = arith.constant 0 : index
      %get3A_251 = vector.load %arg12[%get3A_249, %get3A_250] : memref<768x2048xbf16, #tpu.memory_space<vmem>>, vector<768x128xbf16>
      %dot_general3A = arith.constant dense<0.000000e+00> : vector<256x128xf32>
      %dot_general3A_252 = tpu.matmul %convert_element_type3A_5, %get3A_251, %dot_general3A {dimension_numbers = #tpu.dot_dimension_numbers<[1], [0], [0], [1], [0, 0, 1, 1], [], []>, transpose_lhs_hint = false} : vector<256x768xbf16>, vector<768x128xbf16>, vector<256x128xf32> -> vector<256x128xf32>
      %get3A_253 = arith.constant 0 : index
      %get3A_254 = arith.constant 0 : index
      %get3A_255 = vector.load %arg5[%get3A_253, %get3A_254] : memref<1x2048xf32, #tpu.memory_space<vmem>>, vector<1x128xf32>
      %add3A_256 = vector.broadcast %get3A_255 : vector<1x128xf32> to vector<256x128xf32>
      %add3A_257 = arith.addf %dot_general3A_252, %add3A_256 : vector<256x128xf32>
      %max3A = arith.constant 0.000000e+00 : f32
      %max3A_258 = vector.broadcast %max3A : f32 to vector<256x128xf32>
      %max3A_259 = arith.maximumf %add3A_257, %max3A_258 : vector<256x128xf32>
      %convert_element_type3A_260 = arith.truncf %max3A_259 : vector<256x128xf32> to vector<256x128xbf16>
      %get3A_261 = arith.constant 0 : index
      %get3A_262 = arith.constant 0 : index
      %get3A_263 = arith.constant 0 : index
      %get3A_264 = vector.load %arg13[%get3A_261, %get3A_262, %get3A_263] : memref<16x128x128xbf16, #tpu.memory_space<vmem>>, vector<1x128x128xbf16>
      %get3A_265 = vector.shape_cast %get3A_264 : vector<1x128x128xbf16> to vector<128x128xbf16>
      %dot_general3A_266 = arith.constant dense<0.000000e+00> : vector<256x128xf32>
      %dot_general3A_267 = tpu.matmul %convert_element_type3A_260, %get3A_265, %dot_general3A_266 {dimension_numbers = #tpu.dot_dimension_numbers<[1], [0], [0], [1], [0, 0, 1, 1], [], []>, transpose_lhs_hint = false} : vector<256x128xbf16>, vector<128x128xbf16>, vector<256x128xf32> -> vector<256x128xf32>
      %get3A_268 = arith.constant 0 : index
      %get3A_269 = arith.constant 0 : index
      %get3A_270 = vector.load %arg7[%get3A_268, %get3A_269] : memref<1x2048xf32, #tpu.memory_space<vmem>>, vector<1x128xf32>
      %add3A_271 = vector.broadcast %get3A_270 : vector<1x128xf32> to vector<256x128xf32>
      %add3A_272 = arith.addf %dot_general3A_267, %add3A_271 : vector<256x128xf32>
      %max3A_273 = arith.constant 0.000000e+00 : f32
      %max3A_274 = vector.broadcast %max3A_273 : f32 to vector<256x128xf32>
      %max3A_275 = arith.maximumf %add3A_272, %max3A_274 : vector<256x128xf32>
      %ge3A = vector.broadcast %get3A_12 : i32 to vector<256x1xi32>
      %ge3A_276 = arith.cmpi sge, %add3A_6, %ge3A : vector<256x1xi32>
      %lt3A_277 = vector.broadcast %get3A_15 : i32 to vector<256x1xi32>
      %lt3A_278 = arith.cmpi slt, %add3A_6, %lt3A_277 : vector<256x1xi32>
      %and3A_279 = arith.andi %ge3A_276, %lt3A_278 : vector<256x1xi1>
      %convert_element_type3A_280 = arith.extui %and3A_279 : vector<256x1xi1> to vector<256x1xi32>
      %convert_element_type3A_281 = arith.sitofp %convert_element_type3A_280 : vector<256x1xi32> to vector<256x1xf32>
      %get3A_282 = arith.constant 0 : index
      %get3A_283 = arith.constant 0 : index
      %get3A_284 = vector.load %arg11[%get3A_282, %get3A_283] : memref<256x768xf32, #tpu.memory_space<vmem>>, vector<256x768xf32>
      %mul3A_285 = vector.broadcast %convert_element_type3A_281 : vector<256x1xf32> to vector<256x128xf32>
      %mul3A_286 = arith.mulf %max3A_275, %mul3A_285 : vector<256x128xf32>
      %convert_element_type3A_287 = arith.truncf %mul3A_286 : vector<256x128xf32> to vector<256x128xbf16>
      %get3A_288 = arith.constant 0 : index
      %get3A_289 = arith.constant 0 : index
      %get3A_290 = vector.load %arg14[%get3A_288, %get3A_289] : memref<2048x768xbf16, #tpu.memory_space<vmem>>, vector<128x768xbf16>
      %dot_general3A_291 = arith.constant dense<0.000000e+00> : vector<256x768xf32>
      %dot_general3A_292 = tpu.matmul %convert_element_type3A_287, %get3A_290, %dot_general3A_291 {dimension_numbers = #tpu.dot_dimension_numbers<[1], [0], [0], [1], [0, 0, 1, 1], [], []>, transpose_lhs_hint = false} : vector<256x128xbf16>, vector<128x768xbf16>, vector<256x768xf32> -> vector<256x768xf32>
      %get3A_293 = arith.constant 0 : index
      %get3A_294 = arith.constant 0 : index
      %get3A_295 = vector.load %arg9[%get3A_293, %get3A_294] : memref<16x768xf32, #tpu.memory_space<vmem>>, vector<1x768xf32>
      %get3A_296 = vector.shape_cast %get3A_295 : vector<1x768xf32> to vector<768xf32>
      %broadcast_in_dim3A_297 = vector.shape_cast %get3A_296 : vector<768xf32> to vector<1x768xf32>
      %mul3A_298 = vector.broadcast %convert_element_type3A_281 : vector<256x1xf32> to vector<256x768xf32>
      %mul3A_299 = vector.broadcast %broadcast_in_dim3A_297 : vector<1x768xf32> to vector<256x768xf32>
      %mul3A_300 = arith.mulf %mul3A_298, %mul3A_299 : vector<256x768xf32>
      %add3A_301 = arith.addf %dot_general3A_292, %mul3A_300 : vector<256x768xf32>
      %add3A_302 = arith.addf %get3A_284, %add3A_301 : vector<256x768xf32>
      %swap3A_303 = arith.constant 0 : index
      %swap3A_304 = arith.constant 0 : index
      %swap3A_305 = vector.load %arg11[%swap3A_303, %swap3A_304] : memref<256x768xf32, #tpu.memory_space<vmem>>, vector<256x768xf32>
      tpu.vector_store %arg11[%swap3A_303, %swap3A_304], %add3A_302 {strides = array<i32>} : memref<256x768xf32, #tpu.memory_space<vmem>>, vector<256x768xf32>,
    } else {
    }
    %get3A_21 = arith.constant 0 : index
    %get3A_22 = arith.constant 1 : index
    %get3A_23 = memref.load %arg3[%get3A_21, %get3A_22] : memref<2x16xi32, #tpu.memory_space<smem>>
    %get3A_24 = arith.constant 1 : index
    %get3A_25 = arith.constant 1 : index
    %get3A_26 = memref.load %arg3[%get3A_24, %get3A_25] : memref<2x16xi32, #tpu.memory_space<smem>>
    %gt3A_27 = arith.cmpi sgt, %get3A_26, %mul3A_2 : i32
    %add3A_28 = arith.constant 256 : i32
    %add3A_29 = arith.addi %mul3A_2, %add3A_28 : i32
    %lt3A_30 = arith.cmpi slt, %get3A_23, %add3A_29 : i32
    %and3A_31 = arith.andi %gt3A_27, %lt3A_30 : i1
    %convert_element_type3A_32 = arith.extui %and3A_31 : i1 to i32
    %cond3A_33 = arith.constant 0 : i32
    %cond3A_34 = arith.cmpi ne, %convert_element_type3A_32, %cond3A_33 : i32
    scf.if %cond3A_34 {
      %get3A_249 = arith.constant 0 : index
      %get3A_250 = arith.constant 128 : index
      %get3A_251 = vector.load %arg12[%get3A_249, %get3A_250] : memref<768x2048xbf16, #tpu.memory_space<vmem>>, vector<768x128xbf16>
      %dot_general3A = arith.constant dense<0.000000e+00> : vector<256x128xf32>
      %dot_general3A_252 = tpu.matmul %convert_element_type3A_5, %get3A_251, %dot_general3A {dimension_numbers = #tpu.dot_dimension_numbers<[1], [0], [0], [1], [0, 0, 1, 1], [], []>, transpose_lhs_hint = false} : vector<256x768xbf16>, vector<768x128xbf16>, vector<256x128xf32> -> vector<256x128xf32>
      %get3A_253 = arith.constant 0 : index
      %get3A_254 = arith.constant 128 : index
      %get3A_255 = vector.load %arg5[%get3A_253, %get3A_254] : memref<1x2048xf32, #tpu.memory_space<vmem>>, vector<1x128xf32>
      %add3A_256 = vector.broadcast %get3A_255 : vector<1x128xf32> to vector<256x128xf32>
      %add3A_257 = arith.addf %dot_general3A_252, %add3A_256 : vector<256x128xf32>
      %max3A = arith.constant 0.000000e+00 : f32
      %max3A_258 = vector.broadcast %max3A : f32 to vector<256x128xf32>
      %max3A_259 = arith.maximumf %add3A_257, %max3A_258 : vector<256x128xf32>
      %convert_element_type3A_260 = arith.truncf %max3A_259 : vector<256x128xf32> to vector<256x128xbf16>
      %get3A_261 = arith.constant 1 : index
      %get3A_262 = arith.constant 0 : index
      %get3A_263 = arith.constant 0 : index
      %get3A_264 = vector.load %arg13[%get3A_261, %get3A_262, %get3A_263] : memref<16x128x128xbf16, #tpu.memory_space<vmem>>, vector<1x128x128xbf16>
      %get3A_265 = vector.shape_cast %get3A_264 : vector<1x128x128xbf16> to vector<128x128xbf16>
      %dot_general3A_266 = arith.constant dense<0.000000e+00> : vector<256x128xf32>
      %dot_general3A_267 = tpu.matmul %convert_element_type3A_260, %get3A_265, %dot_general3A_266 {dimension_numbers = #tpu.dot_dimension_numbers<[1], [0], [0], [1], [0, 0, 1, 1], [], []>, transpose_lhs_hint = false} : vector<256x128xbf16>, vector<128x128xbf16>, vector<256x128xf32> -> vector<256x128xf32>
      %get3A_268 = arith.constant 0 : index
      %get3A_269 = arith.constant 128 : index
      %get3A_270 = vector.load %arg7[%get3A_268, %get3A_269] : memref<1x2048xf32, #tpu.memory_space<vmem>>, vector<1x128xf32>
      %add3A_271 = vector.broadcast %get3A_270 : vector<1x128xf32> to vector<256x128xf32>
      %add3A_272 = arith.addf %dot_general3A_267, %add3A_271 : vector<256x128xf32>
      %max3A_273 = arith.constant 0.000000e+00 : f32
      %max3A_274 = vector.broadcast %max3A_273 : f32 to vector<256x128xf32>
      %max3A_275 = arith.maximumf %add3A_272, %max3A_274 : vector<256x128xf32>
      %ge3A = vector.broadcast %get3A_23 : i32 to vector<256x1xi32>
      %ge3A_276 = arith.cmpi sge, %add3A_6, %ge3A : vector<256x1xi32>
      %lt3A_277 = vector.broadcast %get3A_26 : i32 to vector<256x1xi32>
      %lt3A_278 = arith.cmpi slt, %add3A_6, %lt3A_277 : vector<256x1xi32>
      %and3A_279 = arith.andi %ge3A_276, %lt3A_278 : vector<256x1xi1>
      %convert_element_type3A_280 = arith.extui %and3A_279 : vector<256x1xi1> to vector<256x1xi32>
      %convert_element_type3A_281 = arith.sitofp %convert_element_type3A_280 : vector<256x1xi32> to vector<256x1xf32>
      %get3A_282 = arith.constant 0 : index
      %get3A_283 = arith.constant 0 : index
      %get3A_284 = vector.load %arg11[%get3A_282, %get3A_283] : memref<256x768xf32, #tpu.memory_space<vmem>>, vector<256x768xf32>
      %mul3A_285 = vector.broadcast %convert_element_type3A_281 : vector<256x1xf32> to vector<256x128xf32>
      %mul3A_286 = arith.mulf %max3A_275, %mul3A_285 : vector<256x128xf32>
      %convert_element_type3A_287 = arith.truncf %mul3A_286 : vector<256x128xf32> to vector<256x128xbf16>
      %get3A_288 = arith.constant 128 : index
      %get3A_289 = arith.constant 0 : index
      %get3A_290 = vector.load %arg14[%get3A_288, %get3A_289] : memref<2048x768xbf16, #tpu.memory_space<vmem>>, vector<128x768xbf16>
      %dot_general3A_291 = arith.constant dense<0.000000e+00> : vector<256x768xf32>
      %dot_general3A_292 = tpu.matmul %convert_element_type3A_287, %get3A_290, %dot_general3A_291 {dimension_numbers = #tpu.dot_dimension_numbers<[1], [0], [0], [1], [0, 0, 1, 1], [], []>, transpose_lhs_hint = false} : vector<256x128xbf16>, vector<128x768xbf16>, vector<256x768xf32> -> vector<256x768xf32>
      %get3A_293 = arith.constant 1 : index
      %get3A_294 = arith.constant 0 : index
      %get3A_295 = vector.load %arg9[%get3A_293, %get3A_294] : memref<16x768xf32, #tpu.memory_space<vmem>>, vector<1x768xf32>
      %get3A_296 = vector.shape_cast %get3A_295 : vector<1x768xf32> to vector<768xf32>
      %broadcast_in_dim3A_297 = vector.shape_cast %get3A_296 : vector<768xf32> to vector<1x768xf32>
      %mul3A_298 = vector.broadcast %convert_element_type3A_281 : vector<256x1xf32> to vector<256x768xf32>
      %mul3A_299 = vector.broadcast %broadcast_in_dim3A_297 : vector<1x768xf32> to vector<256x768xf32>
      %mul3A_300 = arith.mulf %mul3A_298, %mul3A_299 : vector<256x768xf32>
      %add3A_301 = arith.addf %dot_general3A_292, %mul3A_300 : vector<256x768xf32>
      %add3A_302 = arith.addf %get3A_284, %add3A_301 : vector<256x768xf32>
      %swap3A_303 = arith.constant 0 : index
      %swap3A_304 = arith.constant 0 : index
      %swap3A_305 = vector.load %arg11[%swap3A_303, %swap3A_304] : memref<256x768xf32, #tpu.memory_space<vmem>>, vector<256x768xf32>
      tpu.vector_store %arg11[%swap3A_303, %swap3A_304], %add3A_302 {strides = array<i32>} : memref<256x768xf32, #tpu.memory_space<vmem>>, vector<256x768xf32>,
    } else {
    }
    %get3A_35 = arith.constant 0 : index
    %get3A_36 = arith.constant 2 : index
    %get3A_37 = memref.load %arg3[%get3A_35, %get3A_36] : memref<2x16xi32, #tpu.memory_space<smem>>
    %get3A_38 = arith.constant 1 : index
    %get3A_39 = arith.constant 2 : index
    %get3A_40 = memref.load %arg3[%get3A_38, %get3A_39] : memref<2x16xi32, #tpu.memory_space<smem>>
    %gt3A_41 = arith.cmpi sgt, %get3A_40, %mul3A_2 : i32
    %add3A_42 = arith.constant 256 : i32
    %add3A_43 = arith.addi %mul3A_2, %add3A_42 : i32
    %lt3A_44 = arith.cmpi slt, %get3A_37, %add3A_43 : i32
    %and3A_45 = arith.andi %gt3A_41, %lt3A_44 : i1
    %convert_element_type3A_46 = arith.extui %and3A_45 : i1 to i32
    %cond3A_47 = arith.constant 0 : i32
    %cond3A_48 = arith.cmpi ne, %convert_element_type3A_46, %cond3A_47 : i32
    scf.if %cond3A_48 {
      %get3A_249 = arith.constant 0 : index
      %get3A_250 = arith.constant 256 : index
      %get3A_251 = vector.load %arg12[%get3A_249, %get3A_250] : memref<768x2048xbf16, #tpu.memory_space<vmem>>, vector<768x128xbf16>
      %dot_general3A = arith.constant dense<0.000000e+00> : vector<256x128xf32>
      %dot_general3A_252 = tpu.matmul %convert_element_type3A_5, %get3A_251, %dot_general3A {dimension_numbers = #tpu.dot_dimension_numbers<[1], [0], [0], [1], [0, 0, 1, 1], [], []>, transpose_lhs_hint = false} : vector<256x768xbf16>, vector<768x128xbf16>, vector<256x128xf32> -> vector<256x128xf32>
      %get3A_253 = arith.constant 0 : index
      %get3A_254 = arith.constant 256 : index
      %get3A_255 = vector.load %arg5[%get3A_253, %get3A_254] : memref<1x2048xf32, #tpu.memory_space<vmem>>, vector<1x128xf32>
      %add3A_256 = vector.broadcast %get3A_255 : vector<1x128xf32> to vector<256x128xf32>
      %add3A_257 = arith.addf %dot_general3A_252, %add3A_256 : vector<256x128xf32>
      %max3A = arith.constant 0.000000e+00 : f32
      %max3A_258 = vector.broadcast %max3A : f32 to vector<256x128xf32>
      %max3A_259 = arith.maximumf %add3A_257, %max3A_258 : vector<256x128xf32>
      %convert_element_type3A_260 = arith.truncf %max3A_259 : vector<256x128xf32> to vector<256x128xbf16>
      %get3A_261 = arith.constant 2 : index
      %get3A_262 = arith.constant 0 : index
      %get3A_263 = arith.constant 0 : index
      %get3A_264 = vector.load %arg13[%get3A_261, %get3A_262, %get3A_263] : memref<16x128x128xbf16, #tpu.memory_space<vmem>>, vector<1x128x128xbf16>
      %get3A_265 = vector.shape_cast %get3A_264 : vector<1x128x128xbf16> to vector<128x128xbf16>
      %dot_general3A_266 = arith.constant dense<0.000000e+00> : vector<256x128xf32>
      %dot_general3A_267 = tpu.matmul %convert_element_type3A_260, %get3A_265, %dot_general3A_266 {dimension_numbers = #tpu.dot_dimension_numbers<[1], [0], [0], [1], [0, 0, 1, 1], [], []>, transpose_lhs_hint = false} : vector<256x128xbf16>, vector<128x128xbf16>, vector<256x128xf32> -> vector<256x128xf32>
      %get3A_268 = arith.constant 0 : index
      %get3A_269 = arith.constant 256 : index
      %get3A_270 = vector.load %arg7[%get3A_268, %get3A_269] : memref<1x2048xf32, #tpu.memory_space<vmem>>, vector<1x128xf32>
      %add3A_271 = vector.broadcast %get3A_270 : vector<1x128xf32> to vector<256x128xf32>
      %add3A_272 = arith.addf %dot_general3A_267, %add3A_271 : vector<256x128xf32>
      %max3A_273 = arith.constant 0.000000e+00 : f32
      %max3A_274 = vector.broadcast %max3A_273 : f32 to vector<256x128xf32>
      %max3A_275 = arith.maximumf %add3A_272, %max3A_274 : vector<256x128xf32>
      %ge3A = vector.broadcast %get3A_37 : i32 to vector<256x1xi32>
      %ge3A_276 = arith.cmpi sge, %add3A_6, %ge3A : vector<256x1xi32>
      %lt3A_277 = vector.broadcast %get3A_40 : i32 to vector<256x1xi32>
      %lt3A_278 = arith.cmpi slt, %add3A_6, %lt3A_277 : vector<256x1xi32>
      %and3A_279 = arith.andi %ge3A_276, %lt3A_278 : vector<256x1xi1>
      %convert_element_type3A_280 = arith.extui %and3A_279 : vector<256x1xi1> to vector<256x1xi32>
      %convert_element_type3A_281 = arith.sitofp %convert_element_type3A_280 : vector<256x1xi32> to vector<256x1xf32>
      %get3A_282 = arith.constant 0 : index
      %get3A_283 = arith.constant 0 : index
      %get3A_284 = vector.load %arg11[%get3A_282, %get3A_283] : memref<256x768xf32, #tpu.memory_space<vmem>>, vector<256x768xf32>
      %mul3A_285 = vector.broadcast %convert_element_type3A_281 : vector<256x1xf32> to vector<256x128xf32>
      %mul3A_286 = arith.mulf %max3A_275, %mul3A_285 : vector<256x128xf32>
      %convert_element_type3A_287 = arith.truncf %mul3A_286 : vector<256x128xf32> to vector<256x128xbf16>
      %get3A_288 = arith.constant 256 : index
      %get3A_289 = arith.constant 0 : index
      %get3A_290 = vector.load %arg14[%get3A_288, %get3A_289] : memref<2048x768xbf16, #tpu.memory_space<vmem>>, vector<128x768xbf16>
      %dot_general3A_291 = arith.constant dense<0.000000e+00> : vector<256x768xf32>
      %dot_general3A_292 = tpu.matmul %convert_element_type3A_287, %get3A_290, %dot_general3A_291 {dimension_numbers = #tpu.dot_dimension_numbers<[1], [0], [0], [1], [0, 0, 1, 1], [], []>, transpose_lhs_hint = false} : vector<256x128xbf16>, vector<128x768xbf16>, vector<256x768xf32> -> vector<256x768xf32>
      %get3A_293 = arith.constant 2 : index
      %get3A_294 = arith.constant 0 : index
      %get3A_295 = vector.load %arg9[%get3A_293, %get3A_294] : memref<16x768xf32, #tpu.memory_space<vmem>>, vector<1x768xf32>
      %get3A_296 = vector.shape_cast %get3A_295 : vector<1x768xf32> to vector<768xf32>
      %broadcast_in_dim3A_297 = vector.shape_cast %get3A_296 : vector<768xf32> to vector<1x768xf32>
      %mul3A_298 = vector.broadcast %convert_element_type3A_281 : vector<256x1xf32> to vector<256x768xf32>
      %mul3A_299 = vector.broadcast %broadcast_in_dim3A_297 : vector<1x768xf32> to vector<256x768xf32>
      %mul3A_300 = arith.mulf %mul3A_298, %mul3A_299 : vector<256x768xf32>
      %add3A_301 = arith.addf %dot_general3A_292, %mul3A_300 : vector<256x768xf32>
      %add3A_302 = arith.addf %get3A_284, %add3A_301 : vector<256x768xf32>
      %swap3A_303 = arith.constant 0 : index
      %swap3A_304 = arith.constant 0 : index
      %swap3A_305 = vector.load %arg11[%swap3A_303, %swap3A_304] : memref<256x768xf32, #tpu.memory_space<vmem>>, vector<256x768xf32>
      tpu.vector_store %arg11[%swap3A_303, %swap3A_304], %add3A_302 {strides = array<i32>} : memref<256x768xf32, #tpu.memory_space<vmem>>, vector<256x768xf32>,
    } else {
    }
    %get3A_49 = arith.constant 0 : index
    %get3A_50 = arith.constant 3 : index
    %get3A_51 = memref.load %arg3[%get3A_49, %get3A_50] : memref<2x16xi32, #tpu.memory_space<smem>>
    %get3A_52 = arith.constant 1 : index
    %get3A_53 = arith.constant 3 : index
    %get3A_54 = memref.load %arg3[%get3A_52, %get3A_53] : memref<2x16xi32, #tpu.memory_space<smem>>
    %gt3A_55 = arith.cmpi sgt, %get3A_54, %mul3A_2 : i32
    %add3A_56 = arith.constant 256 : i32
    %add3A_57 = arith.addi %mul3A_2, %add3A_56 : i32
    %lt3A_58 = arith.cmpi slt, %get3A_51, %add3A_57 : i32
    %and3A_59 = arith.andi %gt3A_55, %lt3A_58 : i1
    %convert_element_type3A_60 = arith.extui %and3A_59 : i1 to i32
    %cond3A_61 = arith.constant 0 : i32
    %cond3A_62 = arith.cmpi ne, %convert_element_type3A_60, %cond3A_61 : i32
    scf.if %cond3A_62 {
      %get3A_249 = arith.constant 0 : index
      %get3A_250 = arith.constant 384 : index
      %get3A_251 = vector.load %arg12[%get3A_249, %get3A_250] : memref<768x2048xbf16, #tpu.memory_space<vmem>>, vector<768x128xbf16>
      %dot_general3A = arith.constant dense<0.000000e+00> : vector<256x128xf32>
      %dot_general3A_252 = tpu.matmul %convert_element_type3A_5, %get3A_251, %dot_general3A {dimension_numbers = #tpu.dot_dimension_numbers<[1], [0], [0], [1], [0, 0, 1, 1], [], []>, transpose_lhs_hint = false} : vector<256x768xbf16>, vector<768x128xbf16>, vector<256x128xf32> -> vector<256x128xf32>
      %get3A_253 = arith.constant 0 : index
      %get3A_254 = arith.constant 384 : index
      %get3A_255 = vector.load %arg5[%get3A_253, %get3A_254] : memref<1x2048xf32, #tpu.memory_space<vmem>>, vector<1x128xf32>
      %add3A_256 = vector.broadcast %get3A_255 : vector<1x128xf32> to vector<256x128xf32>
      %add3A_257 = arith.addf %dot_general3A_252, %add3A_256 : vector<256x128xf32>
      %max3A = arith.constant 0.000000e+00 : f32
      %max3A_258 = vector.broadcast %max3A : f32 to vector<256x128xf32>
      %max3A_259 = arith.maximumf %add3A_257, %max3A_258 : vector<256x128xf32>
      %convert_element_type3A_260 = arith.truncf %max3A_259 : vector<256x128xf32> to vector<256x128xbf16>
      %get3A_261 = arith.constant 3 : index
      %get3A_262 = arith.constant 0 : index
      %get3A_263 = arith.constant 0 : index
      %get3A_264 = vector.load %arg13[%get3A_261, %get3A_262, %get3A_263] : memref<16x128x128xbf16, #tpu.memory_space<vmem>>, vector<1x128x128xbf16>
      %get3A_265 = vector.shape_cast %get3A_264 : vector<1x128x128xbf16> to vector<128x128xbf16>
      %dot_general3A_266 = arith.constant dense<0.000000e+00> : vector<256x128xf32>
      %dot_general3A_267 = tpu.matmul %convert_element_type3A_260, %get3A_265, %dot_general3A_266 {dimension_numbers = #tpu.dot_dimension_numbers<[1], [0], [0], [1], [0, 0, 1, 1], [], []>, transpose_lhs_hint = false} : vector<256x128xbf16>, vector<128x128xbf16>, vector<256x128xf32> -> vector<256x128xf32>
      %get3A_268 = arith.constant 0 : index
      %get3A_269 = arith.constant 384 : index
      %get3A_270 = vector.load %arg7[%get3A_268, %get3A_269] : memref<1x2048xf32, #tpu.memory_space<vmem>>, vector<1x128xf32>
      %add3A_271 = vector.broadcast %get3A_270 : vector<1x128xf32> to vector<256x128xf32>
      %add3A_272 = arith.addf %dot_general3A_267, %add3A_271 : vector<256x128xf32>
      %max3A_273 = arith.constant 0.000000e+00 : f32
      %max3A_274 = vector.broadcast %max3A_273 : f32 to vector<256x128xf32>
      %max3A_275 = arith.maximumf %add3A_272, %max3A_274 : vector<256x128xf32>
      %ge3A = vector.broadcast %get3A_51 : i32 to vector<256x1xi32>
      %ge3A_276 = arith.cmpi sge, %add3A_6, %ge3A : vector<256x1xi32>
      %lt3A_277 = vector.broadcast %get3A_54 : i32 to vector<256x1xi32>
      %lt3A_278 = arith.cmpi slt, %add3A_6, %lt3A_277 : vector<256x1xi32>
      %and3A_279 = arith.andi %ge3A_276, %lt3A_278 : vector<256x1xi1>
      %convert_element_type3A_280 = arith.extui %and3A_279 : vector<256x1xi1> to vector<256x1xi32>
      %convert_element_type3A_281 = arith.sitofp %convert_element_type3A_280 : vector<256x1xi32> to vector<256x1xf32>
      %get3A_282 = arith.constant 0 : index
      %get3A_283 = arith.constant 0 : index
      %get3A_284 = vector.load %arg11[%get3A_282, %get3A_283] : memref<256x768xf32, #tpu.memory_space<vmem>>, vector<256x768xf32>
      %mul3A_285 = vector.broadcast %convert_element_type3A_281 : vector<256x1xf32> to vector<256x128xf32>
      %mul3A_286 = arith.mulf %max3A_275, %mul3A_285 : vector<256x128xf32>
      %convert_element_type3A_287 = arith.truncf %mul3A_286 : vector<256x128xf32> to vector<256x128xbf16>
      %get3A_288 = arith.constant 384 : index
      %get3A_289 = arith.constant 0 : index
      %get3A_290 = vector.load %arg14[%get3A_288, %get3A_289] : memref<2048x768xbf16, #tpu.memory_space<vmem>>, vector<128x768xbf16>
      %dot_general3A_291 = arith.constant dense<0.000000e+00> : vector<256x768xf32>
      %dot_general3A_292 = tpu.matmul %convert_element_type3A_287, %get3A_290, %dot_general3A_291 {dimension_numbers = #tpu.dot_dimension_numbers<[1], [0], [0], [1], [0, 0, 1, 1], [], []>, transpose_lhs_hint = false} : vector<256x128xbf16>, vector<128x768xbf16>, vector<256x768xf32> -> vector<256x768xf32>
      %get3A_293 = arith.constant 3 : index
      %get3A_294 = arith.constant 0 : index
      %get3A_295 = vector.load %arg9[%get3A_293, %get3A_294] : memref<16x768xf32, #tpu.memory_space<vmem>>, vector<1x768xf32>
      %get3A_296 = vector.shape_cast %get3A_295 : vector<1x768xf32> to vector<768xf32>
      %broadcast_in_dim3A_297 = vector.shape_cast %get3A_296 : vector<768xf32> to vector<1x768xf32>
      %mul3A_298 = vector.broadcast %convert_element_type3A_281 : vector<256x1xf32> to vector<256x768xf32>
      %mul3A_299 = vector.broadcast %broadcast_in_dim3A_297 : vector<1x768xf32> to vector<256x768xf32>
      %mul3A_300 = arith.mulf %mul3A_298, %mul3A_299 : vector<256x768xf32>
      %add3A_301 = arith.addf %dot_general3A_292, %mul3A_300 : vector<256x768xf32>
      %add3A_302 = arith.addf %get3A_284, %add3A_301 : vector<256x768xf32>
      %swap3A_303 = arith.constant 0 : index
      %swap3A_304 = arith.constant 0 : index
      %swap3A_305 = vector.load %arg11[%swap3A_303, %swap3A_304] : memref<256x768xf32, #tpu.memory_space<vmem>>, vector<256x768xf32>
      tpu.vector_store %arg11[%swap3A_303, %swap3A_304], %add3A_302 {strides = array<i32>} : memref<256x768xf32, #tpu.memory_space<vmem>>, vector<256x768xf32>,
    } else {
    }
    %get3A_63 = arith.constant 0 : index
    %get3A_64 = arith.constant 4 : index
    %get3A_65 = memref.load %arg3[%get3A_63, %get3A_64] : memref<2x16xi32, #tpu.memory_space<smem>>
    %get3A_66 = arith.constant 1 : index
    %get3A_67 = arith.constant 4 : index
    %get3A_68 = memref.load %arg3[%get3A_66, %get3A_67] : memref<2x16xi32, #tpu.memory_space<smem>>
    %gt3A_69 = arith.cmpi sgt, %get3A_68, %mul3A_2 : i32
    %add3A_70 = arith.constant 256 : i32
    %add3A_71 = arith.addi %mul3A_2, %add3A_70 : i32
    %lt3A_72 = arith.cmpi slt, %get3A_65, %add3A_71 : i32
    %and3A_73 = arith.andi %gt3A_69, %lt3A_72 : i1
    %convert_element_type3A_74 = arith.extui %and3A_73 : i1 to i32
    %cond3A_75 = arith.constant 0 : i32
    %cond3A_76 = arith.cmpi ne, %convert_element_type3A_74, %cond3A_75 : i32
    scf.if %cond3A_76 {
      %get3A_249 = arith.constant 0 : index
      %get3A_250 = arith.constant 512 : index
      %get3A_251 = vector.load %arg12[%get3A_249, %get3A_250] : memref<768x2048xbf16, #tpu.memory_space<vmem>>, vector<768x128xbf16>
      %dot_general3A = arith.constant dense<0.000000e+00> : vector<256x128xf32>
      %dot_general3A_252 = tpu.matmul %convert_element_type3A_5, %get3A_251, %dot_general3A {dimension_numbers = #tpu.dot_dimension_numbers<[1], [0], [0], [1], [0, 0, 1, 1], [], []>, transpose_lhs_hint = false} : vector<256x768xbf16>, vector<768x128xbf16>, vector<256x128xf32> -> vector<256x128xf32>
      %get3A_253 = arith.constant 0 : index
      %get3A_254 = arith.constant 512 : index
      %get3A_255 = vector.load %arg5[%get3A_253, %get3A_254] : memref<1x2048xf32, #tpu.memory_space<vmem>>, vector<1x128xf32>
      %add3A_256 = vector.broadcast %get3A_255 : vector<1x128xf32> to vector<256x128xf32>
      %add3A_257 = arith.addf %dot_general3A_252, %add3A_256 : vector<256x128xf32>
      %max3A = arith.constant 0.000000e+00 : f32
      %max3A_258 = vector.broadcast %max3A : f32 to vector<256x128xf32>
      %max3A_259 = arith.maximumf %add3A_257, %max3A_258 : vector<256x128xf32>
      %convert_element_type3A_260 = arith.truncf %max3A_259 : vector<256x128xf32> to vector<256x128xbf16>
      %get3A_261 = arith.constant 4 : index
      %get3A_262 = arith.constant 0 : index
      %get3A_263 = arith.constant 0 : index
      %get3A_264 = vector.load %arg13[%get3A_261, %get3A_262, %get3A_263] : memref<16x128x128xbf16, #tpu.memory_space<vmem>>, vector<1x128x128xbf16>
      %get3A_265 = vector.shape_cast %get3A_264 : vector<1x128x128xbf16> to vector<128x128xbf16>
      %dot_general3A_266 = arith.constant dense<0.000000e+00> : vector<256x128xf32>
      %dot_general3A_267 = tpu.matmul %convert_element_type3A_260, %get3A_265, %dot_general3A_266 {dimension_numbers = #tpu.dot_dimension_numbers<[1], [0], [0], [1], [0, 0, 1, 1], [], []>, transpose_lhs_hint = false} : vector<256x128xbf16>, vector<128x128xbf16>, vector<256x128xf32> -> vector<256x128xf32>
      %get3A_268 = arith.constant 0 : index
      %get3A_269 = arith.constant 512 : index
      %get3A_270 = vector.load %arg7[%get3A_268, %get3A_269] : memref<1x2048xf32, #tpu.memory_space<vmem>>, vector<1x128xf32>
      %add3A_271 = vector.broadcast %get3A_270 : vector<1x128xf32> to vector<256x128xf32>
      %add3A_272 = arith.addf %dot_general3A_267, %add3A_271 : vector<256x128xf32>
      %max3A_273 = arith.constant 0.000000e+00 : f32
      %max3A_274 = vector.broadcast %max3A_273 : f32 to vector<256x128xf32>
      %max3A_275 = arith.maximumf %add3A_272, %max3A_274 : vector<256x128xf32>
      %ge3A = vector.broadcast %get3A_65 : i32 to vector<256x1xi32>
      %ge3A_276 = arith.cmpi sge, %add3A_6, %ge3A : vector<256x1xi32>
      %lt3A_277 = vector.broadcast %get3A_68 : i32 to vector<256x1xi32>
      %lt3A_278 = arith.cmpi slt, %add3A_6, %lt3A_277 : vector<256x1xi32>
      %and3A_279 = arith.andi %ge3A_276, %lt3A_278 : vector<256x1xi1>
      %convert_element_type3A_280 = arith.extui %and3A_279 : vector<256x1xi1> to vector<256x1xi32>
      %convert_element_type3A_281 = arith.sitofp %convert_element_type3A_280 : vector<256x1xi32> to vector<256x1xf32>
      %get3A_282 = arith.constant 0 : index
      %get3A_283 = arith.constant 0 : index
      %get3A_284 = vector.load %arg11[%get3A_282, %get3A_283] : memref<256x768xf32, #tpu.memory_space<vmem>>, vector<256x768xf32>
      %mul3A_285 = vector.broadcast %convert_element_type3A_281 : vector<256x1xf32> to vector<256x128xf32>
      %mul3A_286 = arith.mulf %max3A_275, %mul3A_285 : vector<256x128xf32>
      %convert_element_type3A_287 = arith.truncf %mul3A_286 : vector<256x128xf32> to vector<256x128xbf16>
      %get3A_288 = arith.constant 512 : index
      %get3A_289 = arith.constant 0 : index
      %get3A_290 = vector.load %arg14[%get3A_288, %get3A_289] : memref<2048x768xbf16, #tpu.memory_space<vmem>>, vector<128x768xbf16>
      %dot_general3A_291 = arith.constant dense<0.000000e+00> : vector<256x768xf32>
      %dot_general3A_292 = tpu.matmul %convert_element_type3A_287, %get3A_290, %dot_general3A_291 {dimension_numbers = #tpu.dot_dimension_numbers<[1], [0], [0], [1], [0, 0, 1, 1], [], []>, transpose_lhs_hint = false} : vector<256x128xbf16>, vector<128x768xbf16>, vector<256x768xf32> -> vector<256x768xf32>
      %get3A_293 = arith.constant 4 : index
      %get3A_294 = arith.constant 0 : index
      %get3A_295 = vector.load %arg9[%get3A_293, %get3A_294] : memref<16x768xf32, #tpu.memory_space<vmem>>, vector<1x768xf32>
      %get3A_296 = vector.shape_cast %get3A_295 : vector<1x768xf32> to vector<768xf32>
      %broadcast_in_dim3A_297 = vector.shape_cast %get3A_296 : vector<768xf32> to vector<1x768xf32>
      %mul3A_298 = vector.broadcast %convert_element_type3A_281 : vector<256x1xf32> to vector<256x768xf32>
      %mul3A_299 = vector.broadcast %broadcast_in_dim3A_297 : vector<1x768xf32> to vector<256x768xf32>
      %mul3A_300 = arith.mulf %mul3A_298, %mul3A_299 : vector<256x768xf32>
      %add3A_301 = arith.addf %dot_general3A_292, %mul3A_300 : vector<256x768xf32>
      %add3A_302 = arith.addf %get3A_284, %add3A_301 : vector<256x768xf32>
      %swap3A_303 = arith.constant 0 : index
      %swap3A_304 = arith.constant 0 : index
      %swap3A_305 = vector.load %arg11[%swap3A_303, %swap3A_304] : memref<256x768xf32, #tpu.memory_space<vmem>>, vector<256x768xf32>
      tpu.vector_store %arg11[%swap3A_303, %swap3A_304], %add3A_302 {strides = array<i32>} : memref<256x768xf32, #tpu.memory_space<vmem>>, vector<256x768xf32>,
    } else {
    }
    %get3A_77 = arith.constant 0 : index
    %get3A_78 = arith.constant 5 : index
    %get3A_79 = memref.load %arg3[%get3A_77, %get3A_78] : memref<2x16xi32, #tpu.memory_space<smem>>
    %get3A_80 = arith.constant 1 : index
    %get3A_81 = arith.constant 5 : index
    %get3A_82 = memref.load %arg3[%get3A_80, %get3A_81] : memref<2x16xi32, #tpu.memory_space<smem>>
    %gt3A_83 = arith.cmpi sgt, %get3A_82, %mul3A_2 : i32
    %add3A_84 = arith.constant 256 : i32
    %add3A_85 = arith.addi %mul3A_2, %add3A_84 : i32
    %lt3A_86 = arith.cmpi slt, %get3A_79, %add3A_85 : i32
    %and3A_87 = arith.andi %gt3A_83, %lt3A_86 : i1
    %convert_element_type3A_88 = arith.extui %and3A_87 : i1 to i32
    %cond3A_89 = arith.constant 0 : i32
    %cond3A_90 = arith.cmpi ne, %convert_element_type3A_88, %cond3A_89 : i32
    scf.if %cond3A_90 {
      %get3A_249 = arith.constant 0 : index
      %get3A_250 = arith.constant 640 : index
      %get3A_251 = vector.load %arg12[%get3A_249, %get3A_250] : memref<768x2048xbf16, #tpu.memory_space<vmem>>, vector<768x128xbf16>
      %dot_general3A = arith.constant dense<0.000000e+00> : vector<256x128xf32>
      %dot_general3A_252 = tpu.matmul %convert_element_type3A_5, %get3A_251, %dot_general3A {dimension_numbers = #tpu.dot_dimension_numbers<[1], [0], [0], [1], [0, 0, 1, 1], [], []>, transpose_lhs_hint = false} : vector<256x768xbf16>, vector<768x128xbf16>, vector<256x128xf32> -> vector<256x128xf32>
      %get3A_253 = arith.constant 0 : index
      %get3A_254 = arith.constant 640 : index
      %get3A_255 = vector.load %arg5[%get3A_253, %get3A_254] : memref<1x2048xf32, #tpu.memory_space<vmem>>, vector<1x128xf32>
      %add3A_256 = vector.broadcast %get3A_255 : vector<1x128xf32> to vector<256x128xf32>
      %add3A_257 = arith.addf %dot_general3A_252, %add3A_256 : vector<256x128xf32>
      %max3A = arith.constant 0.000000e+00 : f32
      %max3A_258 = vector.broadcast %max3A : f32 to vector<256x128xf32>
      %max3A_259 = arith.maximumf %add3A_257, %max3A_258 : vector<256x128xf32>
      %convert_element_type3A_260 = arith.truncf %max3A_259 : vector<256x128xf32> to vector<256x128xbf16>
      %get3A_261 = arith.constant 5 : index
      %get3A_262 = arith.constant 0 : index
      %get3A_263 = arith.constant 0 : index
      %get3A_264 = vector.load %arg13[%get3A_261, %get3A_262, %get3A_263] : memref<16x128x128xbf16, #tpu.memory_space<vmem>>, vector<1x128x128xbf16>
      %get3A_265 = vector.shape_cast %get3A_264 : vector<1x128x128xbf16> to vector<128x128xbf16>
      %dot_general3A_266 = arith.constant dense<0.000000e+00> : vector<256x128xf32>
      %dot_general3A_267 = tpu.matmul %convert_element_type3A_260, %get3A_265, %dot_general3A_266 {dimension_numbers = #tpu.dot_dimension_numbers<[1], [0], [0], [1], [0, 0, 1, 1], [], []>, transpose_lhs_hint = false} : vector<256x128xbf16>, vector<128x128xbf16>, vector<256x128xf32> -> vector<256x128xf32>
      %get3A_268 = arith.constant 0 : index
      %get3A_269 = arith.constant 640 : index
      %get3A_270 = vector.load %arg7[%get3A_268, %get3A_269] : memref<1x2048xf32, #tpu.memory_space<vmem>>, vector<1x128xf32>
      %add3A_271 = vector.broadcast %get3A_270 : vector<1x128xf32> to vector<256x128xf32>
      %add3A_272 = arith.addf %dot_general3A_267, %add3A_271 : vector<256x128xf32>
      %max3A_273 = arith.constant 0.000000e+00 : f32
      %max3A_274 = vector.broadcast %max3A_273 : f32 to vector<256x128xf32>
      %max3A_275 = arith.maximumf %add3A_272, %max3A_274 : vector<256x128xf32>
      %ge3A = vector.broadcast %get3A_79 : i32 to vector<256x1xi32>
      %ge3A_276 = arith.cmpi sge, %add3A_6, %ge3A : vector<256x1xi32>
      %lt3A_277 = vector.broadcast %get3A_82 : i32 to vector<256x1xi32>
      %lt3A_278 = arith.cmpi slt, %add3A_6, %lt3A_277 : vector<256x1xi32>
      %and3A_279 = arith.andi %ge3A_276, %lt3A_278 : vector<256x1xi1>
      %convert_element_type3A_280 = arith.extui %and3A_279 : vector<256x1xi1> to vector<256x1xi32>
      %convert_element_type3A_281 = arith.sitofp %convert_element_type3A_280 : vector<256x1xi32> to vector<256x1xf32>
      %get3A_282 = arith.constant 0 : index
      %get3A_283 = arith.constant 0 : index
      %get3A_284 = vector.load %arg11[%get3A_282, %get3A_283] : memref<256x768xf32, #tpu.memory_space<vmem>>, vector<256x768xf32>
      %mul3A_285 = vector.broadcast %convert_element_type3A_281 : vector<256x1xf32> to vector<256x128xf32>
      %mul3A_286 = arith.mulf %max3A_275, %mul3A_285 : vector<256x128xf32>
      %convert_element_type3A_287 = arith.truncf %mul3A_286 : vector<256x128xf32> to vector<256x128xbf16>
      %get3A_288 = arith.constant 640 : index
      %get3A_289 = arith.constant 0 : index
      %get3A_290 = vector.load %arg14[%get3A_288, %get3A_289] : memref<2048x768xbf16, #tpu.memory_space<vmem>>, vector<128x768xbf16>
      %dot_general3A_291 = arith.constant dense<0.000000e+00> : vector<256x768xf32>
      %dot_general3A_292 = tpu.matmul %convert_element_type3A_287, %get3A_290, %dot_general3A_291 {dimension_numbers = #tpu.dot_dimension_numbers<[1], [0], [0], [1], [0, 0, 1, 1], [], []>, transpose_lhs_hint = false} : vector<256x128xbf16>, vector<128x768xbf16>, vector<256x768xf32> -> vector<256x768xf32>
      %get3A_293 = arith.constant 5 : index
      %get3A_294 = arith.constant 0 : index
      %get3A_295 = vector.load %arg9[%get3A_293, %get3A_294] : memref<16x768xf32, #tpu.memory_space<vmem>>, vector<1x768xf32>
      %get3A_296 = vector.shape_cast %get3A_295 : vector<1x768xf32> to vector<768xf32>
      %broadcast_in_dim3A_297 = vector.shape_cast %get3A_296 : vector<768xf32> to vector<1x768xf32>
      %mul3A_298 = vector.broadcast %convert_element_type3A_281 : vector<256x1xf32> to vector<256x768xf32>
      %mul3A_299 = vector.broadcast %broadcast_in_dim3A_297 : vector<1x768xf32> to vector<256x768xf32>
      %mul3A_300 = arith.mulf %mul3A_298, %mul3A_299 : vector<256x768xf32>
      %add3A_301 = arith.addf %dot_general3A_292, %mul3A_300 : vector<256x768xf32>
      %add3A_302 = arith.addf %get3A_284, %add3A_301 : vector<256x768xf32>
      %swap3A_303 = arith.constant 0 : index
      %swap3A_304 = arith.constant 0 : index
      %swap3A_305 = vector.load %arg11[%swap3A_303, %swap3A_304] : memref<256x768xf32, #tpu.memory_space<vmem>>, vector<256x768xf32>
      tpu.vector_store %arg11[%swap3A_303, %swap3A_304], %add3A_302 {strides = array<i32>} : memref<256x768xf32, #tpu.memory_space<vmem>>, vector<256x768xf32>,
    } else {
    }
    %get3A_91 = arith.constant 0 : index
    %get3A_92 = arith.constant 6 : index
    %get3A_93 = memref.load %arg3[%get3A_91, %get3A_92] : memref<2x16xi32, #tpu.memory_space<smem>>
    %get3A_94 = arith.constant 1 : index
    %get3A_95 = arith.constant 6 : index
    %get3A_96 = memref.load %arg3[%get3A_94, %get3A_95] : memref<2x16xi32, #tpu.memory_space<smem>>
    %gt3A_97 = arith.cmpi sgt, %get3A_96, %mul3A_2 : i32
    %add3A_98 = arith.constant 256 : i32
    %add3A_99 = arith.addi %mul3A_2, %add3A_98 : i32
    %lt3A_100 = arith.cmpi slt, %get3A_93, %add3A_99 : i32
    %and3A_101 = arith.andi %gt3A_97, %lt3A_100 : i1
    %convert_element_type3A_102 = arith.extui %and3A_101 : i1 to i32
    %cond3A_103 = arith.constant 0 : i32
    %cond3A_104 = arith.cmpi ne, %convert_element_type3A_102, %cond3A_103 : i32
    scf.if %cond3A_104 {
      %get3A_249 = arith.constant 0 : index
      %get3A_250 = arith.constant 768 : index
      %get3A_251 = vector.load %arg12[%get3A_249, %get3A_250] : memref<768x2048xbf16, #tpu.memory_space<vmem>>, vector<768x128xbf16>
      %dot_general3A = arith.constant dense<0.000000e+00> : vector<256x128xf32>
      %dot_general3A_252 = tpu.matmul %convert_element_type3A_5, %get3A_251, %dot_general3A {dimension_numbers = #tpu.dot_dimension_numbers<[1], [0], [0], [1], [0, 0, 1, 1], [], []>, transpose_lhs_hint = false} : vector<256x768xbf16>, vector<768x128xbf16>, vector<256x128xf32> -> vector<256x128xf32>
      %get3A_253 = arith.constant 0 : index
      %get3A_254 = arith.constant 768 : index
      %get3A_255 = vector.load %arg5[%get3A_253, %get3A_254] : memref<1x2048xf32, #tpu.memory_space<vmem>>, vector<1x128xf32>
      %add3A_256 = vector.broadcast %get3A_255 : vector<1x128xf32> to vector<256x128xf32>
      %add3A_257 = arith.addf %dot_general3A_252, %add3A_256 : vector<256x128xf32>
      %max3A = arith.constant 0.000000e+00 : f32
      %max3A_258 = vector.broadcast %max3A : f32 to vector<256x128xf32>
      %max3A_259 = arith.maximumf %add3A_257, %max3A_258 : vector<256x128xf32>
      %convert_element_type3A_260 = arith.truncf %max3A_259 : vector<256x128xf32> to vector<256x128xbf16>
      %get3A_261 = arith.constant 6 : index
      %get3A_262 = arith.constant 0 : index
      %get3A_263 = arith.constant 0 : index
      %get3A_264 = vector.load %arg13[%get3A_261, %get3A_262, %get3A_263] : memref<16x128x128xbf16, #tpu.memory_space<vmem>>, vector<1x128x128xbf16>
      %get3A_265 = vector.shape_cast %get3A_264 : vector<1x128x128xbf16> to vector<128x128xbf16>
      %dot_general3A_266 = arith.constant dense<0.000000e+00> : vector<256x128xf32>
      %dot_general3A_267 = tpu.matmul %convert_element_type3A_260, %get3A_265, %dot_general3A_266 {dimension_numbers = #tpu.dot_dimension_numbers<[1], [0], [0], [1], [0, 0, 1, 1], [], []>, transpose_lhs_hint = false} : vector<256x128xbf16>, vector<128x128xbf16>, vector<256x128xf32> -> vector<256x128xf32>
      %get3A_268 = arith.constant 0 : index
      %get3A_269 = arith.constant 768 : index
      %get3A_270 = vector.load %arg7[%get3A_268, %get3A_269] : memref<1x2048xf32, #tpu.memory_space<vmem>>, vector<1x128xf32>
      %add3A_271 = vector.broadcast %get3A_270 : vector<1x128xf32> to vector<256x128xf32>
      %add3A_272 = arith.addf %dot_general3A_267, %add3A_271 : vector<256x128xf32>
      %max3A_273 = arith.constant 0.000000e+00 : f32
      %max3A_274 = vector.broadcast %max3A_273 : f32 to vector<256x128xf32>
      %max3A_275 = arith.maximumf %add3A_272, %max3A_274 : vector<256x128xf32>
      %ge3A = vector.broadcast %get3A_93 : i32 to vector<256x1xi32>
      %ge3A_276 = arith.cmpi sge, %add3A_6, %ge3A : vector<256x1xi32>
      %lt3A_277 = vector.broadcast %get3A_96 : i32 to vector<256x1xi32>
      %lt3A_278 = arith.cmpi slt, %add3A_6, %lt3A_277 : vector<256x1xi32>
      %and3A_279 = arith.andi %ge3A_276, %lt3A_278 : vector<256x1xi1>
      %convert_element_type3A_280 = arith.extui %and3A_279 : vector<256x1xi1> to vector<256x1xi32>
      %convert_element_type3A_281 = arith.sitofp %convert_element_type3A_280 : vector<256x1xi32> to vector<256x1xf32>
      %get3A_282 = arith.constant 0 : index
      %get3A_283 = arith.constant 0 : index
      %get3A_284 = vector.load %arg11[%get3A_282, %get3A_283] : memref<256x768xf32, #tpu.memory_space<vmem>>, vector<256x768xf32>
      %mul3A_285 = vector.broadcast %convert_element_type3A_281 : vector<256x1xf32> to vector<256x128xf32>
      %mul3A_286 = arith.mulf %max3A_275, %mul3A_285 : vector<256x128xf32>
      %convert_element_type3A_287 = arith.truncf %mul3A_286 : vector<256x128xf32> to vector<256x128xbf16>
      %get3A_288 = arith.constant 768 : index
      %get3A_289 = arith.constant 0 : index
      %get3A_290 = vector.load %arg14[%get3A_288, %get3A_289] : memref<2048x768xbf16, #tpu.memory_space<vmem>>, vector<128x768xbf16>
      %dot_general3A_291 = arith.constant dense<0.000000e+00> : vector<256x768xf32>
      %dot_general3A_292 = tpu.matmul %convert_element_type3A_287, %get3A_290, %dot_general3A_291 {dimension_numbers = #tpu.dot_dimension_numbers<[1], [0], [0], [1], [0, 0, 1, 1], [], []>, transpose_lhs_hint = false} : vector<256x128xbf16>, vector<128x768xbf16>, vector<256x768xf32> -> vector<256x768xf32>
      %get3A_293 = arith.constant 6 : index
      %get3A_294 = arith.constant 0 : index
      %get3A_295 = vector.load %arg9[%get3A_293, %get3A_294] : memref<16x768xf32, #tpu.memory_space<vmem>>, vector<1x768xf32>
      %get3A_296 = vector.shape_cast %get3A_295 : vector<1x768xf32> to vector<768xf32>
      %broadcast_in_dim3A_297 = vector.shape_cast %get3A_296 : vector<768xf32> to vector<1x768xf32>
      %mul3A_298 = vector.broadcast %convert_element_type3A_281 : vector<256x1xf32> to vector<256x768xf32>
      %mul3A_299 = vector.broadcast %broadcast_in_dim3A_297 : vector<1x768xf32> to vector<256x768xf32>
      %mul3A_300 = arith.mulf %mul3A_298, %mul3A_299 : vector<256x768xf32>
      %add3A_301 = arith.addf %dot_general3A_292, %mul3A_300 : vector<256x768xf32>
      %add3A_302 = arith.addf %get3A_284, %add3A_301 : vector<256x768xf32>
      %swap3A_303 = arith.constant 0 : index
      %swap3A_304 = arith.constant 0 : index
      %swap3A_305 = vector.load %arg11[%swap3A_303, %swap3A_304] : memref<256x768xf32, #tpu.memory_space<vmem>>, vector<256x768xf32>
      tpu.vector_store %arg11[%swap3A_303, %swap3A_304], %add3A_302 {strides = array<i32>} : memref<256x768xf32, #tpu.memory_space<vmem>>, vector<256x768xf32>,
    } else {
    }
    %get3A_105 = arith.constant 0 : index
    %get3A_106 = arith.constant 7 : index
    %get3A_107 = memref.load %arg3[%get3A_105, %get3A_106] : memref<2x16xi32, #tpu.memory_space<smem>>
    %get3A_108 = arith.constant 1 : index
    %get3A_109 = arith.constant 7 : index
    %get3A_110 = memref.load %arg3[%get3A_108, %get3A_109] : memref<2x16xi32, #tpu.memory_space<smem>>
    %gt3A_111 = arith.cmpi sgt, %get3A_110, %mul3A_2 : i32
    %add3A_112 = arith.constant 256 : i32
    %add3A_113 = arith.addi %mul3A_2, %add3A_112 : i32
    %lt3A_114 = arith.cmpi slt, %get3A_107, %add3A_113 : i32
    %and3A_115 = arith.andi %gt3A_111, %lt3A_114 : i1
    %convert_element_type3A_116 = arith.extui %and3A_115 : i1 to i32
    %cond3A_117 = arith.constant 0 : i32
    %cond3A_118 = arith.cmpi ne, %convert_element_type3A_116, %cond3A_117 : i32
    scf.if %cond3A_118 {
      %get3A_249 = arith.constant 0 : index
      %get3A_250 = arith.constant 896 : index
      %get3A_251 = vector.load %arg12[%get3A_249, %get3A_250] : memref<768x2048xbf16, #tpu.memory_space<vmem>>, vector<768x128xbf16>
      %dot_general3A = arith.constant dense<0.000000e+00> : vector<256x128xf32>
      %dot_general3A_252 = tpu.matmul %convert_element_type3A_5, %get3A_251, %dot_general3A {dimension_numbers = #tpu.dot_dimension_numbers<[1], [0], [0], [1], [0, 0, 1, 1], [], []>, transpose_lhs_hint = false} : vector<256x768xbf16>, vector<768x128xbf16>, vector<256x128xf32> -> vector<256x128xf32>
      %get3A_253 = arith.constant 0 : index
      %get3A_254 = arith.constant 896 : index
      %get3A_255 = vector.load %arg5[%get3A_253, %get3A_254] : memref<1x2048xf32, #tpu.memory_space<vmem>>, vector<1x128xf32>
      %add3A_256 = vector.broadcast %get3A_255 : vector<1x128xf32> to vector<256x128xf32>
      %add3A_257 = arith.addf %dot_general3A_252, %add3A_256 : vector<256x128xf32>
      %max3A = arith.constant 0.000000e+00 : f32
      %max3A_258 = vector.broadcast %max3A : f32 to vector<256x128xf32>
      %max3A_259 = arith.maximumf %add3A_257, %max3A_258 : vector<256x128xf32>
      %convert_element_type3A_260 = arith.truncf %max3A_259 : vector<256x128xf32> to vector<256x128xbf16>
      %get3A_261 = arith.constant 7 : index
      %get3A_262 = arith.constant 0 : index
      %get3A_263 = arith.constant 0 : index
      %get3A_264 = vector.load %arg13[%get3A_261, %get3A_262, %get3A_263] : memref<16x128x128xbf16, #tpu.memory_space<vmem>>, vector<1x128x128xbf16>
      %get3A_265 = vector.shape_cast %get3A_264 : vector<1x128x128xbf16> to vector<128x128xbf16>
      %dot_general3A_266 = arith.constant dense<0.000000e+00> : vector<256x128xf32>
      %dot_general3A_267 = tpu.matmul %convert_element_type3A_260, %get3A_265, %dot_general3A_266 {dimension_numbers = #tpu.dot_dimension_numbers<[1], [0], [0], [1], [0, 0, 1, 1], [], []>, transpose_lhs_hint = false} : vector<256x128xbf16>, vector<128x128xbf16>, vector<256x128xf32> -> vector<256x128xf32>
      %get3A_268 = arith.constant 0 : index
      %get3A_269 = arith.constant 896 : index
      %get3A_270 = vector.load %arg7[%get3A_268, %get3A_269] : memref<1x2048xf32, #tpu.memory_space<vmem>>, vector<1x128xf32>
      %add3A_271 = vector.broadcast %get3A_270 : vector<1x128xf32> to vector<256x128xf32>
      %add3A_272 = arith.addf %dot_general3A_267, %add3A_271 : vector<256x128xf32>
      %max3A_273 = arith.constant 0.000000e+00 : f32
      %max3A_274 = vector.broadcast %max3A_273 : f32 to vector<256x128xf32>
      %max3A_275 = arith.maximumf %add3A_272, %max3A_274 : vector<256x128xf32>
      %ge3A = vector.broadcast %get3A_107 : i32 to vector<256x1xi32>
      %ge3A_276 = arith.cmpi sge, %add3A_6, %ge3A : vector<256x1xi32>
      %lt3A_277 = vector.broadcast %get3A_110 : i32 to vector<256x1xi32>
      %lt3A_278 = arith.cmpi slt, %add3A_6, %lt3A_277 : vector<256x1xi32>
      %and3A_279 = arith.andi %ge3A_276, %lt3A_278 : vector<256x1xi1>
      %convert_element_type3A_280 = arith.extui %and3A_279 : vector<256x1xi1> to vector<256x1xi32>
      %convert_element_type3A_281 = arith.sitofp %convert_element_type3A_280 : vector<256x1xi32> to vector<256x1xf32>
      %get3A_282 = arith.constant 0 : index
      %get3A_283 = arith.constant 0 : index
      %get3A_284 = vector.load %arg11[%get3A_282, %get3A_283] : memref<256x768xf32, #tpu.memory_space<vmem>>, vector<256x768xf32>
      %mul3A_285 = vector.broadcast %convert_element_type3A_281 : vector<256x1xf32> to vector<256x128xf32>
      %mul3A_286 = arith.mulf %max3A_275, %mul3A_285 : vector<256x128xf32>
      %convert_element_type3A_287 = arith.truncf %mul3A_286 : vector<256x128xf32> to vector<256x128xbf16>
      %get3A_288 = arith.constant 896 : index
      %get3A_289 = arith.constant 0 : index
      %get3A_290 = vector.load %arg14[%get3A_288, %get3A_289] : memref<2048x768xbf16, #tpu.memory_space<vmem>>, vector<128x768xbf16>
      %dot_general3A_291 = arith.constant dense<0.000000e+00> : vector<256x768xf32>
      %dot_general3A_292 = tpu.matmul %convert_element_type3A_287, %get3A_290, %dot_general3A_291 {dimension_numbers = #tpu.dot_dimension_numbers<[1], [0], [0], [1], [0, 0, 1, 1], [], []>, transpose_lhs_hint = false} : vector<256x128xbf16>, vector<128x768xbf16>, vector<256x768xf32> -> vector<256x768xf32>
      %get3A_293 = arith.constant 7 : index
      %get3A_294 = arith.constant 0 : index
      %get3A_295 = vector.load %arg9[%get3A_293, %get3A_294] : memref<16x768xf32, #tpu.memory_space<vmem>>, vector<1x768xf32>
      %get3A_296 = vector.shape_cast %get3A_295 : vector<1x768xf32> to vector<768xf32>
      %broadcast_in_dim3A_297 = vector.shape_cast %get3A_296 : vector<768xf32> to vector<1x768xf32>
      %mul3A_298 = vector.broadcast %convert_element_type3A_281 : vector<256x1xf32> to vector<256x768xf32>
      %mul3A_299 = vector.broadcast %broadcast_in_dim3A_297 : vector<1x768xf32> to vector<256x768xf32>
      %mul3A_300 = arith.mulf %mul3A_298, %mul3A_299 : vector<256x768xf32>
      %add3A_301 = arith.addf %dot_general3A_292, %mul3A_300 : vector<256x768xf32>
      %add3A_302 = arith.addf %get3A_284, %add3A_301 : vector<256x768xf32>
      %swap3A_303 = arith.constant 0 : index
      %swap3A_304 = arith.constant 0 : index
      %swap3A_305 = vector.load %arg11[%swap3A_303, %swap3A_304] : memref<256x768xf32, #tpu.memory_space<vmem>>, vector<256x768xf32>
      tpu.vector_store %arg11[%swap3A_303, %swap3A_304], %add3A_302 {strides = array<i32>} : memref<256x768xf32, #tpu.memory_space<vmem>>, vector<256x768xf32>,
    } else {
    }
    %get3A_119 = arith.constant 0 : index
    %get3A_120 = arith.constant 8 : index
    %get3A_121 = memref.load %arg3[%get3A_119, %get3A_120] : memref<2x16xi32, #tpu.memory_space<smem>>
    %get3A_122 = arith.constant 1 : index
    %get3A_123 = arith.constant 8 : index
    %get3A_124 = memref.load %arg3[%get3A_122, %get3A_123] : memref<2x16xi32, #tpu.memory_space<smem>>
    %gt3A_125 = arith.cmpi sgt, %get3A_124, %mul3A_2 : i32
    %add3A_126 = arith.constant 256 : i32
    %add3A_127 = arith.addi %mul3A_2, %add3A_126 : i32
    %lt3A_128 = arith.cmpi slt, %get3A_121, %add3A_127 : i32
    %and3A_129 = arith.andi %gt3A_125, %lt3A_128 : i1
    %convert_element_type3A_130 = arith.extui %and3A_129 : i1 to i32
    %cond3A_131 = arith.constant 0 : i32
    %cond3A_132 = arith.cmpi ne, %convert_element_type3A_130, %cond3A_131 : i32
    scf.if %cond3A_132 {
      %get3A_249 = arith.constant 0 : index
      %get3A_250 = arith.constant 1024 : index
      %get3A_251 = vector.load %arg12[%get3A_249, %get3A_250] : memref<768x2048xbf16, #tpu.memory_space<vmem>>, vector<768x128xbf16>
      %dot_general3A = arith.constant dense<0.000000e+00> : vector<256x128xf32>
      %dot_general3A_252 = tpu.matmul %convert_element_type3A_5, %get3A_251, %dot_general3A {dimension_numbers = #tpu.dot_dimension_numbers<[1], [0], [0], [1], [0, 0, 1, 1], [], []>, transpose_lhs_hint = false} : vector<256x768xbf16>, vector<768x128xbf16>, vector<256x128xf32> -> vector<256x128xf32>
      %get3A_253 = arith.constant 0 : index
      %get3A_254 = arith.constant 1024 : index
      %get3A_255 = vector.load %arg5[%get3A_253, %get3A_254] : memref<1x2048xf32, #tpu.memory_space<vmem>>, vector<1x128xf32>
      %add3A_256 = vector.broadcast %get3A_255 : vector<1x128xf32> to vector<256x128xf32>
      %add3A_257 = arith.addf %dot_general3A_252, %add3A_256 : vector<256x128xf32>
      %max3A = arith.constant 0.000000e+00 : f32
      %max3A_258 = vector.broadcast %max3A : f32 to vector<256x128xf32>
      %max3A_259 = arith.maximumf %add3A_257, %max3A_258 : vector<256x128xf32>
      %convert_element_type3A_260 = arith.truncf %max3A_259 : vector<256x128xf32> to vector<256x128xbf16>
      %get3A_261 = arith.constant 8 : index
      %get3A_262 = arith.constant 0 : index
      %get3A_263 = arith.constant 0 : index
      %get3A_264 = vector.load %arg13[%get3A_261, %get3A_262, %get3A_263] : memref<16x128x128xbf16, #tpu.memory_space<vmem>>, vector<1x128x128xbf16>
      %get3A_265 = vector.shape_cast %get3A_264 : vector<1x128x128xbf16> to vector<128x128xbf16>
      %dot_general3A_266 = arith.constant dense<0.000000e+00> : vector<256x128xf32>
      %dot_general3A_267 = tpu.matmul %convert_element_type3A_260, %get3A_265, %dot_general3A_266 {dimension_numbers = #tpu.dot_dimension_numbers<[1], [0], [0], [1], [0, 0, 1, 1], [], []>, transpose_lhs_hint = false} : vector<256x128xbf16>, vector<128x128xbf16>, vector<256x128xf32> -> vector<256x128xf32>
      %get3A_268 = arith.constant 0 : index
      %get3A_269 = arith.constant 1024 : index
      %get3A_270 = vector.load %arg7[%get3A_268, %get3A_269] : memref<1x2048xf32, #tpu.memory_space<vmem>>, vector<1x128xf32>
      %add3A_271 = vector.broadcast %get3A_270 : vector<1x128xf32> to vector<256x128xf32>
      %add3A_272 = arith.addf %dot_general3A_267, %add3A_271 : vector<256x128xf32>
      %max3A_273 = arith.constant 0.000000e+00 : f32
      %max3A_274 = vector.broadcast %max3A_273 : f32 to vector<256x128xf32>
      %max3A_275 = arith.maximumf %add3A_272, %max3A_274 : vector<256x128xf32>
      %ge3A = vector.broadcast %get3A_121 : i32 to vector<256x1xi32>
      %ge3A_276 = arith.cmpi sge, %add3A_6, %ge3A : vector<256x1xi32>
      %lt3A_277 = vector.broadcast %get3A_124 : i32 to vector<256x1xi32>
      %lt3A_278 = arith.cmpi slt, %add3A_6, %lt3A_277 : vector<256x1xi32>
      %and3A_279 = arith.andi %ge3A_276, %lt3A_278 : vector<256x1xi1>
      %convert_element_type3A_280 = arith.extui %and3A_279 : vector<256x1xi1> to vector<256x1xi32>
      %convert_element_type3A_281 = arith.sitofp %convert_element_type3A_280 : vector<256x1xi32> to vector<256x1xf32>
      %get3A_282 = arith.constant 0 : index
      %get3A_283 = arith.constant 0 : index
      %get3A_284 = vector.load %arg11[%get3A_282, %get3A_283] : memref<256x768xf32, #tpu.memory_space<vmem>>, vector<256x768xf32>
      %mul3A_285 = vector.broadcast %convert_element_type3A_281 : vector<256x1xf32> to vector<256x128xf32>
      %mul3A_286 = arith.mulf %max3A_275, %mul3A_285 : vector<256x128xf32>
      %convert_element_type3A_287 = arith.truncf %mul3A_286 : vector<256x128xf32> to vector<256x128xbf16>
      %get3A_288 = arith.constant 1024 : index
      %get3A_289 = arith.constant 0 : index
      %get3A_290 = vector.load %arg14[%get3A_288, %get3A_289] : memref<2048x768xbf16, #tpu.memory_space<vmem>>, vector<128x768xbf16>
      %dot_general3A_291 = arith.constant dense<0.000000e+00> : vector<256x768xf32>
      %dot_general3A_292 = tpu.matmul %convert_element_type3A_287, %get3A_290, %dot_general3A_291 {dimension_numbers = #tpu.dot_dimension_numbers<[1], [0], [0], [1], [0, 0, 1, 1], [], []>, transpose_lhs_hint = false} : vector<256x128xbf16>, vector<128x768xbf16>, vector<256x768xf32> -> vector<256x768xf32>
      %get3A_293 = arith.constant 8 : index
      %get3A_294 = arith.constant 0 : index
      %get3A_295 = vector.load %arg9[%get3A_293, %get3A_294] : memref<16x768xf32, #tpu.memory_space<vmem>>, vector<1x768xf32>
      %get3A_296 = vector.shape_cast %get3A_295 : vector<1x768xf32> to vector<768xf32>
      %broadcast_in_dim3A_297 = vector.shape_cast %get3A_296 : vector<768xf32> to vector<1x768xf32>
      %mul3A_298 = vector.broadcast %convert_element_type3A_281 : vector<256x1xf32> to vector<256x768xf32>
      %mul3A_299 = vector.broadcast %broadcast_in_dim3A_297 : vector<1x768xf32> to vector<256x768xf32>
      %mul3A_300 = arith.mulf %mul3A_298, %mul3A_299 : vector<256x768xf32>
      %add3A_301 = arith.addf %dot_general3A_292, %mul3A_300 : vector<256x768xf32>
      %add3A_302 = arith.addf %get3A_284, %add3A_301 : vector<256x768xf32>
      %swap3A_303 = arith.constant 0 : index
      %swap3A_304 = arith.constant 0 : index
      %swap3A_305 = vector.load %arg11[%swap3A_303, %swap3A_304] : memref<256x768xf32, #tpu.memory_space<vmem>>, vector<256x768xf32>
      tpu.vector_store %arg11[%swap3A_303, %swap3A_304], %add3A_302 {strides = array<i32>} : memref<256x768xf32, #tpu.memory_space<vmem>>, vector<256x768xf32>,
    } else {
    }
    %get3A_133 = arith.constant 0 : index
    %get3A_134 = arith.constant 9 : index
    %get3A_135 = memref.load %arg3[%get3A_133, %get3A_134] : memref<2x16xi32, #tpu.memory_space<smem>>
    %get3A_136 = arith.constant 1 : index
    %get3A_137 = arith.constant 9 : index
    %get3A_138 = memref.load %arg3[%get3A_136, %get3A_137] : memref<2x16xi32, #tpu.memory_space<smem>>
    %gt3A_139 = arith.cmpi sgt, %get3A_138, %mul3A_2 : i32
    %add3A_140 = arith.constant 256 : i32
    %add3A_141 = arith.addi %mul3A_2, %add3A_140 : i32
    %lt3A_142 = arith.cmpi slt, %get3A_135, %add3A_141 : i32
    %and3A_143 = arith.andi %gt3A_139, %lt3A_142 : i1
    %convert_element_type3A_144 = arith.extui %and3A_143 : i1 to i32
    %cond3A_145 = arith.constant 0 : i32
    %cond3A_146 = arith.cmpi ne, %convert_element_type3A_144, %cond3A_145 : i32
    scf.if %cond3A_146 {
      %get3A_249 = arith.constant 0 : index
      %get3A_250 = arith.constant 1152 : index
      %get3A_251 = vector.load %arg12[%get3A_249, %get3A_250] : memref<768x2048xbf16, #tpu.memory_space<vmem>>, vector<768x128xbf16>
      %dot_general3A = arith.constant dense<0.000000e+00> : vector<256x128xf32>
      %dot_general3A_252 = tpu.matmul %convert_element_type3A_5, %get3A_251, %dot_general3A {dimension_numbers = #tpu.dot_dimension_numbers<[1], [0], [0], [1], [0, 0, 1, 1], [], []>, transpose_lhs_hint = false} : vector<256x768xbf16>, vector<768x128xbf16>, vector<256x128xf32> -> vector<256x128xf32>
      %get3A_253 = arith.constant 0 : index
      %get3A_254 = arith.constant 1152 : index
      %get3A_255 = vector.load %arg5[%get3A_253, %get3A_254] : memref<1x2048xf32, #tpu.memory_space<vmem>>, vector<1x128xf32>
      %add3A_256 = vector.broadcast %get3A_255 : vector<1x128xf32> to vector<256x128xf32>
      %add3A_257 = arith.addf %dot_general3A_252, %add3A_256 : vector<256x128xf32>
      %max3A = arith.constant 0.000000e+00 : f32
      %max3A_258 = vector.broadcast %max3A : f32 to vector<256x128xf32>
      %max3A_259 = arith.maximumf %add3A_257, %max3A_258 : vector<256x128xf32>
      %convert_element_type3A_260 = arith.truncf %max3A_259 : vector<256x128xf32> to vector<256x128xbf16>
      %get3A_261 = arith.constant 9 : index
      %get3A_262 = arith.constant 0 : index
      %get3A_263 = arith.constant 0 : index
      %get3A_264 = vector.load %arg13[%get3A_261, %get3A_262, %get3A_263] : memref<16x128x128xbf16, #tpu.memory_space<vmem>>, vector<1x128x128xbf16>
      %get3A_265 = vector.shape_cast %get3A_264 : vector<1x128x128xbf16> to vector<128x128xbf16>
      %dot_general3A_266 = arith.constant dense<0.000000e+00> : vector<256x128xf32>
      %dot_general3A_267 = tpu.matmul %convert_element_type3A_260, %get3A_265, %dot_general3A_266 {dimension_numbers = #tpu.dot_dimension_numbers<[1], [0], [0], [1], [0, 0, 1, 1], [], []>, transpose_lhs_hint = false} : vector<256x128xbf16>, vector<128x128xbf16>, vector<256x128xf32> -> vector<256x128xf32>
      %get3A_268 = arith.constant 0 : index
      %get3A_269 = arith.constant 1152 : index
      %get3A_270 = vector.load %arg7[%get3A_268, %get3A_269] : memref<1x2048xf32, #tpu.memory_space<vmem>>, vector<1x128xf32>
      %add3A_271 = vector.broadcast %get3A_270 : vector<1x128xf32> to vector<256x128xf32>
      %add3A_272 = arith.addf %dot_general3A_267, %add3A_271 : vector<256x128xf32>
      %max3A_273 = arith.constant 0.000000e+00 : f32
      %max3A_274 = vector.broadcast %max3A_273 : f32 to vector<256x128xf32>
      %max3A_275 = arith.maximumf %add3A_272, %max3A_274 : vector<256x128xf32>
      %ge3A = vector.broadcast %get3A_135 : i32 to vector<256x1xi32>
      %ge3A_276 = arith.cmpi sge, %add3A_6, %ge3A : vector<256x1xi32>
      %lt3A_277 = vector.broadcast %get3A_138 : i32 to vector<256x1xi32>
      %lt3A_278 = arith.cmpi slt, %add3A_6, %lt3A_277 : vector<256x1xi32>
      %and3A_279 = arith.andi %ge3A_276, %lt3A_278 : vector<256x1xi1>
      %convert_element_type3A_280 = arith.extui %and3A_279 : vector<256x1xi1> to vector<256x1xi32>
      %convert_element_type3A_281 = arith.sitofp %convert_element_type3A_280 : vector<256x1xi32> to vector<256x1xf32>
      %get3A_282 = arith.constant 0 : index
      %get3A_283 = arith.constant 0 : index
      %get3A_284 = vector.load %arg11[%get3A_282, %get3A_283] : memref<256x768xf32, #tpu.memory_space<vmem>>, vector<256x768xf32>
      %mul3A_285 = vector.broadcast %convert_element_type3A_281 : vector<256x1xf32> to vector<256x128xf32>
      %mul3A_286 = arith.mulf %max3A_275, %mul3A_285 : vector<256x128xf32>
      %convert_element_type3A_287 = arith.truncf %mul3A_286 : vector<256x128xf32> to vector<256x128xbf16>
      %get3A_288 = arith.constant 1152 : index
      %get3A_289 = arith.constant 0 : index
      %get3A_290 = vector.load %arg14[%get3A_288, %get3A_289] : memref<2048x768xbf16, #tpu.memory_space<vmem>>, vector<128x768xbf16>
      %dot_general3A_291 = arith.constant dense<0.000000e+00> : vector<256x768xf32>
      %dot_general3A_292 = tpu.matmul %convert_element_type3A_287, %get3A_290, %dot_general3A_291 {dimension_numbers = #tpu.dot_dimension_numbers<[1], [0], [0], [1], [0, 0, 1, 1], [], []>, transpose_lhs_hint = false} : vector<256x128xbf16>, vector<128x768xbf16>, vector<256x768xf32> -> vector<256x768xf32>
      %get3A_293 = arith.constant 9 : index
      %get3A_294 = arith.constant 0 : index
      %get3A_295 = vector.load %arg9[%get3A_293, %get3A_294] : memref<16x768xf32, #tpu.memory_space<vmem>>, vector<1x768xf32>
      %get3A_296 = vector.shape_cast %get3A_295 : vector<1x768xf32> to vector<768xf32>
      %broadcast_in_dim3A_297 = vector.shape_cast %get3A_296 : vector<768xf32> to vector<1x768xf32>
      %mul3A_298 = vector.broadcast %convert_element_type3A_281 : vector<256x1xf32> to vector<256x768xf32>
      %mul3A_299 = vector.broadcast %broadcast_in_dim3A_297 : vector<1x768xf32> to vector<256x768xf32>
      %mul3A_300 = arith.mulf %mul3A_298, %mul3A_299 : vector<256x768xf32>
      %add3A_301 = arith.addf %dot_general3A_292, %mul3A_300 : vector<256x768xf32>
      %add3A_302 = arith.addf %get3A_284, %add3A_301 : vector<256x768xf32>
      %swap3A_303 = arith.constant 0 : index
      %swap3A_304 = arith.constant 0 : index
      %swap3A_305 = vector.load %arg11[%swap3A_303, %swap3A_304] : memref<256x768xf32, #tpu.memory_space<vmem>>, vector<256x768xf32>
      tpu.vector_store %arg11[%swap3A_303, %swap3A_304], %add3A_302 {strides = array<i32>} : memref<256x768xf32, #tpu.memory_space<vmem>>, vector<256x768xf32>,
    } else {
    }
    %get3A_147 = arith.constant 0 : index
    %get3A_148 = arith.constant 10 : index
    %get3A_149 = memref.load %arg3[%get3A_147, %get3A_148] : memref<2x16xi32, #tpu.memory_space<smem>>
    %get3A_150 = arith.constant 1 : index
    %get3A_151 = arith.constant 10 : index
    %get3A_152 = memref.load %arg3[%get3A_150, %get3A_151] : memref<2x16xi32, #tpu.memory_space<smem>>
    %gt3A_153 = arith.cmpi sgt, %get3A_152, %mul3A_2 : i32
    %add3A_154 = arith.constant 256 : i32
    %add3A_155 = arith.addi %mul3A_2, %add3A_154 : i32
    %lt3A_156 = arith.cmpi slt, %get3A_149, %add3A_155 : i32
    %and3A_157 = arith.andi %gt3A_153, %lt3A_156 : i1
    %convert_element_type3A_158 = arith.extui %and3A_157 : i1 to i32
    %cond3A_159 = arith.constant 0 : i32
    %cond3A_160 = arith.cmpi ne, %convert_element_type3A_158, %cond3A_159 : i32
    scf.if %cond3A_160 {
      %get3A_249 = arith.constant 0 : index
      %get3A_250 = arith.constant 1280 : index
      %get3A_251 = vector.load %arg12[%get3A_249, %get3A_250] : memref<768x2048xbf16, #tpu.memory_space<vmem>>, vector<768x128xbf16>
      %dot_general3A = arith.constant dense<0.000000e+00> : vector<256x128xf32>
      %dot_general3A_252 = tpu.matmul %convert_element_type3A_5, %get3A_251, %dot_general3A {dimension_numbers = #tpu.dot_dimension_numbers<[1], [0], [0], [1], [0, 0, 1, 1], [], []>, transpose_lhs_hint = false} : vector<256x768xbf16>, vector<768x128xbf16>, vector<256x128xf32> -> vector<256x128xf32>
      %get3A_253 = arith.constant 0 : index
      %get3A_254 = arith.constant 1280 : index
      %get3A_255 = vector.load %arg5[%get3A_253, %get3A_254] : memref<1x2048xf32, #tpu.memory_space<vmem>>, vector<1x128xf32>
      %add3A_256 = vector.broadcast %get3A_255 : vector<1x128xf32> to vector<256x128xf32>
      %add3A_257 = arith.addf %dot_general3A_252, %add3A_256 : vector<256x128xf32>
      %max3A = arith.constant 0.000000e+00 : f32
      %max3A_258 = vector.broadcast %max3A : f32 to vector<256x128xf32>
      %max3A_259 = arith.maximumf %add3A_257, %max3A_258 : vector<256x128xf32>
      %convert_element_type3A_260 = arith.truncf %max3A_259 : vector<256x128xf32> to vector<256x128xbf16>
      %get3A_261 = arith.constant 10 : index
      %get3A_262 = arith.constant 0 : index
      %get3A_263 = arith.constant 0 : index
      %get3A_264 = vector.load %arg13[%get3A_261, %get3A_262, %get3A_263] : memref<16x128x128xbf16, #tpu.memory_space<vmem>>, vector<1x128x128xbf16>
      %get3A_265 = vector.shape_cast %get3A_264 : vector<1x128x128xbf16> to vector<128x128xbf16>
      %dot_general3A_266 = arith.constant dense<0.000000e+00> : vector<256x128xf32>
      %dot_general3A_267 = tpu.matmul %convert_element_type3A_260, %get3A_265, %dot_general3A_266 {dimension_numbers = #tpu.dot_dimension_numbers<[1], [0], [0], [1], [0, 0, 1, 1], [], []>, transpose_lhs_hint = false} : vector<256x128xbf16>, vector<128x128xbf16>, vector<256x128xf32> -> vector<256x128xf32>
      %get3A_268 = arith.constant 0 : index
      %get3A_269 = arith.constant 1280 : index
      %get3A_270 = vector.load %arg7[%get3A_268, %get3A_269] : memref<1x2048xf32, #tpu.memory_space<vmem>>, vector<1x128xf32>
      %add3A_271 = vector.broadcast %get3A_270 : vector<1x128xf32> to vector<256x128xf32>
      %add3A_272 = arith.addf %dot_general3A_267, %add3A_271 : vector<256x128xf32>
      %max3A_273 = arith.constant 0.000000e+00 : f32
      %max3A_274 = vector.broadcast %max3A_273 : f32 to vector<256x128xf32>
      %max3A_275 = arith.maximumf %add3A_272, %max3A_274 : vector<256x128xf32>
      %ge3A = vector.broadcast %get3A_149 : i32 to vector<256x1xi32>
      %ge3A_276 = arith.cmpi sge, %add3A_6, %ge3A : vector<256x1xi32>
      %lt3A_277 = vector.broadcast %get3A_152 : i32 to vector<256x1xi32>
      %lt3A_278 = arith.cmpi slt, %add3A_6, %lt3A_277 : vector<256x1xi32>
      %and3A_279 = arith.andi %ge3A_276, %lt3A_278 : vector<256x1xi1>
      %convert_element_type3A_280 = arith.extui %and3A_279 : vector<256x1xi1> to vector<256x1xi32>
      %convert_element_type3A_281 = arith.sitofp %convert_element_type3A_280 : vector<256x1xi32> to vector<256x1xf32>
      %get3A_282 = arith.constant 0 : index
      %get3A_283 = arith.constant 0 : index
      %get3A_284 = vector.load %arg11[%get3A_282, %get3A_283] : memref<256x768xf32, #tpu.memory_space<vmem>>, vector<256x768xf32>
      %mul3A_285 = vector.broadcast %convert_element_type3A_281 : vector<256x1xf32> to vector<256x128xf32>
      %mul3A_286 = arith.mulf %max3A_275, %mul3A_285 : vector<256x128xf32>
      %convert_element_type3A_287 = arith.truncf %mul3A_286 : vector<256x128xf32> to vector<256x128xbf16>
      %get3A_288 = arith.constant 1280 : index
      %get3A_289 = arith.constant 0 : index
      %get3A_290 = vector.load %arg14[%get3A_288, %get3A_289] : memref<2048x768xbf16, #tpu.memory_space<vmem>>, vector<128x768xbf16>
      %dot_general3A_291 = arith.constant dense<0.000000e+00> : vector<256x768xf32>
      %dot_general3A_292 = tpu.matmul %convert_element_type3A_287, %get3A_290, %dot_general3A_291 {dimension_numbers = #tpu.dot_dimension_numbers<[1], [0], [0], [1], [0, 0, 1, 1], [], []>, transpose_lhs_hint = false} : vector<256x128xbf16>, vector<128x768xbf16>, vector<256x768xf32> -> vector<256x768xf32>
      %get3A_293 = arith.constant 10 : index
      %get3A_294 = arith.constant 0 : index
      %get3A_295 = vector.load %arg9[%get3A_293, %get3A_294] : memref<16x768xf32, #tpu.memory_space<vmem>>, vector<1x768xf32>
      %get3A_296 = vector.shape_cast %get3A_295 : vector<1x768xf32> to vector<768xf32>
      %broadcast_in_dim3A_297 = vector.shape_cast %get3A_296 : vector<768xf32> to vector<1x768xf32>
      %mul3A_298 = vector.broadcast %convert_element_type3A_281 : vector<256x1xf32> to vector<256x768xf32>
      %mul3A_299 = vector.broadcast %broadcast_in_dim3A_297 : vector<1x768xf32> to vector<256x768xf32>
      %mul3A_300 = arith.mulf %mul3A_298, %mul3A_299 : vector<256x768xf32>
      %add3A_301 = arith.addf %dot_general3A_292, %mul3A_300 : vector<256x768xf32>
      %add3A_302 = arith.addf %get3A_284, %add3A_301 : vector<256x768xf32>
      %swap3A_303 = arith.constant 0 : index
      %swap3A_304 = arith.constant 0 : index
      %swap3A_305 = vector.load %arg11[%swap3A_303, %swap3A_304] : memref<256x768xf32, #tpu.memory_space<vmem>>, vector<256x768xf32>
      tpu.vector_store %arg11[%swap3A_303, %swap3A_304], %add3A_302 {strides = array<i32>} : memref<256x768xf32, #tpu.memory_space<vmem>>, vector<256x768xf32>,
    } else {
    }
    %get3A_161 = arith.constant 0 : index
    %get3A_162 = arith.constant 11 : index
    %get3A_163 = memref.load %arg3[%get3A_161, %get3A_162] : memref<2x16xi32, #tpu.memory_space<smem>>
    %get3A_164 = arith.constant 1 : index
    %get3A_165 = arith.constant 11 : index
    %get3A_166 = memref.load %arg3[%get3A_164, %get3A_165] : memref<2x16xi32, #tpu.memory_space<smem>>
    %gt3A_167 = arith.cmpi sgt, %get3A_166, %mul3A_2 : i32
    %add3A_168 = arith.constant 256 : i32
    %add3A_169 = arith.addi %mul3A_2, %add3A_168 : i32
    %lt3A_170 = arith.cmpi slt, %get3A_163, %add3A_169 : i32
    %and3A_171 = arith.andi %gt3A_167, %lt3A_170 : i1
    %convert_element_type3A_172 = arith.extui %and3A_171 : i1 to i32
    %cond3A_173 = arith.constant 0 : i32
    %cond3A_174 = arith.cmpi ne, %convert_element_type3A_172, %cond3A_173 : i32
    scf.if %cond3A_174 {
      %get3A_249 = arith.constant 0 : index
      %get3A_250 = arith.constant 1408 : index
      %get3A_251 = vector.load %arg12[%get3A_249, %get3A_250] : memref<768x2048xbf16, #tpu.memory_space<vmem>>, vector<768x128xbf16>
      %dot_general3A = arith.constant dense<0.000000e+00> : vector<256x128xf32>
      %dot_general3A_252 = tpu.matmul %convert_element_type3A_5, %get3A_251, %dot_general3A {dimension_numbers = #tpu.dot_dimension_numbers<[1], [0], [0], [1], [0, 0, 1, 1], [], []>, transpose_lhs_hint = false} : vector<256x768xbf16>, vector<768x128xbf16>, vector<256x128xf32> -> vector<256x128xf32>
      %get3A_253 = arith.constant 0 : index
      %get3A_254 = arith.constant 1408 : index
      %get3A_255 = vector.load %arg5[%get3A_253, %get3A_254] : memref<1x2048xf32, #tpu.memory_space<vmem>>, vector<1x128xf32>
      %add3A_256 = vector.broadcast %get3A_255 : vector<1x128xf32> to vector<256x128xf32>
      %add3A_257 = arith.addf %dot_general3A_252, %add3A_256 : vector<256x128xf32>
      %max3A = arith.constant 0.000000e+00 : f32
      %max3A_258 = vector.broadcast %max3A : f32 to vector<256x128xf32>
      %max3A_259 = arith.maximumf %add3A_257, %max3A_258 : vector<256x128xf32>
      %convert_element_type3A_260 = arith.truncf %max3A_259 : vector<256x128xf32> to vector<256x128xbf16>
      %get3A_261 = arith.constant 11 : index
      %get3A_262 = arith.constant 0 : index
      %get3A_263 = arith.constant 0 : index
      %get3A_264 = vector.load %arg13[%get3A_261, %get3A_262, %get3A_263] : memref<16x128x128xbf16, #tpu.memory_space<vmem>>, vector<1x128x128xbf16>
      %get3A_265 = vector.shape_cast %get3A_264 : vector<1x128x128xbf16> to vector<128x128xbf16>
      %dot_general3A_266 = arith.constant dense<0.000000e+00> : vector<256x128xf32>
      %dot_general3A_267 = tpu.matmul %convert_element_type3A_260, %get3A_265, %dot_general3A_266 {dimension_numbers = #tpu.dot_dimension_numbers<[1], [0], [0], [1], [0, 0, 1, 1], [], []>, transpose_lhs_hint = false} : vector<256x128xbf16>, vector<128x128xbf16>, vector<256x128xf32> -> vector<256x128xf32>
      %get3A_268 = arith.constant 0 : index
      %get3A_269 = arith.constant 1408 : index
      %get3A_270 = vector.load %arg7[%get3A_268, %get3A_269] : memref<1x2048xf32, #tpu.memory_space<vmem>>, vector<1x128xf32>
      %add3A_271 = vector.broadcast %get3A_270 : vector<1x128xf32> to vector<256x128xf32>
      %add3A_272 = arith.addf %dot_general3A_267, %add3A_271 : vector<256x128xf32>
      %max3A_273 = arith.constant 0.000000e+00 : f32
      %max3A_274 = vector.broadcast %max3A_273 : f32 to vector<256x128xf32>
      %max3A_275 = arith.maximumf %add3A_272, %max3A_274 : vector<256x128xf32>
      %ge3A = vector.broadcast %get3A_163 : i32 to vector<256x1xi32>
      %ge3A_276 = arith.cmpi sge, %add3A_6, %ge3A : vector<256x1xi32>
      %lt3A_277 = vector.broadcast %get3A_166 : i32 to vector<256x1xi32>
      %lt3A_278 = arith.cmpi slt, %add3A_6, %lt3A_277 : vector<256x1xi32>
      %and3A_279 = arith.andi %ge3A_276, %lt3A_278 : vector<256x1xi1>
      %convert_element_type3A_280 = arith.extui %and3A_279 : vector<256x1xi1> to vector<256x1xi32>
      %convert_element_type3A_281 = arith.sitofp %convert_element_type3A_280 : vector<256x1xi32> to vector<256x1xf32>
      %get3A_282 = arith.constant 0 : index
      %get3A_283 = arith.constant 0 : index
      %get3A_284 = vector.load %arg11[%get3A_282, %get3A_283] : memref<256x768xf32, #tpu.memory_space<vmem>>, vector<256x768xf32>
      %mul3A_285 = vector.broadcast %convert_element_type3A_281 : vector<256x1xf32> to vector<256x128xf32>
      %mul3A_286 = arith.mulf %max3A_275, %mul3A_285 : vector<256x128xf32>
      %convert_element_type3A_287 = arith.truncf %mul3A_286 : vector<256x128xf32> to vector<256x128xbf16>
      %get3A_288 = arith.constant 1408 : index
      %get3A_289 = arith.constant 0 : index
      %get3A_290 = vector.load %arg14[%get3A_288, %get3A_289] : memref<2048x768xbf16, #tpu.memory_space<vmem>>, vector<128x768xbf16>
      %dot_general3A_291 = arith.constant dense<0.000000e+00> : vector<256x768xf32>
      %dot_general3A_292 = tpu.matmul %convert_element_type3A_287, %get3A_290, %dot_general3A_291 {dimension_numbers = #tpu.dot_dimension_numbers<[1], [0], [0], [1], [0, 0, 1, 1], [], []>, transpose_lhs_hint = false} : vector<256x128xbf16>, vector<128x768xbf16>, vector<256x768xf32> -> vector<256x768xf32>
      %get3A_293 = arith.constant 11 : index
      %get3A_294 = arith.constant 0 : index
      %get3A_295 = vector.load %arg9[%get3A_293, %get3A_294] : memref<16x768xf32, #tpu.memory_space<vmem>>, vector<1x768xf32>
      %get3A_296 = vector.shape_cast %get3A_295 : vector<1x768xf32> to vector<768xf32>
      %broadcast_in_dim3A_297 = vector.shape_cast %get3A_296 : vector<768xf32> to vector<1x768xf32>
      %mul3A_298 = vector.broadcast %convert_element_type3A_281 : vector<256x1xf32> to vector<256x768xf32>
      %mul3A_299 = vector.broadcast %broadcast_in_dim3A_297 : vector<1x768xf32> to vector<256x768xf32>
      %mul3A_300 = arith.mulf %mul3A_298, %mul3A_299 : vector<256x768xf32>
      %add3A_301 = arith.addf %dot_general3A_292, %mul3A_300 : vector<256x768xf32>
      %add3A_302 = arith.addf %get3A_284, %add3A_301 : vector<256x768xf32>
      %swap3A_303 = arith.constant 0 : index
      %swap3A_304 = arith.constant 0 : index
      %swap3A_305 = vector.load %arg11[%swap3A_303, %swap3A_304] : memref<256x768xf32, #tpu.memory_space<vmem>>, vector<256x768xf32>
      tpu.vector_store %arg11[%swap3A_303, %swap3A_304], %add3A_302 {strides = array<i32>} : memref<256x768xf32, #tpu.memory_space<vmem>>, vector<256x768xf32>,
    } else {
    }
    %get3A_175 = arith.constant 0 : index
    %get3A_176 = arith.constant 12 : index
    %get3A_177 = memref.load %arg3[%get3A_175, %get3A_176] : memref<2x16xi32, #tpu.memory_space<smem>>
    %get3A_178 = arith.constant 1 : index
    %get3A_179 = arith.constant 12 : index
    %get3A_180 = memref.load %arg3[%get3A_178, %get3A_179] : memref<2x16xi32, #tpu.memory_space<smem>>
    %gt3A_181 = arith.cmpi sgt, %get3A_180, %mul3A_2 : i32
    %add3A_182 = arith.constant 256 : i32
    %add3A_183 = arith.addi %mul3A_2, %add3A_182 : i32
    %lt3A_184 = arith.cmpi slt, %get3A_177, %add3A_183 : i32
    %and3A_185 = arith.andi %gt3A_181, %lt3A_184 : i1
    %convert_element_type3A_186 = arith.extui %and3A_185 : i1 to i32
    %cond3A_187 = arith.constant 0 : i32
    %cond3A_188 = arith.cmpi ne, %convert_element_type3A_186, %cond3A_187 : i32
    scf.if %cond3A_188 {
      %get3A_249 = arith.constant 0 : index
      %get3A_250 = arith.constant 1536 : index
      %get3A_251 = vector.load %arg12[%get3A_249, %get3A_250] : memref<768x2048xbf16, #tpu.memory_space<vmem>>, vector<768x128xbf16>
      %dot_general3A = arith.constant dense<0.000000e+00> : vector<256x128xf32>
      %dot_general3A_252 = tpu.matmul %convert_element_type3A_5, %get3A_251, %dot_general3A {dimension_numbers = #tpu.dot_dimension_numbers<[1], [0], [0], [1], [0, 0, 1, 1], [], []>, transpose_lhs_hint = false} : vector<256x768xbf16>, vector<768x128xbf16>, vector<256x128xf32> -> vector<256x128xf32>
      %get3A_253 = arith.constant 0 : index
      %get3A_254 = arith.constant 1536 : index
      %get3A_255 = vector.load %arg5[%get3A_253, %get3A_254] : memref<1x2048xf32, #tpu.memory_space<vmem>>, vector<1x128xf32>
      %add3A_256 = vector.broadcast %get3A_255 : vector<1x128xf32> to vector<256x128xf32>
      %add3A_257 = arith.addf %dot_general3A_252, %add3A_256 : vector<256x128xf32>
      %max3A = arith.constant 0.000000e+00 : f32
      %max3A_258 = vector.broadcast %max3A : f32 to vector<256x128xf32>
      %max3A_259 = arith.maximumf %add3A_257, %max3A_258 : vector<256x128xf32>
      %convert_element_type3A_260 = arith.truncf %max3A_259 : vector<256x128xf32> to vector<256x128xbf16>
      %get3A_261 = arith.constant 12 : index
      %get3A_262 = arith.constant 0 : index
      %get3A_263 = arith.constant 0 : index
      %get3A_264 = vector.load %arg13[%get3A_261, %get3A_262, %get3A_263] : memref<16x128x128xbf16, #tpu.memory_space<vmem>>, vector<1x128x128xbf16>
      %get3A_265 = vector.shape_cast %get3A_264 : vector<1x128x128xbf16> to vector<128x128xbf16>
      %dot_general3A_266 = arith.constant dense<0.000000e+00> : vector<256x128xf32>
      %dot_general3A_267 = tpu.matmul %convert_element_type3A_260, %get3A_265, %dot_general3A_266 {dimension_numbers = #tpu.dot_dimension_numbers<[1], [0], [0], [1], [0, 0, 1, 1], [], []>, transpose_lhs_hint = false} : vector<256x128xbf16>, vector<128x128xbf16>, vector<256x128xf32> -> vector<256x128xf32>
      %get3A_268 = arith.constant 0 : index
      %get3A_269 = arith.constant 1536 : index
      %get3A_270 = vector.load %arg7[%get3A_268, %get3A_269] : memref<1x2048xf32, #tpu.memory_space<vmem>>, vector<1x128xf32>
      %add3A_271 = vector.broadcast %get3A_270 : vector<1x128xf32> to vector<256x128xf32>
      %add3A_272 = arith.addf %dot_general3A_267, %add3A_271 : vector<256x128xf32>
      %max3A_273 = arith.constant 0.000000e+00 : f32
      %max3A_274 = vector.broadcast %max3A_273 : f32 to vector<256x128xf32>
      %max3A_275 = arith.maximumf %add3A_272, %max3A_274 : vector<256x128xf32>
      %ge3A = vector.broadcast %get3A_177 : i32 to vector<256x1xi32>
      %ge3A_276 = arith.cmpi sge, %add3A_6, %ge3A : vector<256x1xi32>
      %lt3A_277 = vector.broadcast %get3A_180 : i32 to vector<256x1xi32>
      %lt3A_278 = arith.cmpi slt, %add3A_6, %lt3A_277 : vector<256x1xi32>
      %and3A_279 = arith.andi %ge3A_276, %lt3A_278 : vector<256x1xi1>
      %convert_element_type3A_280 = arith.extui %and3A_279 : vector<256x1xi1> to vector<256x1xi32>
      %convert_element_type3A_281 = arith.sitofp %convert_element_type3A_280 : vector<256x1xi32> to vector<256x1xf32>
      %get3A_282 = arith.constant 0 : index
      %get3A_283 = arith.constant 0 : index
      %get3A_284 = vector.load %arg11[%get3A_282, %get3A_283] : memref<256x768xf32, #tpu.memory_space<vmem>>, vector<256x768xf32>
      %mul3A_285 = vector.broadcast %convert_element_type3A_281 : vector<256x1xf32> to vector<256x128xf32>
      %mul3A_286 = arith.mulf %max3A_275, %mul3A_285 : vector<256x128xf32>
      %convert_element_type3A_287 = arith.truncf %mul3A_286 : vector<256x128xf32> to vector<256x128xbf16>
      %get3A_288 = arith.constant 1536 : index
      %get3A_289 = arith.constant 0 : index
      %get3A_290 = vector.load %arg14[%get3A_288, %get3A_289] : memref<2048x768xbf16, #tpu.memory_space<vmem>>, vector<128x768xbf16>
      %dot_general3A_291 = arith.constant dense<0.000000e+00> : vector<256x768xf32>
      %dot_general3A_292 = tpu.matmul %convert_element_type3A_287, %get3A_290, %dot_general3A_291 {dimension_numbers = #tpu.dot_dimension_numbers<[1], [0], [0], [1], [0, 0, 1, 1], [], []>, transpose_lhs_hint = false} : vector<256x128xbf16>, vector<128x768xbf16>, vector<256x768xf32> -> vector<256x768xf32>
      %get3A_293 = arith.constant 12 : index
      %get3A_294 = arith.constant 0 : index
      %get3A_295 = vector.load %arg9[%get3A_293, %get3A_294] : memref<16x768xf32, #tpu.memory_space<vmem>>, vector<1x768xf32>
      %get3A_296 = vector.shape_cast %get3A_295 : vector<1x768xf32> to vector<768xf32>
      %broadcast_in_dim3A_297 = vector.shape_cast %get3A_296 : vector<768xf32> to vector<1x768xf32>
      %mul3A_298 = vector.broadcast %convert_element_type3A_281 : vector<256x1xf32> to vector<256x768xf32>
      %mul3A_299 = vector.broadcast %broadcast_in_dim3A_297 : vector<1x768xf32> to vector<256x768xf32>
      %mul3A_300 = arith.mulf %mul3A_298, %mul3A_299 : vector<256x768xf32>
      %add3A_301 = arith.addf %dot_general3A_292, %mul3A_300 : vector<256x768xf32>
      %add3A_302 = arith.addf %get3A_284, %add3A_301 : vector<256x768xf32>
      %swap3A_303 = arith.constant 0 : index
      %swap3A_304 = arith.constant 0 : index
      %swap3A_305 = vector.load %arg11[%swap3A_303, %swap3A_304] : memref<256x768xf32, #tpu.memory_space<vmem>>, vector<256x768xf32>
      tpu.vector_store %arg11[%swap3A_303, %swap3A_304], %add3A_302 {strides = array<i32>} : memref<256x768xf32, #tpu.memory_space<vmem>>, vector<256x768xf32>,
    } else {
    }
    %get3A_189 = arith.constant 0 : index
    %get3A_190 = arith.constant 13 : index
    %get3A_191 = memref.load %arg3[%get3A_189, %get3A_190] : memref<2x16xi32, #tpu.memory_space<smem>>
    %get3A_192 = arith.constant 1 : index
    %get3A_193 = arith.constant 13 : index
    %get3A_194 = memref.load %arg3[%get3A_192, %get3A_193] : memref<2x16xi32, #tpu.memory_space<smem>>
    %gt3A_195 = arith.cmpi sgt, %get3A_194, %mul3A_2 : i32
    %add3A_196 = arith.constant 256 : i32
    %add3A_197 = arith.addi %mul3A_2, %add3A_196 : i32
    %lt3A_198 = arith.cmpi slt, %get3A_191, %add3A_197 : i32
    %and3A_199 = arith.andi %gt3A_195, %lt3A_198 : i1
    %convert_element_type3A_200 = arith.extui %and3A_199 : i1 to i32
    %cond3A_201 = arith.constant 0 : i32
    %cond3A_202 = arith.cmpi ne, %convert_element_type3A_200, %cond3A_201 : i32
    scf.if %cond3A_202 {
      %get3A_249 = arith.constant 0 : index
      %get3A_250 = arith.constant 1664 : index
      %get3A_251 = vector.load %arg12[%get3A_249, %get3A_250] : memref<768x2048xbf16, #tpu.memory_space<vmem>>, vector<768x128xbf16>
      %dot_general3A = arith.constant dense<0.000000e+00> : vector<256x128xf32>
      %dot_general3A_252 = tpu.matmul %convert_element_type3A_5, %get3A_251, %dot_general3A {dimension_numbers = #tpu.dot_dimension_numbers<[1], [0], [0], [1], [0, 0, 1, 1], [], []>, transpose_lhs_hint = false} : vector<256x768xbf16>, vector<768x128xbf16>, vector<256x128xf32> -> vector<256x128xf32>
      %get3A_253 = arith.constant 0 : index
      %get3A_254 = arith.constant 1664 : index
      %get3A_255 = vector.load %arg5[%get3A_253, %get3A_254] : memref<1x2048xf32, #tpu.memory_space<vmem>>, vector<1x128xf32>
      %add3A_256 = vector.broadcast %get3A_255 : vector<1x128xf32> to vector<256x128xf32>
      %add3A_257 = arith.addf %dot_general3A_252, %add3A_256 : vector<256x128xf32>
      %max3A = arith.constant 0.000000e+00 : f32
      %max3A_258 = vector.broadcast %max3A : f32 to vector<256x128xf32>
      %max3A_259 = arith.maximumf %add3A_257, %max3A_258 : vector<256x128xf32>
      %convert_element_type3A_260 = arith.truncf %max3A_259 : vector<256x128xf32> to vector<256x128xbf16>
      %get3A_261 = arith.constant 13 : index
      %get3A_262 = arith.constant 0 : index
      %get3A_263 = arith.constant 0 : index
      %get3A_264 = vector.load %arg13[%get3A_261, %get3A_262, %get3A_263] : memref<16x128x128xbf16, #tpu.memory_space<vmem>>, vector<1x128x128xbf16>
      %get3A_265 = vector.shape_cast %get3A_264 : vector<1x128x128xbf16> to vector<128x128xbf16>
      %dot_general3A_266 = arith.constant dense<0.000000e+00> : vector<256x128xf32>
      %dot_general3A_267 = tpu.matmul %convert_element_type3A_260, %get3A_265, %dot_general3A_266 {dimension_numbers = #tpu.dot_dimension_numbers<[1], [0], [0], [1], [0, 0, 1, 1], [], []>, transpose_lhs_hint = false} : vector<256x128xbf16>, vector<128x128xbf16>, vector<256x128xf32> -> vector<256x128xf32>
      %get3A_268 = arith.constant 0 : index
      %get3A_269 = arith.constant 1664 : index
      %get3A_270 = vector.load %arg7[%get3A_268, %get3A_269] : memref<1x2048xf32, #tpu.memory_space<vmem>>, vector<1x128xf32>
      %add3A_271 = vector.broadcast %get3A_270 : vector<1x128xf32> to vector<256x128xf32>
      %add3A_272 = arith.addf %dot_general3A_267, %add3A_271 : vector<256x128xf32>
      %max3A_273 = arith.constant 0.000000e+00 : f32
      %max3A_274 = vector.broadcast %max3A_273 : f32 to vector<256x128xf32>
      %max3A_275 = arith.maximumf %add3A_272, %max3A_274 : vector<256x128xf32>
      %ge3A = vector.broadcast %get3A_191 : i32 to vector<256x1xi32>
      %ge3A_276 = arith.cmpi sge, %add3A_6, %ge3A : vector<256x1xi32>
      %lt3A_277 = vector.broadcast %get3A_194 : i32 to vector<256x1xi32>
      %lt3A_278 = arith.cmpi slt, %add3A_6, %lt3A_277 : vector<256x1xi32>
      %and3A_279 = arith.andi %ge3A_276, %lt3A_278 : vector<256x1xi1>
      %convert_element_type3A_280 = arith.extui %and3A_279 : vector<256x1xi1> to vector<256x1xi32>
      %convert_element_type3A_281 = arith.sitofp %convert_element_type3A_280 : vector<256x1xi32> to vector<256x1xf32>
      %get3A_282 = arith.constant 0 : index
      %get3A_283 = arith.constant 0 : index
      %get3A_284 = vector.load %arg11[%get3A_282, %get3A_283] : memref<256x768xf32, #tpu.memory_space<vmem>>, vector<256x768xf32>
      %mul3A_285 = vector.broadcast %convert_element_type3A_281 : vector<256x1xf32> to vector<256x128xf32>
      %mul3A_286 = arith.mulf %max3A_275, %mul3A_285 : vector<256x128xf32>
      %convert_element_type3A_287 = arith.truncf %mul3A_286 : vector<256x128xf32> to vector<256x128xbf16>
      %get3A_288 = arith.constant 1664 : index
      %get3A_289 = arith.constant 0 : index
      %get3A_290 = vector.load %arg14[%get3A_288, %get3A_289] : memref<2048x768xbf16, #tpu.memory_space<vmem>>, vector<128x768xbf16>
      %dot_general3A_291 = arith.constant dense<0.000000e+00> : vector<256x768xf32>
      %dot_general3A_292 = tpu.matmul %convert_element_type3A_287, %get3A_290, %dot_general3A_291 {dimension_numbers = #tpu.dot_dimension_numbers<[1], [0], [0], [1], [0, 0, 1, 1], [], []>, transpose_lhs_hint = false} : vector<256x128xbf16>, vector<128x768xbf16>, vector<256x768xf32> -> vector<256x768xf32>
      %get3A_293 = arith.constant 13 : index
      %get3A_294 = arith.constant 0 : index
      %get3A_295 = vector.load %arg9[%get3A_293, %get3A_294] : memref<16x768xf32, #tpu.memory_space<vmem>>, vector<1x768xf32>
      %get3A_296 = vector.shape_cast %get3A_295 : vector<1x768xf32> to vector<768xf32>
      %broadcast_in_dim3A_297 = vector.shape_cast %get3A_296 : vector<768xf32> to vector<1x768xf32>
      %mul3A_298 = vector.broadcast %convert_element_type3A_281 : vector<256x1xf32> to vector<256x768xf32>
      %mul3A_299 = vector.broadcast %broadcast_in_dim3A_297 : vector<1x768xf32> to vector<256x768xf32>
      %mul3A_300 = arith.mulf %mul3A_298, %mul3A_299 : vector<256x768xf32>
      %add3A_301 = arith.addf %dot_general3A_292, %mul3A_300 : vector<256x768xf32>
      %add3A_302 = arith.addf %get3A_284, %add3A_301 : vector<256x768xf32>
      %swap3A_303 = arith.constant 0 : index
      %swap3A_304 = arith.constant 0 : index
      %swap3A_305 = vector.load %arg11[%swap3A_303, %swap3A_304] : memref<256x768xf32, #tpu.memory_space<vmem>>, vector<256x768xf32>
      tpu.vector_store %arg11[%swap3A_303, %swap3A_304], %add3A_302 {strides = array<i32>} : memref<256x768xf32, #tpu.memory_space<vmem>>, vector<256x768xf32>,
    } else {
    }
    %get3A_203 = arith.constant 0 : index
    %get3A_204 = arith.constant 14 : index
    %get3A_205 = memref.load %arg3[%get3A_203, %get3A_204] : memref<2x16xi32, #tpu.memory_space<smem>>
    %get3A_206 = arith.constant 1 : index
    %get3A_207 = arith.constant 14 : index
    %get3A_208 = memref.load %arg3[%get3A_206, %get3A_207] : memref<2x16xi32, #tpu.memory_space<smem>>
    %gt3A_209 = arith.cmpi sgt, %get3A_208, %mul3A_2 : i32
    %add3A_210 = arith.constant 256 : i32
    %add3A_211 = arith.addi %mul3A_2, %add3A_210 : i32
    %lt3A_212 = arith.cmpi slt, %get3A_205, %add3A_211 : i32
    %and3A_213 = arith.andi %gt3A_209, %lt3A_212 : i1
    %convert_element_type3A_214 = arith.extui %and3A_213 : i1 to i32
    %cond3A_215 = arith.constant 0 : i32
    %cond3A_216 = arith.cmpi ne, %convert_element_type3A_214, %cond3A_215 : i32
    scf.if %cond3A_216 {
      %get3A_249 = arith.constant 0 : index
      %get3A_250 = arith.constant 1792 : index
      %get3A_251 = vector.load %arg12[%get3A_249, %get3A_250] : memref<768x2048xbf16, #tpu.memory_space<vmem>>, vector<768x128xbf16>
      %dot_general3A = arith.constant dense<0.000000e+00> : vector<256x128xf32>
      %dot_general3A_252 = tpu.matmul %convert_element_type3A_5, %get3A_251, %dot_general3A {dimension_numbers = #tpu.dot_dimension_numbers<[1], [0], [0], [1], [0, 0, 1, 1], [], []>, transpose_lhs_hint = false} : vector<256x768xbf16>, vector<768x128xbf16>, vector<256x128xf32> -> vector<256x128xf32>
      %get3A_253 = arith.constant 0 : index
      %get3A_254 = arith.constant 1792 : index
      %get3A_255 = vector.load %arg5[%get3A_253, %get3A_254] : memref<1x2048xf32, #tpu.memory_space<vmem>>, vector<1x128xf32>
      %add3A_256 = vector.broadcast %get3A_255 : vector<1x128xf32> to vector<256x128xf32>
      %add3A_257 = arith.addf %dot_general3A_252, %add3A_256 : vector<256x128xf32>
      %max3A = arith.constant 0.000000e+00 : f32
      %max3A_258 = vector.broadcast %max3A : f32 to vector<256x128xf32>
      %max3A_259 = arith.maximumf %add3A_257, %max3A_258 : vector<256x128xf32>
      %convert_element_type3A_260 = arith.truncf %max3A_259 : vector<256x128xf32> to vector<256x128xbf16>
      %get3A_261 = arith.constant 14 : index
      %get3A_262 = arith.constant 0 : index
      %get3A_263 = arith.constant 0 : index
      %get3A_264 = vector.load %arg13[%get3A_261, %get3A_262, %get3A_263] : memref<16x128x128xbf16, #tpu.memory_space<vmem>>, vector<1x128x128xbf16>
      %get3A_265 = vector.shape_cast %get3A_264 : vector<1x128x128xbf16> to vector<128x128xbf16>
      %dot_general3A_266 = arith.constant dense<0.000000e+00> : vector<256x128xf32>
      %dot_general3A_267 = tpu.matmul %convert_element_type3A_260, %get3A_265, %dot_general3A_266 {dimension_numbers = #tpu.dot_dimension_numbers<[1], [0], [0], [1], [0, 0, 1, 1], [], []>, transpose_lhs_hint = false} : vector<256x128xbf16>, vector<128x128xbf16>, vector<256x128xf32> -> vector<256x128xf32>
      %get3A_268 = arith.constant 0 : index
      %get3A_269 = arith.constant 1792 : index
      %get3A_270 = vector.load %arg7[%get3A_268, %get3A_269] : memref<1x2048xf32, #tpu.memory_space<vmem>>, vector<1x128xf32>
      %add3A_271 = vector.broadcast %get3A_270 : vector<1x128xf32> to vector<256x128xf32>
      %add3A_272 = arith.addf %dot_general3A_267, %add3A_271 : vector<256x128xf32>
      %max3A_273 = arith.constant 0.000000e+00 : f32
      %max3A_274 = vector.broadcast %max3A_273 : f32 to vector<256x128xf32>
      %max3A_275 = arith.maximumf %add3A_272, %max3A_274 : vector<256x128xf32>
      %ge3A = vector.broadcast %get3A_205 : i32 to vector<256x1xi32>
      %ge3A_276 = arith.cmpi sge, %add3A_6, %ge3A : vector<256x1xi32>
      %lt3A_277 = vector.broadcast %get3A_208 : i32 to vector<256x1xi32>
      %lt3A_278 = arith.cmpi slt, %add3A_6, %lt3A_277 : vector<256x1xi32>
      %and3A_279 = arith.andi %ge3A_276, %lt3A_278 : vector<256x1xi1>
      %convert_element_type3A_280 = arith.extui %and3A_279 : vector<256x1xi1> to vector<256x1xi32>
      %convert_element_type3A_281 = arith.sitofp %convert_element_type3A_280 : vector<256x1xi32> to vector<256x1xf32>
      %get3A_282 = arith.constant 0 : index
      %get3A_283 = arith.constant 0 : index
      %get3A_284 = vector.load %arg11[%get3A_282, %get3A_283] : memref<256x768xf32, #tpu.memory_space<vmem>>, vector<256x768xf32>
      %mul3A_285 = vector.broadcast %convert_element_type3A_281 : vector<256x1xf32> to vector<256x128xf32>
      %mul3A_286 = arith.mulf %max3A_275, %mul3A_285 : vector<256x128xf32>
      %convert_element_type3A_287 = arith.truncf %mul3A_286 : vector<256x128xf32> to vector<256x128xbf16>
      %get3A_288 = arith.constant 1792 : index
      %get3A_289 = arith.constant 0 : index
      %get3A_290 = vector.load %arg14[%get3A_288, %get3A_289] : memref<2048x768xbf16, #tpu.memory_space<vmem>>, vector<128x768xbf16>
      %dot_general3A_291 = arith.constant dense<0.000000e+00> : vector<256x768xf32>
      %dot_general3A_292 = tpu.matmul %convert_element_type3A_287, %get3A_290, %dot_general3A_291 {dimension_numbers = #tpu.dot_dimension_numbers<[1], [0], [0], [1], [0, 0, 1, 1], [], []>, transpose_lhs_hint = false} : vector<256x128xbf16>, vector<128x768xbf16>, vector<256x768xf32> -> vector<256x768xf32>
      %get3A_293 = arith.constant 14 : index
      %get3A_294 = arith.constant 0 : index
      %get3A_295 = vector.load %arg9[%get3A_293, %get3A_294] : memref<16x768xf32, #tpu.memory_space<vmem>>, vector<1x768xf32>
      %get3A_296 = vector.shape_cast %get3A_295 : vector<1x768xf32> to vector<768xf32>
      %broadcast_in_dim3A_297 = vector.shape_cast %get3A_296 : vector<768xf32> to vector<1x768xf32>
      %mul3A_298 = vector.broadcast %convert_element_type3A_281 : vector<256x1xf32> to vector<256x768xf32>
      %mul3A_299 = vector.broadcast %broadcast_in_dim3A_297 : vector<1x768xf32> to vector<256x768xf32>
      %mul3A_300 = arith.mulf %mul3A_298, %mul3A_299 : vector<256x768xf32>
      %add3A_301 = arith.addf %dot_general3A_292, %mul3A_300 : vector<256x768xf32>
      %add3A_302 = arith.addf %get3A_284, %add3A_301 : vector<256x768xf32>
      %swap3A_303 = arith.constant 0 : index
      %swap3A_304 = arith.constant 0 : index
      %swap3A_305 = vector.load %arg11[%swap3A_303, %swap3A_304] : memref<256x768xf32, #tpu.memory_space<vmem>>, vector<256x768xf32>
      tpu.vector_store %arg11[%swap3A_303, %swap3A_304], %add3A_302 {strides = array<i32>} : memref<256x768xf32, #tpu.memory_space<vmem>>, vector<256x768xf32>,
    } else {
    }
    %get3A_217 = arith.constant 0 : index
    %get3A_218 = arith.constant 15 : index
    %get3A_219 = memref.load %arg3[%get3A_217, %get3A_218] : memref<2x16xi32, #tpu.memory_space<smem>>
    %get3A_220 = arith.constant 1 : index
    %get3A_221 = arith.constant 15 : index
    %get3A_222 = memref.load %arg3[%get3A_220, %get3A_221] : memref<2x16xi32, #tpu.memory_space<smem>>
    %gt3A_223 = arith.cmpi sgt, %get3A_222, %mul3A_2 : i32
    %add3A_224 = arith.constant 256 : i32
    %add3A_225 = arith.addi %mul3A_2, %add3A_224 : i32
    %lt3A_226 = arith.cmpi slt, %get3A_219, %add3A_225 : i32
    %and3A_227 = arith.andi %gt3A_223, %lt3A_226 : i1
    %convert_element_type3A_228 = arith.extui %and3A_227 : i1 to i32
    %cond3A_229 = arith.constant 0 : i32
    %cond3A_230 = arith.cmpi ne, %convert_element_type3A_228, %cond3A_229 : i32
    scf.if %cond3A_230 {
      %get3A_249 = arith.constant 0 : index
      %get3A_250 = arith.constant 1920 : index
      %get3A_251 = vector.load %arg12[%get3A_249, %get3A_250] : memref<768x2048xbf16, #tpu.memory_space<vmem>>, vector<768x128xbf16>
      %dot_general3A = arith.constant dense<0.000000e+00> : vector<256x128xf32>
      %dot_general3A_252 = tpu.matmul %convert_element_type3A_5, %get3A_251, %dot_general3A {dimension_numbers = #tpu.dot_dimension_numbers<[1], [0], [0], [1], [0, 0, 1, 1], [], []>, transpose_lhs_hint = false} : vector<256x768xbf16>, vector<768x128xbf16>, vector<256x128xf32> -> vector<256x128xf32>
      %get3A_253 = arith.constant 0 : index
      %get3A_254 = arith.constant 1920 : index
      %get3A_255 = vector.load %arg5[%get3A_253, %get3A_254] : memref<1x2048xf32, #tpu.memory_space<vmem>>, vector<1x128xf32>
      %add3A_256 = vector.broadcast %get3A_255 : vector<1x128xf32> to vector<256x128xf32>
      %add3A_257 = arith.addf %dot_general3A_252, %add3A_256 : vector<256x128xf32>
      %max3A = arith.constant 0.000000e+00 : f32
      %max3A_258 = vector.broadcast %max3A : f32 to vector<256x128xf32>
      %max3A_259 = arith.maximumf %add3A_257, %max3A_258 : vector<256x128xf32>
      %convert_element_type3A_260 = arith.truncf %max3A_259 : vector<256x128xf32> to vector<256x128xbf16>
      %get3A_261 = arith.constant 15 : index
      %get3A_262 = arith.constant 0 : index
      %get3A_263 = arith.constant 0 : index
      %get3A_264 = vector.load %arg13[%get3A_261, %get3A_262, %get3A_263] : memref<16x128x128xbf16, #tpu.memory_space<vmem>>, vector<1x128x128xbf16>
      %get3A_265 = vector.shape_cast %get3A_264 : vector<1x128x128xbf16> to vector<128x128xbf16>
      %dot_general3A_266 = arith.constant dense<0.000000e+00> : vector<256x128xf32>
      %dot_general3A_267 = tpu.matmul %convert_element_type3A_260, %get3A_265, %dot_general3A_266 {dimension_numbers = #tpu.dot_dimension_numbers<[1], [0], [0], [1], [0, 0, 1, 1], [], []>, transpose_lhs_hint = false} : vector<256x128xbf16>, vector<128x128xbf16>, vector<256x128xf32> -> vector<256x128xf32>
      %get3A_268 = arith.constant 0 : index
      %get3A_269 = arith.constant 1920 : index
      %get3A_270 = vector.load %arg7[%get3A_268, %get3A_269] : memref<1x2048xf32, #tpu.memory_space<vmem>>, vector<1x128xf32>
      %add3A_271 = vector.broadcast %get3A_270 : vector<1x128xf32> to vector<256x128xf32>
      %add3A_272 = arith.addf %dot_general3A_267, %add3A_271 : vector<256x128xf32>
      %max3A_273 = arith.constant 0.000000e+00 : f32
      %max3A_274 = vector.broadcast %max3A_273 : f32 to vector<256x128xf32>
      %max3A_275 = arith.maximumf %add3A_272, %max3A_274 : vector<256x128xf32>
      %ge3A = vector.broadcast %get3A_219 : i32 to vector<256x1xi32>
      %ge3A_276 = arith.cmpi sge, %add3A_6, %ge3A : vector<256x1xi32>
      %lt3A_277 = vector.broadcast %get3A_222 : i32 to vector<256x1xi32>
      %lt3A_278 = arith.cmpi slt, %add3A_6, %lt3A_277 : vector<256x1xi32>
      %and3A_279 = arith.andi %ge3A_276, %lt3A_278 : vector<256x1xi1>
      %convert_element_type3A_280 = arith.extui %and3A_279 : vector<256x1xi1> to vector<256x1xi32>
      %convert_element_type3A_281 = arith.sitofp %convert_element_type3A_280 : vector<256x1xi32> to vector<256x1xf32>
      %get3A_282 = arith.constant 0 : index
      %get3A_283 = arith.constant 0 : index
      %get3A_284 = vector.load %arg11[%get3A_282, %get3A_283] : memref<256x768xf32, #tpu.memory_space<vmem>>, vector<256x768xf32>
      %mul3A_285 = vector.broadcast %convert_element_type3A_281 : vector<256x1xf32> to vector<256x128xf32>
      %mul3A_286 = arith.mulf %max3A_275, %mul3A_285 : vector<256x128xf32>
      %convert_element_type3A_287 = arith.truncf %mul3A_286 : vector<256x128xf32> to vector<256x128xbf16>
      %get3A_288 = arith.constant 1920 : index
      %get3A_289 = arith.constant 0 : index
      %get3A_290 = vector.load %arg14[%get3A_288, %get3A_289] : memref<2048x768xbf16, #tpu.memory_space<vmem>>, vector<128x768xbf16>
      %dot_general3A_291 = arith.constant dense<0.000000e+00> : vector<256x768xf32>
      %dot_general3A_292 = tpu.matmul %convert_element_type3A_287, %get3A_290, %dot_general3A_291 {dimension_numbers = #tpu.dot_dimension_numbers<[1], [0], [0], [1], [0, 0, 1, 1], [], []>, transpose_lhs_hint = false} : vector<256x128xbf16>, vector<128x768xbf16>, vector<256x768xf32> -> vector<256x768xf32>
      %get3A_293 = arith.constant 15 : index
      %get3A_294 = arith.constant 0 : index
      %get3A_295 = vector.load %arg9[%get3A_293, %get3A_294] : memref<16x768xf32, #tpu.memory_space<vmem>>, vector<1x768xf32>
      %get3A_296 = vector.shape_cast %get3A_295 : vector<1x768xf32> to vector<768xf32>
      %broadcast_in_dim3A_297 = vector.shape_cast %get3A_296 : vector<768xf32> to vector<1x768xf32>
      %mul3A_298 = vector.broadcast %convert_element_type3A_281 : vector<256x1xf32> to vector<256x768xf32>
      %mul3A_299 = vector.broadcast %broadcast_in_dim3A_297 : vector<1x768xf32> to vector<256x768xf32>
      %mul3A_300 = arith.mulf %mul3A_298, %mul3A_299 : vector<256x768xf32>
      %add3A_301 = arith.addf %dot_general3A_292, %mul3A_300 : vector<256x768xf32>
      %add3A_302 = arith.addf %get3A_284, %add3A_301 : vector<256x768xf32>
      %swap3A_303 = arith.constant 0 : index
      %swap3A_304 = arith.constant 0 : index
      %swap3A_305 = vector.load %arg11[%swap3A_303, %swap3A_304] : memref<256x768xf32, #tpu.memory_space<vmem>>, vector<256x768xf32>
      tpu.vector_store %arg11[%swap3A_303, %swap3A_304], %add3A_302 {strides = array<i32>} : memref<256x768xf32, #tpu.memory_space<vmem>>, vector<256x768xf32>,
    } else {
    }
    %get3A_231 = arith.constant 0 : index
    %get3A_232 = arith.constant 0 : index
    %get3A_233 = vector.load %arg2[%get3A_231, %get3A_232] : memref<256x128xf32, #tpu.memory_space<vmem>>, vector<256x128xf32>
    %iota3A_234 = tpu.iota {dimensions = array<i32: 1>} : vector<256x128xi32>
    %eq3A_235 = arith.constant 0 : i32
    %eq3A_236 = vector.broadcast %eq3A_235 : i32 to vector<256x128xi32>
    %eq3A_237 = arith.cmpi eq, %iota3A_234, %eq3A_236 : vector<256x128xi32>
    %jit3A = arith.constant 0.000000e+00 : f32
    %broadcast_in_dim3A_238 = vector.broadcast %jit3A : f32 to vector<256x128xf32>
    %select_n3A = arith.select %eq3A_237, %get3A_233, %broadcast_in_dim3A_238 : vector<256x128xi1>, vector<256x128xf32>
    %reduce_sum3A = arith.constant dense<0.000000e+00> : vector<256xf32>
    %reduce_sum3A_239 = vector.multi_reduction <add>, %select_n3A, %reduce_sum3A [1] : vector<256x128xf32> to vector<256xf32>
    %broadcast_in_dim3A_240 = vector.shape_cast %reduce_sum3A_239 : vector<256xf32> to vector<256x1xf32>
    %get3A_241 = arith.constant 0 : index
    %get3A_242 = arith.constant 0 : index
    %get3A_243 = vector.load %arg11[%get3A_241, %get3A_242] : memref<256x768xf32, #tpu.memory_space<vmem>>, vector<256x768xf32>
    %mul3A_244 = vector.broadcast %broadcast_in_dim3A_240 : vector<256x1xf32> to vector<256x768xf32>
    %mul3A_245 = arith.mulf %get3A_243, %mul3A_244 : vector<256x768xf32>
    %swap3A_246 = arith.constant 0 : index
    %swap3A_247 = arith.constant 0 : index
    %swap3A_248 = vector.load %arg10[%swap3A_246, %swap3A_247] : memref<256x768xf32, #tpu.memory_space<vmem>>, vector<256x768xf32>
    tpu.vector_store %arg10[%swap3A_246, %swap3A_247], %mul3A_245 {strides = array<i32>} : memref<256x768xf32, #tpu.memory_space<vmem>>, vector<256x768xf32>,
    return
  }
  func.func @transform_0(%arg0: i32) -> (i32, i32) {
    %c0_i32 = arith.constant 0 : i32
    %c0_i32_0 = arith.constant 0 : i32
    return %arg0, %c0_i32 : i32, i32
  }
  func.func @transform_1(%arg0: i32) -> (i32, i32) {
    %c0_i32 = arith.constant 0 : i32
    %c0_i32_0 = arith.constant 0 : i32
    return %arg0, %c0_i32 : i32, i32
  }
  func.func @transform_2(%arg0: i32) -> (i32, i32) {
    %c0_i32 = arith.constant 0 : i32
    %c0_i32_0 = arith.constant 0 : i32
    %c0_i32_1 = arith.constant 0 : i32
    return %c0_i32, %c0_i32_0 : i32, i32
  }
  func.func @transform_3(%arg0: i32) -> (i32, i32, i32) {
    %c0_i32 = arith.constant 0 : i32
    %c0_i32_0 = arith.constant 0 : i32
    %c0_i32_1 = arith.constant 0 : i32
    %c0_i32_2 = arith.constant 0 : i32
    return %c0_i32, %c0_i32_0, %c0_i32_1 : i32, i32, i32
  }
  func.func @transform_4(%arg0: i32) -> (i32, i32) {
    %c0_i32 = arith.constant 0 : i32
    %c0_i32_0 = arith.constant 0 : i32
    %c0_i32_1 = arith.constant 0 : i32
    return %c0_i32, %c0_i32_0 : i32, i32
  }
  func.func @transform_5(%arg0: i32) -> (i32, i32, i32) {
    %c0_i32 = arith.constant 0 : i32
    %c0_i32_0 = arith.constant 0 : i32
    %c0_i32_1 = arith.constant 0 : i32
    %c0_i32_2 = arith.constant 0 : i32
    return %c0_i32, %c0_i32_0, %c0_i32_1 : i32, i32, i32
  }
  func.func @transform_6(%arg0: i32) -> (i32, i32) {
    %c0_i32 = arith.constant 0 : i32
    %c0_i32_0 = arith.constant 0 : i32
    %c0_i32_1 = arith.constant 0 : i32
    return %c0_i32, %c0_i32_0 : i32, i32
  }
  func.func @transform_7(%arg0: i32) -> (i32, i32, i32) {
    %c0_i32 = arith.constant 0 : i32
    %c0_i32_0 = arith.constant 0 : i32
    %c0_i32_1 = arith.constant 0 : i32
    %c0_i32_2 = arith.constant 0 : i32
    return %c0_i32, %c0_i32_0, %c0_i32_1 : i32, i32, i32
  }
  func.func @transform_8(%arg0: i32) -> (i32, i32) {
    %c0_i32 = arith.constant 0 : i32
    %c0_i32_0 = arith.constant 0 : i32
    %c0_i32_1 = arith.constant 0 : i32
    return %c0_i32, %c0_i32_0 : i32, i32
  }
  func.func @transform_9(%arg0: i32) -> (i32, i32) {
    %c0_i32 = arith.constant 0 : i32
    %c0_i32_0 = arith.constant 0 : i32
    return %arg0, %c0_i32 : i32, i32
  }
}

</mosaic_0001>

<sc_bundles>
// kernel: gather_offload_async_start.1
scs
__scs_entry_jumppad:
0x0: {  	(pc) =	sbr.rel $0x88, $3  }
0x1: {  	(tag) =	ssettag $0x0;
	lr =	simm.s32 $0x1  }
0x2: {  	[smem:$0x3F96] =	sst lr;
	_ =	strace $0xD0000000  }
0x3: {  	_ = 	snop  }
0x4: {  	_ = 	snop  }
0x5: {  	_ = 	snop  }
0x6: {  	_ = 	snop  }
0x7: {  	_ = 	snop  }
__scs_overlays_trampoline_lowered:
0x8: {  	[smem:$0x3FA5] =	sst s0  }
0x9: {  	[smem:$0x3FA6] =	sst s1  }
0xa: {  	[smem:$0x3FA7] =	sst s2  }
0xb: {  	[smem:$0x3FA8] =	sst s3  }
0xc: {  	[smem:$0x3FA9] =	sst s4  }
0xd: {  	[smem:$0x3FAA] =	sst s5  }
0xe: {  	[smem:$0x3FAB] =	sst s6  }
0xf: {  	[smem:$0x3FAC] =	sst s7  }
0x10: {  	[smem:$0x3FAD] =	sst s8  }
0x11: {  	[smem:$0x3FAE] =	sst s9;
	s0 =	simm.s32 @!p0 $0x0  }
0x12: {  	s1 =	sld [smem:$0x3F94];
	s0 =	simm.s32 @p0 $0x1  }
0x13: {  	[smem:$0x3FAF] =	sst s0;
	s0 =	simm.s32 @!p1 $0x0  }
0x14: {  	s2 =	sld [smem:$0x3F93];
	s0 =	simm.s32 @p1 $0x1  }
0x15: {  	[smem:$0x3FB0] =	sst s0;
	s0 =	simm.s32 @!p2 $0x0  }
0x16: {  	s3 =	sld [smem:$0x3FDB];
	s0 =	simm.s32 @p2 $0x1  }
0x17: {  	s4 =	simm.s32 $0x1BF5;
	[smem:$0x3FB2] =	sst s0  }
0x18: {  	s0 =	sld [smem:$0x3F95];
	_ =	swait.ge [sflag:s4], $0x0  }
0x19: {  	s7 =	sld [smem:$0x3F96]  }
0x1a: {  	s8 =	sadd.s32 $0xFFFFE003, lr  }
0x1b: {  	s9 =	sadd.s32 $0xFFFFFEF7, lr;
	s5 =	simm.s32 $0xFFFFFFFF;
	p2 =	slt.u32 s8, $0xFFFFF086  }
0x1c: {  	p1 =	slt.u32 s9, $0xF7A;
	s5 =	simm.s32 @!p2 $0x0  }
0x1d: {  	s5 =	simm.s32 @p1 $0x1;
	p0 =	seq.s32 s7, s2  }
0x1e: {  	s7 =	smul.u32 @!p0 $0xF7A, s2;
	p2 =	seq.s32 @!p0 s5, $0x0  }
0x1f: {  	s9 =	smul.u32 $0xF7A, s1;
	s8 =	simm.s32 @!p0 $0x1BF5;
	p2 =	por !p2, p0  }
0x20: {  	[sflag:s8] =	ssyncset.s32 @!p0 $0xFFFFF086;
	s6 =	sadd.s32 @!p0 s3, s7;
	s7 =	simm.s32 @!p0 $0x108  }
0x21: {  	s3 =	sadd.s32 s3, s9;
	s6 =	sadd.s32 @!p0 $0x88, s6;
	s7 =	simm.s32 @p2 $0x1082  }
0x22: {  	[simem:s7], [sflag:s8] =	dma.local @!p0 [hbm:s6], $0xF7A  }
0x23: {  	s9 =	sor.u32 $0xD0000000, s2;
	s6 =	simm.s32 $0x108;
	_ =	swait.ge @!p0 [sflag:s8], $0x0  }
0x24: {  	s3 =	sadd.s32 $0x88, s3;
	s6 =	simm.s32 @!p1 $0x1082;
	[sflag:s4] =	ssyncset.s32 $0xFFFFF086  }
0x25: {  	[simem:s6], [sflag:s4] =	dma.local [hbm:s3], $0xF7A  }
0x26: {  	[smem:$0x3F96] =	sst s1;
	(tag) =	ssettag s2;
	_ =	strace s9  }
0x27: {  	s1 =	sld [smem:$0x3FA6]  }
0x28: {  	s2 =	sld [smem:$0x3FA7]  }
0x29: {  	s4 =	sld [smem:$0x3FA9]  }
0x2a: {  	p0 =	seq.s32 s5, $0x0;
	s5 =	sld [smem:$0x3FAA]  }
0x2b: {  	s6 =	sld [smem:$0x3FAB]  }
0x2c: {  	s7 =	sld [smem:$0x3FAC]  }
0x2d: {  	s3 =	simm.s32 $0x108;
	s8 =	sld [smem:$0x3FAD]  }
0x2e: {  	s3 =	simm.s32 @!p0 $0x1082;
	s9 =	sld [smem:$0x3FAE]  }
0x2f: {  	lr =	sadd.s32 s0, s3;
	s0 =	sld [smem:$0x3FA5]  }
0x30: {  	s3 =	sld [smem:$0x3FA8]  }
0x31: {  	[smem:$0x3FB1] =	sst s10  }
0x32: {  	s10 =	sld [smem:$0x3FAF];
	_ =	sdelay $0x3  }
0x33: {  	p0 =	seq.s32 s10, $0x1;
	s10 =	sld [smem:$0x3FB1];
	_ =	sdelay $0x3  }
0x34: {  	[smem:$0x3FB1] =	sst s10  }
0x35: {  	s10 =	sld [smem:$0x3FB0];
	_ =	sdelay $0x3  }
0x36: {  	p1 =	seq.s32 s10, $0x1;
	s10 =	sld [smem:$0x3FB1];
	_ =	sdelay $0x3  }
0x37: {  	[smem:$0x3FB1] =	sst s10  }
0x38: {  	s10 =	sld [smem:$0x3FB2]  }
0x39: {  	_ = 	snop;
	(pc) =	sbr.ind lr, $3  }
0x3a: {  	_ = 	snop  }
0x3b: {  	_ = 	snop  }
0x3c: {  	p2 =	seq.s32 s10, $0x1;
	s10 =	sld [smem:$0x3FB1]  }
0x3d: {  	_ =	shalt  }
0x3e: {  	_ =	shalt  }
0x3f: {  	_ =	shalt  }
0x40: {  	_ =	shalt  }
0x41: {  	_ =	shalt  }
0x42: {  	_ =	shalt  }
0x43: {  	_ =	shalt  }
0x44: {  	_ =	shalt  }
0x45: {  	_ =	shalt  }
0x46: {  	_ =	shalt  }
0x47: {  	_ =	shalt  }
0x48: {  	_ =	shalt  }
0x49: {  	_ =	shalt  }
0x4a: {  	_ =	shalt  }
0x4b: {  	_ =	shalt  }
0x4c: {  	_ =	shalt  }
0x4d: {  	_ =	shalt  }
0x4e: {  	_ =	shalt  }
0x4f: {  	_ =	shalt  }
0x50: {  	_ =	shalt  }
0x51: {  	_ =	shalt  }
0x52: {  	_ =	shalt  }
0x53: {  	_ =	shalt  }
0x54: {  	_ =	shalt  }
0x55: {  	_ =	shalt  }
0x56: {  	_ =	shalt  }
0x57: {  	_ =	shalt  }
0x58: {  	_ =	shalt  }
0x59: {  	_ =	shalt  }
0x5a: {  	_ =	shalt  }
0x5b: {  	_ =	shalt  }
0x5c: {  	_ =	shalt  }
0x5d: {  	_ =	shalt  }
0x5e: {  	_ =	shalt  }
0x5f: {  	_ =	shalt  }
0x60: {  	_ =	shalt  }
0x61: {  	_ =	shalt  }
0x62: {  	_ =	shalt  }
0x63: {  	_ =	shalt  }
0x64: {  	_ =	shalt  }
0x65: {  	_ =	shalt  }
0x66: {  	_ =	shalt  }
0x67: {  	_ =	shalt  }
0x68: {  	_ =	shalt  }
0x69: {  	_ =	shalt  }
0x6a: {  	_ =	shalt  }
0x6b: {  	_ =	shalt  }
0x6c: {  	_ =	shalt  }
0x6d: {  	_ =	shalt  }
0x6e: {  	_ =	shalt  }
0x6f: {  	_ =	shalt  }
0x70: {  	_ =	shalt  }
0x71: {  	_ =	shalt  }
0x72: {  	_ =	shalt  }
0x73: {  	_ =	shalt  }
0x74: {  	_ =	shalt  }
0x75: {  	_ =	shalt  }
0x76: {  	_ =	shalt  }
0x77: {  	_ =	shalt  }
0x78: {  	_ =	shalt  }
0x79: {  	_ =	shalt  }
0x7a: {  	_ =	shalt  }
0x7b: {  	_ =	shalt  }
0x7c: {  	_ =	shalt  }
0x7d: {  	_ =	shalt  }
0x7e: {  	_ =	shalt  }
0x7f: {  	_ =	shalt  }
0x80: {  	_ =	shalt  }
0x81: {  	_ =	shalt  }
0x82: {  	_ =	shalt  }
0x83: {  	_ =	shalt  }
0x84: {  	_ =	shalt  }
0x85: {  	_ =	shalt  }
0x86: {  	_ =	shalt  }
0x87: {  	_ =	shalt  }
.Lfunc_end0:
.L_simem_size_0:
called_computation.1_lowered:
.L_overlay_start_0:
0x88: {  	s2 =	sld [smem:$0x3FD9]  }
0x89: {  	s3 =	sld [smem:$0x3FFE];
	_ =	sdelay $0x1  }
0x8a: {  	s1 =	srdreg.scid  }
0x8b: {  	s0 =	sand.u32 $0x1, s1  }
0x8c: {  	s16 =	sshll.u32 s0, $0xA;
	s2 =	sadd.s32 s3, s2  }
0x8d: {  	s2 =	sadd.s32 s2, s16  }
0x8e: {  	[smem:$0x3FBD] =	sst s2  }
0x8f: {  	_ = 	snop  }
0x90: {  	(tm) =	ssettm $0x1  }
0x91: {  	s17 =	sld [smem:$0x3FFB];
	_ =	sdelay $0x3  }
0x92: {  	_ =	strace s17  }
0x93: {  	s2 =	sld [smem:$0x3FFC];
	_ =	sdelay $0x3  }
0x94: {  	_ =	strace s2  }
0x95: {  	s2 =	sld [smem:$0x3FFD];
	_ =	sdelay $0x3  }
0x96: {  	_ =	strace s2  }
0x97: {  	_ =	strace $0x8FFFFFFF  }
0x98: {  	s18 =	sld [smem:$0x3FDB];
	_ =	sdelay $0x1  }
0x99: {  	s19 =	simm.s32 $_scs_section_size  }
0x9a: {  	s4 =	simm.s32 $_size__tile_overlayer_lowered;
	s5 =	simm.s32 $_tile_overlayer_lowered  }
0x9b: {  	s22 =	simm.s32 $0x1BFF;
	s21 =	sshll.u32 s5, $0x1;
	s2 =	sadd.s32 s19, s18  }
0x9c: {  	s6 =	simm.s32 $0x0;
	s20 =	sshll.u32 s4, $0x1;
	s4 =	sadd.s32 s21, s2  }
0x9d: {  	[timem:s6], [sflag:s22] =	dma.local [hbm:s4], s20  }
0x9e: {  	_ =	swait.ge [sflag:s22], s20  }
0x9f: {  	s3 =	ssub.s32 $0x0, s20;
	[sflag:s22] =	ssyncset.done $0x0  }
0xa0: {  	[sflag:s22] =	ssyncadd.s32 s3;
	_ =	sdelay $0x1  }
0xa1: {  	s23 =	simm.s32 $0x1B8B  }
0xa2: {  	_ =	swait.ge [sflag:s23], $0x1  }
0xa3: {  	[sflag:s23] =	ssyncset.done $0x0  }
0xa4: {  	s25 =	simm.s32 $0x1B8E;
	s24 =	sld [smem:$0x3FFE];
	[sflag:s23] =	ssyncadd.s32 $0xFFFFFFFF  }
0xa5: {  	s26 =	simm.s32 $execute0_lowered;
	[smem:$0x3FD2] =	sst s25  }
0xa6: {  	s4 =	sshll.u32 s26, $0x1;
	_ =	strace $0x80000049;
	[dreg:$0x1] =	wrdreg $0xFFFFFFFF  }
0xa7: {  	s28 =	simm.s32 $_size_execute0_lowered;
	s2 =	sadd.s32 s2, s4;
	[dreg:$0x0] =	wrdreg $0x0  }
0xa8: {  	s4 =	sshll.u32 s28, $0x1;
	[dreg:$0x2] =	wrdreg s2  }
0xa9: {  	[dreg:$0x3] =	wrdreg s4  }
0xaa: {  	[dreg:$0x4] =	wrdreg $0xC0  }
0xab: {  	_ =	task [dreg:s6], $0x5FFFF  }
0xac: {  	[dreg:$0x1] =	wrdreg $0xFFFFFFFF  }
0xad: {  	[dreg:$0x0] =	wrdreg $0x60  }
0xae: {  	[dreg:$0x2] =	wrdreg s24  }
0xaf: {  	[dreg:$0x3] =	wrdreg $0xA  }
0xb0: {  	_ =	task.clear_ibuf [dreg:s6], $0x4FFFF;
	_ =	strace $0x90000049  }
0xb1: {  	s29 =	simm.s32 $0xA;
	_ =	strace $0x8000004B  }
0xb2: {  	_ =	swait.ge [sflag:s29], $0x1  }
0xb3: {  	[sflag:s29] =	ssyncadd.s32 $0xFFFFFFFF  }
0xb4: {  	_ =	strace $0x9000004B  }
0xb5: {  	_ =	sfence  }
0xb6: {  	s30 =	sld [smem:$0x0];
	_ =	sdelay $0x2  }
0xb7: {  	s31 =	sshll.u32 s1, $0xD;
	s1 =	sshrl.u32 s1, $0x2  }
0xb8: {  	s3 =	sand.u32 $0x4000, s31;
	s1 =	sadd.s32 s1, s30  }
0xb9: {  	s0 =	sor.u32 s3, s0;
	s1 =	sshll.u32 s1, $0x11  }
0xba: {  	s0 =	sor.u32 s1, s0  }
0xbb: {  	s0 =	sadd.s32 $0x8F2B, s0  }
0xbc: {  	[sflag:s0] =	ssyncadd.remote.s32 $0x1  }
0xbd: {  	_ =	sfence.sel $0xFFFF  }
0xbe: {  	[dreg:$0x0] =	wrdreg $0xFFFFFFFF;
	(pc) =	sbr.abs _section_cstart, $3  }
0xbf: {  	[dreg:$0x1] =	wrdreg $0xFFFFFFFF  }
0xc0: {  	_ =	task.clear_ibuf [dreg:s6], $0x2FFFF;
	_ =	strace $0x9FFFFFFF  }
0xc1: {  	(tm) =	ssettm $0x7FFFFFFF  }
tec
execute0_lowered:
.L_overlay_start_1:
0x0: {  	(tag) =	ssettag $0x1  }
0x1: {  	s7 =	rddreg [dreg:$0x0]  }
0x2: {  	s0 =	rddreg [dreg:$0x1];
	_ =	strace $0x8000004A  }
0x3: {  	s1 =	srdreg.scid;
	s4 =	simm.s32 $0x1;
	s9 =	simm.s32 $0x3  }
0x4: {  	s12 =	simm.s32 $0x0;
	s10 =	simm.s32 $0x0;
	s5 =	sshll.u32 s1, $0x4  }
.Ltmp0:
0x5: {  	s1 =	stileid.u32;
	s5 =	sand.u32 $0x10, s5;
	(pc) =	sbr.rel .LBB2_1-.Ltmp0, $4  }
0x6: {  	s2 =	sadd.s32 $0x73200, s7;
	s3 =	sadd.s32 $0x73000, s7;
	s6 =	sor.u32 s1, s5  }
0x7: {  	[sflag:s4] =	ssyncpa.u1 $0x0;
	s5 =	simm.s32 $0x2;
	s6 =	sshll.u32 s6, $0x6  }
0x8: {  	s7 =	sadd.s32 $0x2E00, s7;
	[sflag:s5] =	ssyncpa.u1 $0x0;
	s8 =	sadd.s32 $0x40, s6  }
0x9: {  	vm0 =	vmmov $0xff;
	vm1 =	vcmask $0x3F20;
	[sflag:s9] =	ssyncpa.u1 $0x0;
	s9 =	simm.s32 $0x40;
	s11 =	smov.u32 s6  }
.LBB2_11:
0xa: {  	p0 =	seq.s32 s10, $0x2  }
.Ltmp1:
0xb: {  	_ = 	snop;
	(pc) =	sbr.rel @p0 .LBB2_13-.Ltmp1, $1  }
0xc: {  	_ =	sdelay $0x3  }
.LBB2_12:
0xd: {  	s12 =	sadd.s32 $0x40, s11  }
0xe: {  	s13 =	smov.u32 s6;
	p0 =	slt.s32 s12, s8  }
0xf: {  	s13 =	smov.u32 @p0 s12  }
0x10: {  	s10 =	sadd.s32 $0x1, s10;
	s12 =	smov.u32 s11;
	s11 =	smov.u32 s13  }
.LBB2_1:
0x11: {  	p0 =	sne.s32 s10, $0x0  }
.Ltmp2:
0x12: {  	_ = 	snop;
	(pc) =	sbr.rel @!p0 .LBB2_2-.Ltmp2, $1  }
0x13: {  	_ =	sdelay $0x3  }
0x14: {  	s13 =	sand.u32 $0x1, s10  }
0x15: {  	p0 =	seq.s32 s13, $0x0  }
.Ltmp3:
0x16: {  	_ = 	snop;
	(pc) =	sbr.rel @p0 .LBB2_11-.Ltmp3, $1  }
0x17: {  	_ =	sdelay $0x3  }
0x18: {  	_ =	swait.ge [sflag:s5], $0x40  }
0x19: {  	[sflag:s5] =	ssyncset.done $0x0  }
0x1a: {  	s13 =	simm.s32 $0x0;
	s14 =	simm.s32 $0x80;
	[sflag:s5] =	ssyncadd.s32 $0xFFFFFFC0  }
.LBB2_5:
0x1b: {  	s15 =	sshll.u32 s13, $0x4  }
0x1c: {  	s15 =	sand.u32 $0x3FFFFFF0, s15  }
0x1d: {  	v0 =	vld.msk [tilespmem:s15+$0x40 ss:$0x1], $0xffff;
	_ =	sdelay $0x4  }
0x1e: {  	vm2 =	vgt.s32 v0, $0x0  }
0x1f: {  	v0 =	vnsel vm2, $0x0, v0  }
0x20: {  	v0 =	vmin.u32 v0, $0xFFF  }
0x21: {  	v1 =	vshrl.u32 v0, $0x3  }
0x22: {  	v0 =	vshll.u32 v0, $0x7;
	v1 =	vmul.u32 $0x1800, v1  }
0x23: {  	v0 =	vand.u32 $0x380, v0  }
0x24: {  	v0 =	vor.u32 v0, v1  }
0x25: {  	v0 =	vshrl.u32 v0, $0x3;
	_ =	sdelay $0x2  }
0x26: {  	s16 =	sadd.s32 $0xFFFFE800, s14  }
0x27: {  	s31 =	sadd.s32 $0xD800, s16;
	s16 =	sadd.s32 $0xF000, s16;
	s15 =	simm.s32 $0xFFFFB000  }
0x28: {  	v1 =	vadd.s32 $0x80, v0;
	[tilespmem:s31], [sflag:$0x1] =	stream.indirect_vreg.gather [hbm:s2], $0x80, v0, vm0, $0x38;
	[tilespmem:$0x18080] =	vst v63  }
.LBB2_6:
0x29: {  	[tilespmem:s16], [sflag:$0x1] =	stream.indirect_vreg.gather [hbm:s2], $0x80, v0, vm1, $0x38;
	[tilespmem:$0x18080] =	vst v63  }
0x2a: {  	v0 =	vmov v1;
	p0 =	sne.s32 s15, $0xFFFFF000  }
.Ltmp4:
0x2b: {  	s16 =	sshra.s32 s15, $0x2;
	(pc) =	sbr.rel @p0 .LBB2_6-.Ltmp4, $4  }
0x2c: {  	s15 =	sadd.s32 $0x1000, s15;
	s16 =	sadd.s32 s16, s14  }
0x2d: {  	s17 =	sadd.s32 $0xD800, s16  }
0x2e: {  	[tilespmem:s17], [sflag:$0x1] =	stream.indirect_vreg.gather [hbm:s2], $0x80, v1, vm0, $0x38;
	[tilespmem:$0x18080] =	vst v63  }
0x2f: {  	s16 =	sadd.s32 $0xF000, s16;
	v1 =	vadd.s32 $0x80, v1  }
0x30: {  	s13 =	sadd.s32 $0x1, s13  }
0x31: {  	p0 =	sne.s32 s13, $0x4  }
.Ltmp5:
0x32: {  	_ = 	snop;
	(pc) =	sbr.rel @p0 .LBB2_5-.Ltmp5, $3  }
0x33: {  	_ =	sdelay $0x1  }
0x34: {  	[tilespmem:s16], [sflag:$0x1] =	stream.indirect_vreg.gather [hbm:s2], $0x80, v0, vm1, $0x38;
	[tilespmem:$0x18080] =	vst v63  }
0x35: {  	s14 =	sadd.s32 $0x3000, s14  }
0x36: {  	s13 =	sshrl.u32 s12, $0x3  }
0x37: {  	s13 =	smul.u32 $0x300, s13  }
0x38: {  	_ =	swait.ge [sflag:s4], $0xC000;
	s31 =	sshll.u32 s12, $0x4  }
0x39: {  	s14 =	simm.s32 $0x300;
	s12 =	sand.u32 $0x70, s31;
	s13 =	sadd.s32 s13, s7  }
0x3a: {  	s15 =	simm.s32 $0xD880;
	[sflag:s4] =	ssyncset.done $0x0;
	s12 =	sadd.s32 s12, s13  }
0x3b: {  	[sflag:s4] =	ssyncadd.s32 $0xFFFF4000;
	s13 =	simm.s32 $0xC080;
	s16 =	sadd.s32 $0x0, s12  }
.LBB2_9:
0x3c: {  	[hbm:s16] =	stream.linear.scatter [tilespmem:s13], [sflag:$0x3], $0x1800, $0x38;
	[tilespmem:$0x18080] =	vst v63  }
0x3d: {  	s16 =	smov.u32 s14;
	s13 =	smov.u32 s15;
	p0 =	sne.s32 s14, $0x1500  }
.Ltmp6:
0x3e: {  	s14 =	sadd.s32 $0x300, s14;
	(pc) =	sbr.rel @p0 .LBB2_9-.Ltmp6, $2  }
0x3f: {  	_ =	sdelay $0x2  }
0x40: {  	s15 =	sadd.s32 $0x1800, s15;
	s16 =	sadd.s32 s16, s12  }
.Ltmp7:
0x41: {  	(pc) =	sbr.rel .LBB2_11-.Ltmp7, $2  }
0x42: {  	_ =	sdelay $0x2  }
0x43: {  	[hbm:s16] =	stream.linear.scatter [tilespmem:s13], [sflag:$0x3], $0x1800, $0x38;
	[tilespmem:$0x18080] =	vst v63  }
.LBB2_2:
.Ltmp8:
0x44: {  	(pc) =	sbr.rel .LBB2_12-.Ltmp8, $4  }
0x45: {  	_ = 	snop  }
0x46: {  	s12 =	sshrl.u32 s11, $0x3  }
0x47: {  	s13 =	sand.u32 $0x7, s11;
	s12 =	sadd.s32 s3, s12  }
0x48: {  	[tilespmem:s9], [sflag:$0x2] =	stream.linear.gather [hbm4b:s12+s13], $0x40, $0x38;
	[tilespmem:$0x18080] =	vst v63  }
.LBB2_13:
0x49: {  	s2 =	simm.s32 $0x3  }
0x4a: {  	_ =	swait.ge [sflag:s2], $0xC000  }
0x4b: {  	[sflag:s2] =	ssyncset.done $0x0  }
0x4c: {  	[sflag:s2] =	ssyncadd.s32 $0xFFFF4000  }
0x4d: {  	_ =	sfence.sel $0x180000  }
0x4e: {  	s3 =	simm.s32 $0x2;
	[bflag:$0x0] =	sbarrier.arrive $0xFFFF  }
0x4f: {  	[sflag:s3] =	ssyncpa.u1 $0x1  }
0x50: {  	s31 =	simm.s32 $0x1;
	[sflag:s2] =	ssyncpa.u1 $0x1  }
0x51: {  	[sflag:s31] =	ssyncpa.u1 $0x1  }
0x52: {  	p0 =	sne.s32 s1, $0x0;
	_ =	strace $0x9000004A  }
0x53: {  	s0 =	sadd.s32 @!p0 $0x100000, s0;
	[bflag:$0x2] =	sbarrier.arrive $0xFFFF  }
0x54: {  	[sflag:s0] =	ssyncadd.tile.s32 @!p0 $0x1;
	_ =	shalt  }
.Lfunc_end2:
_tile_overlayer_lowered:
.L_overlay_start_2:
0x55: {  	(tag) =	ssettag $0x2  }
0x56: {  	s0 =	rddreg [dreg:$0x0];
	s2 =	stileid.u32  }
0x57: {  	s1 =	rddreg [dreg:$0x1];
	p0 =	sne.s32 s2, $0x0  }
0x58: {  	s3 =	rddreg [dreg:$0x2];
	[bflag:$0x3] =	sbarrier.arrive $0xFFFF;
	s2 =	simm.s32 @!p0 $0x1C01  }
0x59: {  	[timem:s3], [sflag:s2] =	dma.local @!p0 [hbm:s0], s1  }
0x5a: {  	s0 =	simm.s32 @!p0 $0x1  }
0x5b: {  	_ =	swait.ge @!p0 [sflag:s0], s1  }
0x5c: {  	s1 =	ssub.s32 @!p0 $0x0, s1;
	[sflag:s0] =	ssyncset.done @!p0 $0x0  }
0x5d: {  	[sflag:s0] =	ssyncadd.s32 @!p0 s1  }
0x5e: {  	[bflag:$0x3] =	sbarrier.arrive $0xFFFF  }
0x5f: {  	_ =	shalt  }

// kernel: gather_offload_async_start
scs
__scs_entry_jumppad:
0x0: {  	(pc) =	sbr.rel $0x88, $3  }
0x1: {  	(tag) =	ssettag $0x0;
	lr =	simm.s32 $0x1  }
0x2: {  	[smem:$0x3F96] =	sst lr;
	_ =	strace $0xD0000000  }
0x3: {  	_ = 	snop  }
0x4: {  	_ = 	snop  }
0x5: {  	_ = 	snop  }
0x6: {  	_ = 	snop  }
0x7: {  	_ = 	snop  }
__scs_overlays_trampoline_lowered:
0x8: {  	[smem:$0x3FA5] =	sst s0  }
0x9: {  	[smem:$0x3FA6] =	sst s1  }
0xa: {  	[smem:$0x3FA7] =	sst s2  }
0xb: {  	[smem:$0x3FA8] =	sst s3  }
0xc: {  	[smem:$0x3FA9] =	sst s4  }
0xd: {  	[smem:$0x3FAA] =	sst s5  }
0xe: {  	[smem:$0x3FAB] =	sst s6  }
0xf: {  	[smem:$0x3FAC] =	sst s7  }
0x10: {  	[smem:$0x3FAD] =	sst s8  }
0x11: {  	[smem:$0x3FAE] =	sst s9;
	s0 =	simm.s32 @!p0 $0x0  }
0x12: {  	s1 =	sld [smem:$0x3F94];
	s0 =	simm.s32 @p0 $0x1  }
0x13: {  	[smem:$0x3FAF] =	sst s0;
	s0 =	simm.s32 @!p1 $0x0  }
0x14: {  	s2 =	sld [smem:$0x3F93];
	s0 =	simm.s32 @p1 $0x1  }
0x15: {  	[smem:$0x3FB0] =	sst s0;
	s0 =	simm.s32 @!p2 $0x0  }
0x16: {  	s3 =	sld [smem:$0x3FDB];
	s0 =	simm.s32 @p2 $0x1  }
0x17: {  	s4 =	simm.s32 $0x1BF5;
	[smem:$0x3FB2] =	sst s0  }
0x18: {  	s0 =	sld [smem:$0x3F95];
	_ =	swait.ge [sflag:s4], $0x0  }
0x19: {  	s7 =	sld [smem:$0x3F96]  }
0x1a: {  	s8 =	sadd.s32 $0xFFFFE003, lr  }
0x1b: {  	s9 =	sadd.s32 $0xFFFFFEF7, lr;
	s5 =	simm.s32 $0xFFFFFFFF;
	p2 =	slt.u32 s8, $0xFFFFF086  }
0x1c: {  	p1 =	slt.u32 s9, $0xF7A;
	s5 =	simm.s32 @!p2 $0x0  }
0x1d: {  	s5 =	simm.s32 @p1 $0x1;
	p0 =	seq.s32 s7, s2  }
0x1e: {  	s7 =	smul.u32 @!p0 $0xF7A, s2;
	p2 =	seq.s32 @!p0 s5, $0x0  }
0x1f: {  	s9 =	smul.u32 $0xF7A, s1;
	s8 =	simm.s32 @!p0 $0x1BF5;
	p2 =	por !p2, p0  }
0x20: {  	[sflag:s8] =	ssyncset.s32 @!p0 $0xFFFFF086;
	s6 =	sadd.s32 @!p0 s3, s7;
	s7 =	simm.s32 @!p0 $0x108  }
0x21: {  	s3 =	sadd.s32 s3, s9;
	s6 =	sadd.s32 @!p0 $0x88, s6;
	s7 =	simm.s32 @p2 $0x1082  }
0x22: {  	[simem:s7], [sflag:s8] =	dma.local @!p0 [hbm:s6], $0xF7A  }
0x23: {  	s9 =	sor.u32 $0xD0000000, s2;
	s6 =	simm.s32 $0x108;
	_ =	swait.ge @!p0 [sflag:s8], $0x0  }
0x24: {  	s3 =	sadd.s32 $0x88, s3;
	s6 =	simm.s32 @!p1 $0x1082;
	[sflag:s4] =	ssyncset.s32 $0xFFFFF086  }
0x25: {  	[simem:s6], [sflag:s4] =	dma.local [hbm:s3], $0xF7A  }
0x26: {  	[smem:$0x3F96] =	sst s1;
	(tag) =	ssettag s2;
	_ =	strace s9  }
0x27: {  	s1 =	sld [smem:$0x3FA6]  }
0x28: {  	s2 =	sld [smem:$0x3FA7]  }
0x29: {  	s4 =	sld [smem:$0x3FA9]  }
0x2a: {  	p0 =	seq.s32 s5, $0x0;
	s5 =	sld [smem:$0x3FAA]  }
0x2b: {  	s6 =	sld [smem:$0x3FAB]  }
0x2c: {  	s7 =	sld [smem:$0x3FAC]  }
0x2d: {  	s3 =	simm.s32 $0x108;
	s8 =	sld [smem:$0x3FAD]  }
0x2e: {  	s3 =	simm.s32 @!p0 $0x1082;
	s9 =	sld [smem:$0x3FAE]  }
0x2f: {  	lr =	sadd.s32 s0, s3;
	s0 =	sld [smem:$0x3FA5]  }
0x30: {  	s3 =	sld [smem:$0x3FA8]  }
0x31: {  	[smem:$0x3FB1] =	sst s10  }
0x32: {  	s10 =	sld [smem:$0x3FAF];
	_ =	sdelay $0x3  }
0x33: {  	p0 =	seq.s32 s10, $0x1;
	s10 =	sld [smem:$0x3FB1];
	_ =	sdelay $0x3  }
0x34: {  	[smem:$0x3FB1] =	sst s10  }
0x35: {  	s10 =	sld [smem:$0x3FB0];
	_ =	sdelay $0x3  }
0x36: {  	p1 =	seq.s32 s10, $0x1;
	s10 =	sld [smem:$0x3FB1];
	_ =	sdelay $0x3  }
0x37: {  	[smem:$0x3FB1] =	sst s10  }
0x38: {  	s10 =	sld [smem:$0x3FB2]  }
0x39: {  	_ = 	snop;
	(pc) =	sbr.ind lr, $3  }
0x3a: {  	_ = 	snop  }
0x3b: {  	_ = 	snop  }
0x3c: {  	p2 =	seq.s32 s10, $0x1;
	s10 =	sld [smem:$0x3FB1]  }
0x3d: {  	_ =	shalt  }
0x3e: {  	_ =	shalt  }
0x3f: {  	_ =	shalt  }
0x40: {  	_ =	shalt  }
0x41: {  	_ =	shalt  }
0x42: {  	_ =	shalt  }
0x43: {  	_ =	shalt  }
0x44: {  	_ =	shalt  }
0x45: {  	_ =	shalt  }
0x46: {  	_ =	shalt  }
0x47: {  	_ =	shalt  }
0x48: {  	_ =	shalt  }
0x49: {  	_ =	shalt  }
0x4a: {  	_ =	shalt  }
0x4b: {  	_ =	shalt  }
0x4c: {  	_ =	shalt  }
0x4d: {  	_ =	shalt  }
0x4e: {  	_ =	shalt  }
0x4f: {  	_ =	shalt  }
0x50: {  	_ =	shalt  }
0x51: {  	_ =	shalt  }
0x52: {  	_ =	shalt  }
0x53: {  	_ =	shalt  }
0x54: {  	_ =	shalt  }
0x55: {  	_ =	shalt  }
0x56: {  	_ =	shalt  }
0x57: {  	_ =	shalt  }
0x58: {  	_ =	shalt  }
0x59: {  	_ =	shalt  }
0x5a: {  	_ =	shalt  }
0x5b: {  	_ =	shalt  }
0x5c: {  	_ =	shalt  }
0x5d: {  	_ =	shalt  }
0x5e: {  	_ =	shalt  }
0x5f: {  	_ =	shalt  }
0x60: {  	_ =	shalt  }
0x61: {  	_ =	shalt  }
0x62: {  	_ =	shalt  }
0x63: {  	_ =	shalt  }
0x64: {  	_ =	shalt  }
0x65: {  	_ =	shalt  }
0x66: {  	_ =	shalt  }
0x67: {  	_ =	shalt  }
0x68: {  	_ =	shalt  }
0x69: {  	_ =	shalt  }
0x6a: {  	_ =	shalt  }
0x6b: {  	_ =	shalt  }
0x6c: {  	_ =	shalt  }
0x6d: {  	_ =	shalt  }
0x6e: {  	_ =	shalt  }
0x6f: {  	_ =	shalt  }
0x70: {  	_ =	shalt  }
0x71: {  	_ =	shalt  }
0x72: {  	_ =	shalt  }
0x73: {  	_ =	shalt  }
0x74: {  	_ =	shalt  }
0x75: {  	_ =	shalt  }
0x76: {  	_ =	shalt  }
0x77: {  	_ =	shalt  }
0x78: {  	_ =	shalt  }
0x79: {  	_ =	shalt  }
0x7a: {  	_ =	shalt  }
0x7b: {  	_ =	shalt  }
0x7c: {  	_ =	shalt  }
0x7d: {  	_ =	shalt  }
0x7e: {  	_ =	shalt  }
0x7f: {  	_ =	shalt  }
0x80: {  	_ =	shalt  }
0x81: {  	_ =	shalt  }
0x82: {  	_ =	shalt  }
0x83: {  	_ =	shalt  }
0x84: {  	_ =	shalt  }
0x85: {  	_ =	shalt  }
0x86: {  	_ =	shalt  }
0x87: {  	_ =	shalt  }
.Lfunc_end0:
.L_simem_size_0:
called_computation_lowered:
.L_overlay_start_0:
0x88: {  	s2 =	sld [smem:$0x3FD9]  }
0x89: {  	s3 =	sld [smem:$0x3FFE];
	_ =	sdelay $0x1  }
0x8a: {  	s1 =	srdreg.scid  }
0x8b: {  	s0 =	sand.u32 $0x1, s1  }
0x8c: {  	s15 =	sshll.u32 s0, $0xA;
	s2 =	sadd.s32 s3, s2  }
0x8d: {  	s2 =	sadd.s32 s2, s15  }
0x8e: {  	[smem:$0x3FBD] =	sst s2  }
0x8f: {  	_ = 	snop  }
0x90: {  	s2 =	sld [smem:$0x3FD0];
	_ =	sdelay $0x2  }
0x91: {  	s16 =	simm.s32 $0xB;
	s4 =	simm.s32 $0x10  }
0x92: {  	[smem:s4], [sflag:s16] =	dma.local [hbm:s2], $0x1  }
0x93: {  	_ =	swait.eq [sflag:s16], $0x1  }
0x94: {  	[sflag:s16] =	ssyncset.done $0x0  }
0x95: {  	[sflag:s16] =	ssyncadd.s32 $0xFFFFFFFF  }
0x96: {  	s17 =	sld [smem:$0x10];
	(tm) =	ssettm $0x1  }
0x97: {  	s18 =	sld [smem:$0x3FFB];
	_ =	sdelay $0x3  }
0x98: {  	_ =	strace s18  }
0x99: {  	s2 =	sld [smem:$0x3FFC];
	_ =	sdelay $0x3  }
0x9a: {  	_ =	strace s2  }
0x9b: {  	s2 =	sld [smem:$0x3FFD];
	_ =	sdelay $0x3  }
0x9c: {  	_ =	strace s2  }
0x9d: {  	_ =	strace $0x8FFFFFFF  }
0x9e: {  	s19 =	sld [smem:$0x3FDB];
	_ =	sdelay $0x1  }
0x9f: {  	s20 =	simm.s32 $_scs_section_size  }
0xa0: {  	s5 =	simm.s32 $_size__tile_overlayer_lowered;
	s6 =	simm.s32 $_tile_overlayer_lowered  }
0xa1: {  	s7 =	simm.s32 $0x1BFF;
	s21 =	sshll.u32 s6, $0x1;
	s4 =	sadd.s32 s20, s19  }
0xa2: {  	s22 =	simm.s32 $0x0;
	s5 =	sshll.u32 s5, $0x1;
	s6 =	sadd.s32 s21, s4  }
0xa3: {  	[timem:s22], [sflag:s7] =	dma.local [hbm:s6], s5  }
0xa4: {  	_ =	swait.ge [sflag:s7], s5  }
0xa5: {  	s5 =	ssub.s32 $0x0, s5;
	[sflag:s7] =	ssyncset.done $0x0  }
0xa6: {  	[sflag:s7] =	ssyncadd.s32 s5;
	_ =	sdelay $0x1  }
0xa7: {  	s23 =	simm.s32 $0x1B8B  }
0xa8: {  	_ =	swait.ge [sflag:s23], $0x1  }
0xa9: {  	[sflag:s23] =	ssyncset.done $0x0  }
0xaa: {  	[sflag:s23] =	ssyncadd.s32 $0xFFFFFFFF  }
0xab: {  	s5 =	sld [smem:$0x0]  }
0xac: {  	s6 =	sand.u32 $0xFFFFFFFE, s1  }
0xad: {  	p0 =	sne.s32 s1, s6  }
0xae: {  	s6 =	sshll.u32 @p0 s6, $0xE  }
0xaf: {  	s6 =	sadd.s32 @p0 $0x11B8D, s6;
	s7 =	sshll.u32 @p0 s5, $0x11  }
0xb0: {  	s6 =	sor.u32 @p0 s7, s6  }
0xb1: {  	[sflag:s6] =	ssyncadd.remote.s32 @p0 $0x1;
	_ =	sdelay $0x1  }
0xb2: {  	s6 =	simm.s32 @p0 $0x1B8D  }
0xb3: {  	_ =	swait.eq @p0 [sflag:s6], $0x1  }
0xb4: {  	[sflag:s6] =	ssyncadd.s32 @p0 $0xFFFFFFFF  }
0xb5: {  	s7 =	sshll.u32 @!p0 s1, $0xE  }
0xb6: {  	s7 =	sor.u32 @!p0 $0x4000, s7;
	s6 =	simm.s32 @!p0 $0x1B8D  }
0xb7: {  	s5 =	sshll.u32 @!p0 s5, $0x11;
	s7 =	sadd.s32 @!p0 $0x11B8D, s7;
	_ =	swait.eq @!p0 [sflag:s6], $0x1  }
0xb8: {  	s5 =	sor.u32 @!p0 s5, s7;
	[sflag:s6] =	ssyncadd.s32 @!p0 $0xFFFFFFFF  }
0xb9: {  	s25 =	simm.s32 $0x1B8E;
	s24 =	sld [smem:$0x3FFE];
	[sflag:s5] =	ssyncadd.remote.s32 @!p0 $0x1  }
0xba: {  	s26 =	simm.s32 $execute0_lowered;
	[smem:$0x3FD2] =	sst s25  }
0xbb: {  	s6 =	sshll.u32 s26, $0x1;
	_ =	strace $0x8000004C;
	[dreg:$0x1] =	wrdreg $0xFFFFFFFF  }
0xbc: {  	s28 =	simm.s32 $_size_execute0_lowered;
	s4 =	sadd.s32 s4, s6;
	[dreg:$0x0] =	wrdreg $0x0  }
0xbd: {  	s6 =	sshll.u32 s28, $0x1;
	[dreg:$0x2] =	wrdreg s4  }
0xbe: {  	[dreg:$0x3] =	wrdreg s6  }
0xbf: {  	[dreg:$0x4] =	wrdreg $0xC0  }
0xc0: {  	_ =	task [dreg:s22], $0x5FFFF  }
0xc1: {  	[dreg:$0x1] =	wrdreg $0xFFFFFFFF  }
0xc2: {  	[dreg:$0x0] =	wrdreg $0x60  }
0xc3: {  	[dreg:$0x2] =	wrdreg s24  }
0xc4: {  	[dreg:$0x3] =	wrdreg s17  }
0xc5: {  	[dreg:$0x4] =	wrdreg $0x9  }
0xc6: {  	_ =	task.clear_ibuf [dreg:s22], $0x5FFFF;
	_ =	strace $0x9000004C  }
0xc7: {  	s29 =	simm.s32 $0x9;
	_ =	strace $0x8000004E  }
0xc8: {  	_ =	swait.ge [sflag:s29], $0x1  }
0xc9: {  	[sflag:s29] =	ssyncadd.s32 $0xFFFFFFFF  }
0xca: {  	_ =	strace $0x9000004E  }
0xcb: {  	_ =	sfence  }
0xcc: {  	s30 =	sld [smem:$0x0];
	_ =	sdelay $0x2  }
0xcd: {  	s31 =	sshll.u32 s1, $0xD;
	s1 =	sshrl.u32 s1, $0x2  }
0xce: {  	s4 =	sand.u32 $0x4000, s31;
	s1 =	sadd.s32 s1, s30  }
0xcf: {  	s0 =	sor.u32 s4, s0;
	s1 =	sshll.u32 s1, $0x11  }
0xd0: {  	s0 =	sor.u32 s1, s0  }
0xd1: {  	s0 =	sadd.s32 $0x8F2B, s0  }
0xd2: {  	[sflag:s0] =	ssyncadd.remote.s32 $0x1  }
0xd3: {  	_ =	sfence.sel $0xFFFF  }
0xd4: {  	[dreg:$0x0] =	wrdreg $0xFFFFFFFF;
	(pc) =	sbr.abs _section_cstart, $3  }
0xd5: {  	[dreg:$0x1] =	wrdreg $0xFFFFFFFF  }
0xd6: {  	_ =	task.clear_ibuf [dreg:s22], $0x2FFFF;
	_ =	strace $0x9FFFFFFF  }
0xd7: {  	(tm) =	ssettm $0x7FFFFFFF  }
tec
execute0_lowered:
.L_overlay_start_1:
0x0: {  	(tag) =	ssettag $0x1  }
0x1: {  	s7 =	rddreg [dreg:$0x0]  }
0x2: {  	s2 =	rddreg [dreg:$0x1]  }
0x3: {  	s0 =	rddreg [dreg:$0x2]  }
0x4: {  	s1 =	srdreg.scid;
	_ =	strace $0x8000004D;
	s4 =	simm.s32 $0x1  }
0x5: {  	s9 =	simm.s32 $0x3;
	s12 =	simm.s32 $0x0;
	s5 =	sshll.u32 s1, $0x4  }
.Ltmp0:
0x6: {  	s1 =	stileid.u32;
	s5 =	sand.u32 $0x10, s5;
	(pc) =	sbr.rel .LBB2_1-.Ltmp0, $4  }
0x7: {  	s10 =	simm.s32 $0x0;
	s3 =	sadd.s32 $0x73200, s7;
	s6 =	sor.u32 s1, s5  }
0x8: {  	[sflag:s4] =	ssyncpa.u1 $0x0;
	s5 =	simm.s32 $0x2;
	s6 =	sshll.u32 s6, $0x6  }
0x9: {  	s7 =	sadd.s32 $0x32E00, s7;
	[sflag:s5] =	ssyncpa.u1 $0x0;
	s8 =	sadd.s32 $0x40, s6  }
0xa: {  	vm0 =	vmmov $0xff;
	vm1 =	vcmask $0x3F20;
	[sflag:s9] =	ssyncpa.u1 $0x0;
	s9 =	simm.s32 $0x40;
	s11 =	smov.u32 s6  }
.LBB2_11:
0xb: {  	p0 =	seq.s32 s10, $0x2  }
.Ltmp1:
0xc: {  	_ = 	snop;
	(pc) =	sbr.rel @p0 .LBB2_13-.Ltmp1, $1  }
0xd: {  	_ =	sdelay $0x3  }
.LBB2_12:
0xe: {  	s12 =	sadd.s32 $0x40, s11  }
0xf: {  	s13 =	smov.u32 s6;
	p0 =	slt.s32 s12, s8  }
0x10: {  	s13 =	smov.u32 @p0 s12  }
0x11: {  	s10 =	sadd.s32 $0x1, s10;
	s12 =	smov.u32 s11;
	s11 =	smov.u32 s13  }
.LBB2_1:
0x12: {  	p0 =	sne.s32 s10, $0x0  }
.Ltmp2:
0x13: {  	_ = 	snop;
	(pc) =	sbr.rel @!p0 .LBB2_2-.Ltmp2, $1  }
0x14: {  	_ =	sdelay $0x3  }
0x15: {  	s13 =	sand.u32 $0x1, s10  }
0x16: {  	p0 =	seq.s32 s13, $0x0  }
.Ltmp3:
0x17: {  	_ = 	snop;
	(pc) =	sbr.rel @p0 .LBB2_11-.Ltmp3, $1  }
0x18: {  	_ =	sdelay $0x3  }
0x19: {  	_ =	swait.ge [sflag:s5], $0x40  }
0x1a: {  	[sflag:s5] =	ssyncset.done $0x0  }
0x1b: {  	s13 =	simm.s32 $0x0;
	s14 =	simm.s32 $0x80;
	[sflag:s5] =	ssyncadd.s32 $0xFFFFFFC0  }
.LBB2_5:
0x1c: {  	s15 =	sshll.u32 s13, $0x4  }
0x1d: {  	s15 =	sand.u32 $0x3FFFFFF0, s15  }
0x1e: {  	v0 =	vld.msk [tilespmem:s15+$0x40 ss:$0x1], $0xffff;
	_ =	sdelay $0x4  }
0x1f: {  	vm2 =	vgt.s32 v0, $0x0  }
0x20: {  	v0 =	vnsel vm2, $0x0, v0  }
0x21: {  	v0 =	vmin.u32 v0, $0xFFF  }
0x22: {  	v1 =	vshrl.u32 v0, $0x3  }
0x23: {  	v0 =	vshll.u32 v0, $0x7;
	v1 =	vmul.u32 $0x1800, v1  }
0x24: {  	v0 =	vand.u32 $0x380, v0  }
0x25: {  	v0 =	vor.u32 v0, v1  }
0x26: {  	v0 =	vshrl.u32 v0, $0x3;
	_ =	sdelay $0x2  }
0x27: {  	s16 =	sadd.s32 $0xFFFFE800, s14  }
0x28: {  	s31 =	sadd.s32 $0xD800, s16;
	s16 =	sadd.s32 $0xF000, s16;
	s15 =	simm.s32 $0xFFFFB000  }
0x29: {  	v1 =	vadd.s32 $0x80, v0;
	[tilespmem:s31], [sflag:$0x1] =	stream.indirect_vreg.gather [hbm:s3], $0x80, v0, vm0, $0x38;
	[tilespmem:$0x18080] =	vst v63  }
.LBB2_6:
0x2a: {  	[tilespmem:s16], [sflag:$0x1] =	stream.indirect_vreg.gather [hbm:s3], $0x80, v0, vm1, $0x38;
	[tilespmem:$0x18080] =	vst v63  }
0x2b: {  	v0 =	vmov v1;
	p0 =	sne.s32 s15, $0xFFFFF000  }
.Ltmp4:
0x2c: {  	s16 =	sshra.s32 s15, $0x2;
	(pc) =	sbr.rel @p0 .LBB2_6-.Ltmp4, $4  }
0x2d: {  	s15 =	sadd.s32 $0x1000, s15;
	s16 =	sadd.s32 s16, s14  }
0x2e: {  	s17 =	sadd.s32 $0xD800, s16  }
0x2f: {  	[tilespmem:s17], [sflag:$0x1] =	stream.indirect_vreg.gather [hbm:s3], $0x80, v1, vm0, $0x38;
	[tilespmem:$0x18080] =	vst v63  }
0x30: {  	s16 =	sadd.s32 $0xF000, s16;
	v1 =	vadd.s32 $0x80, v1  }
0x31: {  	s13 =	sadd.s32 $0x1, s13  }
0x32: {  	p0 =	sne.s32 s13, $0x4  }
.Ltmp5:
0x33: {  	_ = 	snop;
	(pc) =	sbr.rel @p0 .LBB2_5-.Ltmp5, $3  }
0x34: {  	_ =	sdelay $0x1  }
0x35: {  	[tilespmem:s16], [sflag:$0x1] =	stream.indirect_vreg.gather [hbm:s3], $0x80, v0, vm1, $0x38;
	[tilespmem:$0x18080] =	vst v63  }
0x36: {  	s14 =	sadd.s32 $0x3000, s14  }
0x37: {  	s13 =	sshrl.u32 s12, $0x3  }
0x38: {  	s13 =	smul.u32 $0x300, s13  }
0x39: {  	_ =	swait.ge [sflag:s4], $0xC000;
	s31 =	sshll.u32 s12, $0x4  }
0x3a: {  	s14 =	simm.s32 $0x300;
	s12 =	sand.u32 $0x70, s31;
	s13 =	sadd.s32 s13, s2  }
0x3b: {  	s15 =	simm.s32 $0xD880;
	[sflag:s4] =	ssyncset.done $0x0;
	s12 =	sadd.s32 s12, s13  }
0x3c: {  	[sflag:s4] =	ssyncadd.s32 $0xFFFF4000;
	s13 =	simm.s32 $0xC080;
	s16 =	sadd.s32 $0x0, s12  }
.LBB2_9:
0x3d: {  	[hbm:s16] =	stream.linear.scatter [tilespmem:s13], [sflag:$0x3], $0x1800, $0x38;
	[tilespmem:$0x18080] =	vst v63  }
0x3e: {  	s16 =	smov.u32 s14;
	s13 =	smov.u32 s15;
	p0 =	sne.s32 s14, $0x1500  }
.Ltmp6:
0x3f: {  	s14 =	sadd.s32 $0x300, s14;
	(pc) =	sbr.rel @p0 .LBB2_9-.Ltmp6, $2  }
0x40: {  	_ =	sdelay $0x2  }
0x41: {  	s15 =	sadd.s32 $0x1800, s15;
	s16 =	sadd.s32 s16, s12  }
.Ltmp7:
0x42: {  	(pc) =	sbr.rel .LBB2_11-.Ltmp7, $2  }
0x43: {  	_ =	sdelay $0x2  }
0x44: {  	[hbm:s16] =	stream.linear.scatter [tilespmem:s13], [sflag:$0x3], $0x1800, $0x38;
	[tilespmem:$0x18080] =	vst v63  }
.LBB2_2:
.Ltmp8:
0x45: {  	(pc) =	sbr.rel .LBB2_12-.Ltmp8, $4  }
0x46: {  	_ = 	snop  }
0x47: {  	s12 =	sshrl.u32 s11, $0x3  }
0x48: {  	s13 =	sand.u32 $0x7, s11;
	s12 =	sadd.s32 s7, s12  }
0x49: {  	[tilespmem:s9], [sflag:$0x2] =	stream.linear.gather [hbm4b:s12+s13], $0x40, $0x38;
	[tilespmem:$0x18080] =	vst v63  }
.LBB2_13:
0x4a: {  	s2 =	simm.s32 $0x3  }
0x4b: {  	_ =	swait.ge [sflag:s2], $0xC000  }
0x4c: {  	[sflag:s2] =	ssyncset.done $0x0  }
0x4d: {  	[sflag:s2] =	ssyncadd.s32 $0xFFFF4000  }
0x4e: {  	_ =	sfence.sel $0x180000  }
0x4f: {  	s3 =	simm.s32 $0x2;
	[bflag:$0x0] =	sbarrier.arrive $0xFFFF  }
0x50: {  	[sflag:s3] =	ssyncpa.u1 $0x1  }
0x51: {  	s31 =	simm.s32 $0x1;
	[sflag:s2] =	ssyncpa.u1 $0x1  }
0x52: {  	[sflag:s31] =	ssyncpa.u1 $0x1  }
0x53: {  	p0 =	sne.s32 s1, $0x0;
	_ =	strace $0x9000004D  }
0x54: {  	s0 =	sadd.s32 @!p0 $0x100000, s0;
	[bflag:$0x2] =	sbarrier.arrive $0xFFFF  }
0x55: {  	[sflag:s0] =	ssyncadd.tile.s32 @!p0 $0x1;
	_ =	shalt  }
.Lfunc_end2:
_tile_overlayer_lowered:
.L_overlay_start_2:
0x56: {  	(tag) =	ssettag $0x2  }
0x57: {  	s0 =	rddreg [dreg:$0x0];
	s2 =	stileid.u32  }
0x58: {  	s1 =	rddreg [dreg:$0x1];
	p0 =	sne.s32 s2, $0x0  }
0x59: {  	s3 =	rddreg [dreg:$0x2];
	[bflag:$0x3] =	sbarrier.arrive $0xFFFF;
	s2 =	simm.s32 @!p0 $0x1C01  }
0x5a: {  	[timem:s3], [sflag:s2] =	dma.local @!p0 [hbm:s0], s1  }
0x5b: {  	s0 =	simm.s32 @!p0 $0x1  }
0x5c: {  	_ =	swait.ge @!p0 [sflag:s0], s1  }
0x5d: {  	s1 =	ssub.s32 @!p0 $0x0, s1;
	[sflag:s0] =	ssyncset.done @!p0 $0x0  }
0x5e: {  	[sflag:s0] =	ssyncadd.s32 @!p0 s1  }
0x5f: {  	[bflag:$0x3] =	sbarrier.arrive $0xFFFF  }
0x60: {  	_ =	shalt  }

// kernel: kernel.5.cloned.1.call-start
scs
__scs_entry_jumppad:
0x0: {  	(pc) =	sbr.rel $0x88, $3  }
0x1: {  	(tag) =	ssettag $0x0;
	lr =	simm.s32 $0x1  }
0x2: {  	[smem:$0x3F96] =	sst lr;
	_ =	strace $0xD0000000  }
0x3: {  	_ = 	snop  }
0x4: {  	_ = 	snop  }
0x5: {  	_ = 	snop  }
0x6: {  	_ = 	snop  }
0x7: {  	_ = 	snop  }
__scs_overlays_trampoline_lowered:
0x8: {  	[smem:$0x3FA5] =	sst s0  }
0x9: {  	[smem:$0x3FA6] =	sst s1  }
0xa: {  	[smem:$0x3FA7] =	sst s2  }
0xb: {  	[smem:$0x3FA8] =	sst s3  }
0xc: {  	[smem:$0x3FA9] =	sst s4  }
0xd: {  	[smem:$0x3FAA] =	sst s5  }
0xe: {  	[smem:$0x3FAB] =	sst s6  }
0xf: {  	[smem:$0x3FAC] =	sst s7  }
0x10: {  	[smem:$0x3FAD] =	sst s8  }
0x11: {  	[smem:$0x3FAE] =	sst s9;
	s0 =	simm.s32 @!p0 $0x0  }
0x12: {  	s1 =	sld [smem:$0x3F94];
	s0 =	simm.s32 @p0 $0x1  }
0x13: {  	[smem:$0x3FAF] =	sst s0;
	s0 =	simm.s32 @!p1 $0x0  }
0x14: {  	s2 =	sld [smem:$0x3F93];
	s0 =	simm.s32 @p1 $0x1  }
0x15: {  	[smem:$0x3FB0] =	sst s0;
	s0 =	simm.s32 @!p2 $0x0  }
0x16: {  	s3 =	sld [smem:$0x3FDB];
	s0 =	simm.s32 @p2 $0x1  }
0x17: {  	s4 =	simm.s32 $0x1BF5;
	[smem:$0x3FB2] =	sst s0  }
0x18: {  	s0 =	sld [smem:$0x3F95];
	_ =	swait.ge [sflag:s4], $0x0  }
0x19: {  	s7 =	sld [smem:$0x3F96]  }
0x1a: {  	s8 =	sadd.s32 $0xFFFFE003, lr  }
0x1b: {  	s9 =	sadd.s32 $0xFFFFFEF7, lr;
	s5 =	simm.s32 $0xFFFFFFFF;
	p2 =	slt.u32 s8, $0xFFFFF086  }
0x1c: {  	p1 =	slt.u32 s9, $0xF7A;
	s5 =	simm.s32 @!p2 $0x0  }
0x1d: {  	s5 =	simm.s32 @p1 $0x1;
	p0 =	seq.s32 s7, s2  }
0x1e: {  	s7 =	smul.u32 @!p0 $0xF7A, s2;
	p2 =	seq.s32 @!p0 s5, $0x0  }
0x1f: {  	s9 =	smul.u32 $0xF7A, s1;
	s8 =	simm.s32 @!p0 $0x1BF5;
	p2 =	por !p2, p0  }
0x20: {  	[sflag:s8] =	ssyncset.s32 @!p0 $0xFFFFF086;
	s6 =	sadd.s32 @!p0 s3, s7;
	s7 =	simm.s32 @!p0 $0x108  }
0x21: {  	s3 =	sadd.s32 s3, s9;
	s6 =	sadd.s32 @!p0 $0x88, s6;
	s7 =	simm.s32 @p2 $0x1082  }
0x22: {  	[simem:s7], [sflag:s8] =	dma.local @!p0 [hbm:s6], $0xF7A  }
0x23: {  	s9 =	sor.u32 $0xD0000000, s2;
	s6 =	simm.s32 $0x108;
	_ =	swait.ge @!p0 [sflag:s8], $0x0  }
0x24: {  	s3 =	sadd.s32 $0x88, s3;
	s6 =	simm.s32 @!p1 $0x1082;
	[sflag:s4] =	ssyncset.s32 $0xFFFFF086  }
0x25: {  	[simem:s6], [sflag:s4] =	dma.local [hbm:s3], $0xF7A  }
0x26: {  	[smem:$0x3F96] =	sst s1;
	(tag) =	ssettag s2;
	_ =	strace s9  }
0x27: {  	s1 =	sld [smem:$0x3FA6]  }
0x28: {  	s2 =	sld [smem:$0x3FA7]  }
0x29: {  	s4 =	sld [smem:$0x3FA9]  }
0x2a: {  	p0 =	seq.s32 s5, $0x0;
	s5 =	sld [smem:$0x3FAA]  }
0x2b: {  	s6 =	sld [smem:$0x3FAB]  }
0x2c: {  	s7 =	sld [smem:$0x3FAC]  }
0x2d: {  	s3 =	simm.s32 $0x108;
	s8 =	sld [smem:$0x3FAD]  }
0x2e: {  	s3 =	simm.s32 @!p0 $0x1082;
	s9 =	sld [smem:$0x3FAE]  }
0x2f: {  	lr =	sadd.s32 s0, s3;
	s0 =	sld [smem:$0x3FA5]  }
0x30: {  	s3 =	sld [smem:$0x3FA8]  }
0x31: {  	[smem:$0x3FB1] =	sst s10  }
0x32: {  	s10 =	sld [smem:$0x3FAF];
	_ =	sdelay $0x3  }
0x33: {  	p0 =	seq.s32 s10, $0x1;
	s10 =	sld [smem:$0x3FB1];
	_ =	sdelay $0x3  }
0x34: {  	[smem:$0x3FB1] =	sst s10  }
0x35: {  	s10 =	sld [smem:$0x3FB0];
	_ =	sdelay $0x3  }
0x36: {  	p1 =	seq.s32 s10, $0x1;
	s10 =	sld [smem:$0x3FB1];
	_ =	sdelay $0x3  }
0x37: {  	[smem:$0x3FB1] =	sst s10  }
0x38: {  	s10 =	sld [smem:$0x3FB2]  }
0x39: {  	_ = 	snop;
	(pc) =	sbr.ind lr, $3  }
0x3a: {  	_ = 	snop  }
0x3b: {  	_ = 	snop  }
0x3c: {  	p2 =	seq.s32 s10, $0x1;
	s10 =	sld [smem:$0x3FB1]  }
0x3d: {  	_ =	shalt  }
0x3e: {  	_ =	shalt  }
0x3f: {  	_ =	shalt  }
0x40: {  	_ =	shalt  }
0x41: {  	_ =	shalt  }
0x42: {  	_ =	shalt  }
0x43: {  	_ =	shalt  }
0x44: {  	_ =	shalt  }
0x45: {  	_ =	shalt  }
0x46: {  	_ =	shalt  }
0x47: {  	_ =	shalt  }
0x48: {  	_ =	shalt  }
0x49: {  	_ =	shalt  }
0x4a: {  	_ =	shalt  }
0x4b: {  	_ =	shalt  }
0x4c: {  	_ =	shalt  }
0x4d: {  	_ =	shalt  }
0x4e: {  	_ =	shalt  }
0x4f: {  	_ =	shalt  }
0x50: {  	_ =	shalt  }
0x51: {  	_ =	shalt  }
0x52: {  	_ =	shalt  }
0x53: {  	_ =	shalt  }
0x54: {  	_ =	shalt  }
0x55: {  	_ =	shalt  }
0x56: {  	_ =	shalt  }
0x57: {  	_ =	shalt  }
0x58: {  	_ =	shalt  }
0x59: {  	_ =	shalt  }
0x5a: {  	_ =	shalt  }
0x5b: {  	_ =	shalt  }
0x5c: {  	_ =	shalt  }
0x5d: {  	_ =	shalt  }
0x5e: {  	_ =	shalt  }
0x5f: {  	_ =	shalt  }
0x60: {  	_ =	shalt  }
0x61: {  	_ =	shalt  }
0x62: {  	_ =	shalt  }
0x63: {  	_ =	shalt  }
0x64: {  	_ =	shalt  }
0x65: {  	_ =	shalt  }
0x66: {  	_ =	shalt  }
0x67: {  	_ =	shalt  }
0x68: {  	_ =	shalt  }
0x69: {  	_ =	shalt  }
0x6a: {  	_ =	shalt  }
0x6b: {  	_ =	shalt  }
0x6c: {  	_ =	shalt  }
0x6d: {  	_ =	shalt  }
0x6e: {  	_ =	shalt  }
0x6f: {  	_ =	shalt  }
0x70: {  	_ =	shalt  }
0x71: {  	_ =	shalt  }
0x72: {  	_ =	shalt  }
0x73: {  	_ =	shalt  }
0x74: {  	_ =	shalt  }
0x75: {  	_ =	shalt  }
0x76: {  	_ =	shalt  }
0x77: {  	_ =	shalt  }
0x78: {  	_ =	shalt  }
0x79: {  	_ =	shalt  }
0x7a: {  	_ =	shalt  }
0x7b: {  	_ =	shalt  }
0x7c: {  	_ =	shalt  }
0x7d: {  	_ =	shalt  }
0x7e: {  	_ =	shalt  }
0x7f: {  	_ =	shalt  }
0x80: {  	_ =	shalt  }
0x81: {  	_ =	shalt  }
0x82: {  	_ =	shalt  }
0x83: {  	_ =	shalt  }
0x84: {  	_ =	shalt  }
0x85: {  	_ =	shalt  }
0x86: {  	_ =	shalt  }
0x87: {  	_ =	shalt  }
.Lfunc_end0:
.L_simem_size_0:
called_computation.2_lowered:
.L_overlay_start_0:
0x88: {  	s2 =	sld [smem:$0x3FD9]  }
0x89: {  	s3 =	sld [smem:$0x3FFE];
	_ =	sdelay $0x1  }
0x8a: {  	s1 =	srdreg.scid  }
0x8b: {  	s0 =	sand.u32 $0x1, s1  }
0x8c: {  	s14 =	sshll.u32 s0, $0xA;
	s2 =	sadd.s32 s3, s2  }
0x8d: {  	s2 =	sadd.s32 s2, s14  }
0x8e: {  	[smem:$0x3FBD] =	sst s2  }
0x8f: {  	_ = 	snop  }
0x90: {  	s2 =	sld [smem:$0x3FD0];
	_ =	sdelay $0x2  }
0x91: {  	s4 =	simm.s32 $0xB;
	s5 =	simm.s32 $0x10;
	s15 =	sld [smem:$0x3FC9]  }
0x92: {  	[smem:s5], [sflag:s4] =	dma.local [hbm:s2], $0x1  }
0x93: {  	_ =	swait.eq [sflag:s4], $0x1  }
0x94: {  	[sflag:s4] =	ssyncset.done $0x0  }
0x95: {  	[sflag:s4] =	ssyncadd.s32 $0xFFFFFFFF  }
0x96: {  	s16 =	sld [smem:$0x10];
	(tm) =	ssettm $0x1  }
0x97: {  	s17 =	sld [smem:$0x3FFB];
	_ =	sdelay $0x3  }
0x98: {  	_ =	strace s17  }
0x99: {  	s4 =	sld [smem:$0x3FFC];
	_ =	sdelay $0x3  }
0x9a: {  	_ =	strace s4  }
0x9b: {  	s4 =	sld [smem:$0x3FFD];
	_ =	sdelay $0x3  }
0x9c: {  	_ =	strace s4  }
0x9d: {  	_ =	strace $0x8FFFFFFF  }
0x9e: {  	s18 =	sld [smem:$0x3FDB];
	_ =	sdelay $0x1  }
0x9f: {  	s19 =	simm.s32 $_scs_section_size  }
0xa0: {  	s6 =	simm.s32 $_size__tile_overlayer_lowered;
	s7 =	simm.s32 $_tile_overlayer_lowered  }
0xa1: {  	s22 =	simm.s32 $0x1BFF;
	s21 =	sshll.u32 s7, $0x1;
	s4 =	sadd.s32 s19, s18  }
0xa2: {  	s8 =	simm.s32 $0x0;
	s20 =	sshll.u32 s6, $0x1;
	s6 =	sadd.s32 s21, s4  }
0xa3: {  	[timem:s8], [sflag:s22] =	dma.local [hbm:s6], s20  }
0xa4: {  	_ =	swait.ge [sflag:s22], s20  }
0xa5: {  	s5 =	ssub.s32 $0x0, s20;
	[sflag:s22] =	ssyncset.done $0x0  }
0xa6: {  	[sflag:s22] =	ssyncadd.s32 s5;
	_ =	sdelay $0x1  }
0xa7: {  	s23 =	simm.s32 $0x1B8B  }
0xa8: {  	_ =	swait.ge [sflag:s23], $0x1  }
0xa9: {  	[sflag:s23] =	ssyncset.done $0x0  }
0xaa: {  	s25 =	simm.s32 $0x1B8E;
	s24 =	sld [smem:$0x3FFE];
	[sflag:s23] =	ssyncadd.s32 $0xFFFFFFFF  }
0xab: {  	s26 =	simm.s32 $execute0_lowered;
	[smem:$0x3FD2] =	sst s25  }
0xac: {  	s6 =	sshll.u32 s26, $0x1;
	_ =	strace $0x80000046;
	[dreg:$0x1] =	wrdreg $0xFFFFFFFF  }
0xad: {  	s28 =	simm.s32 $_size_execute0_lowered;
	s4 =	sadd.s32 s4, s6;
	[dreg:$0x0] =	wrdreg $0x0  }
0xae: {  	s6 =	sshll.u32 s28, $0x1;
	[dreg:$0x2] =	wrdreg s4  }
0xaf: {  	[dreg:$0x3] =	wrdreg s6  }
0xb0: {  	[dreg:$0x4] =	wrdreg $0xC0  }
0xb1: {  	_ =	task [dreg:s8], $0x5FFFF  }
0xb2: {  	[dreg:$0x1] =	wrdreg $0xFFFFFFFF  }
0xb3: {  	[dreg:$0x0] =	wrdreg $0x60  }
0xb4: {  	[dreg:$0x2] =	wrdreg s15  }
0xb5: {  	[dreg:$0x3] =	wrdreg s24  }
0xb6: {  	[dreg:$0x4] =	wrdreg s16  }
0xb7: {  	[dreg:$0x5] =	wrdreg $0x9  }
0xb8: {  	_ =	task.clear_ibuf [dreg:s8], $0x6FFFF;
	_ =	strace $0x90000046  }
0xb9: {  	s29 =	simm.s32 $0x9;
	_ =	strace $0x80000048  }
0xba: {  	_ =	swait.ge [sflag:s29], $0x1  }
0xbb: {  	[sflag:s29] =	ssyncadd.s32 $0xFFFFFFFF  }
0xbc: {  	_ =	strace $0x90000048  }
0xbd: {  	_ =	sfence  }
0xbe: {  	s30 =	sld [smem:$0x0];
	_ =	sdelay $0x2  }
0xbf: {  	s31 =	sshll.u32 s1, $0xD;
	s1 =	sshrl.u32 s1, $0x2  }
0xc0: {  	s3 =	sand.u32 $0x4000, s31;
	s1 =	sadd.s32 s1, s30  }
0xc1: {  	s0 =	sor.u32 s3, s0;
	s1 =	sshll.u32 s1, $0x11  }
0xc2: {  	s0 =	sor.u32 s1, s0  }
0xc3: {  	s0 =	sadd.s32 $0x8F2B, s0  }
0xc4: {  	[sflag:s0] =	ssyncadd.remote.s32 $0x1  }
0xc5: {  	_ =	sfence.sel $0xFFFF  }
0xc6: {  	[dreg:$0x0] =	wrdreg $0xFFFFFFFF;
	(pc) =	sbr.abs _section_cstart, $3  }
0xc7: {  	[dreg:$0x1] =	wrdreg $0xFFFFFFFF  }
0xc8: {  	_ =	task.clear_ibuf [dreg:s8], $0x2FFFF;
	_ =	strace $0x9FFFFFFF  }
0xc9: {  	(tm) =	ssettm $0x7FFFFFFF  }
tec
execute0_lowered:
.L_overlay_start_1:
0x0: {  	(tag) =	ssettag $0x1  }
0x1: {  	s3 =	rddreg [dreg:$0x0]  }
0x2: {  	s1 =	rddreg [dreg:$0x1];
	s2 =	srdreg.scid  }
0x3: {  	s4 =	rddreg [dreg:$0x2];
	s5 =	sand.u32 $0x1, s2;
	s2 =	simm.s32 $0x0  }
0x4: {  	s9 =	sadd.s32 $0x3000, s1;
	[smem:$0x7FF] =	sst s2  }
0x5: {  	s22 =	simm.s32 $0x880;
	_ =	strace $0x80000047;
	[dreg:$0x4] =	wrdreg s9  }
0x6: {  	s23 =	simm.s32 $0x1080;
	[dreg:$0x8] =	wrdreg s22  }
0x7: {  	s24 =	simm.s32 $0x1880;
	[dreg:$0x9] =	wrdreg s23  }
0x8: {  	s25 =	simm.s32 $0x2080;
	[dreg:$0xa] =	wrdreg s24  }
0x9: {  	s0 =	stileid.u32;
	s26 =	simm.s32 $0x2880;
	[dreg:$0xb] =	wrdreg s25  }
0xa: {  	s6 =	sshll.u32 s0, $0x1;
	s0 =	simm.s32 $0x3080;
	[dreg:$0xc] =	wrdreg s26  }
0xb: {  	s10 =	simm.s32 $0x6080;
	[dreg:$0xd] =	wrdreg s0  }
0xc: {  	s11 =	simm.s32 $0x6880;
	s12 =	simm.s32 $0x7080;
	[dreg:$0x13] =	wrdreg s10  }
0xd: {  	s13 =	simm.s32 $0x7880;
	s14 =	simm.s32 $0x8080;
	[dreg:$0x14] =	wrdreg s11  }
0xe: {  	s15 =	simm.s32 $0x8880;
	s16 =	simm.s32 $0x9080;
	[dreg:$0x15] =	wrdreg s12  }
0xf: {  	s17 =	simm.s32 $0x9880;
	s18 =	simm.s32 $0xA080;
	[dreg:$0x16] =	wrdreg s13  }
0x10: {  	s20 =	simm.s32 $0xA880;
	s28 =	simm.s32 $0x16880;
	[dreg:$0x17] =	wrdreg s14  }
0x11: {  	s29 =	simm.s32 $0x17080;
	s30 =	simm.s32 $0x17880;
	[dreg:$0x18] =	wrdreg s15  }
0x12: {  	s31 =	simm.s32 $0x1;
	s6 =	sor.u32 s5, s6;
	[dreg:$0x19] =	wrdreg s16  }
0x13: {  	s5 =	ssub.s32 $0x2, s5;
	s7 =	sshll.u32 s6, $0x4;
	[dreg:$0x1a] =	wrdreg s17  }
0x14: {  	s6 =	sshll.u32 s6, $0xB;
	s9 =	simm.s32 $0x5880;
	[dreg:$0x1b] =	wrdreg s18  }
0x15: {  	s19 =	sshrl.u32 s5, $0x1;
	[dreg:$0x1c] =	wrdreg s20;
	s22 =	simm.s32 $0xB880  }
0x16: {  	s23 =	simm.s32 $0xC080;
	s24 =	simm.s32 $0xC880;
	s25 =	simm.s32 $0xD080  }
0x17: {  	s26 =	simm.s32 $0xD880;
	s11 =	simm.s32 $0xE880;
	s12 =	simm.s32 $0xF080  }
0x18: {  	s13 =	simm.s32 $0xF880;
	s14 =	simm.s32 $0x10080;
	s15 =	simm.s32 $0x10880  }
0x19: {  	s16 =	simm.s32 $0x11080;
	s17 =	simm.s32 $0x11880;
	[dreg:$0x12] =	wrdreg s9  }
0x1a: {  	s18 =	simm.s32 $0x12080;
	s20 =	simm.s32 $0x13080;
	[dreg:$0x1e] =	wrdreg s22  }
0x1b: {  	s8 =	sand.u32 $0xF0, s7;
	s7 =	sadd.s32 s7, s1;
	[dreg:$0x1f] =	wrdreg s23  }
0x1c: {  	s21 =	sadd.s32 s4, s6;
	s4 =	simm.s32 $0x3880;
	[smem:$0x7FB] =	sst s24  }
0x1d: {  	s6 =	simm.s32 $0x4080;
	[smem:$0x7FC] =	sst s25;
	s9 =	simm.s32 $0x18080  }
0x1e: {  	[smem:$0x7FD] =	sst s26;
	s22 =	simm.s32 $0x14080;
	s23 =	simm.s32 $0x14880  }
0x1f: {  	s24 =	simm.s32 $0x15080;
	s25 =	simm.s32 $0x15880;
	[dreg:$0x7] =	wrdreg s21  }
0x20: {  	s26 =	simm.s32 $0x16080;
	s8 =	smul.u32 $0x300, s8;
	[dreg:$0xe] =	wrdreg s4  }
0x21: {  	s7 =	sadd.s32 $0x2E00, s7;
	[dreg:$0xf] =	wrdreg s6;
	s6 =	ssub.s32 s5, s19  }
0x22: {  	s21 =	simm.s32 $0xB080;
	s4 =	sadd.s32 $0x13100, s1;
	[dreg:$0x5] =	wrdreg s7  }
0x23: {  	s5 =	sadd.s32 $0x13200, s1;
	s7 =	simm.s32 $0x4880;
	[dreg:$0x1d] =	wrdreg s21  }
0x24: {  	s19 =	simm.s32 $0x12880;
	s3 =	sadd.s32 s3, s8;
	[dreg:$0x10] =	wrdreg s7  }
0x25: {  	v2 =	vlaneseq.u32;
	s6 =	smax.u32 s6, $0x1;
	s8 =	simm.s32 $0x5080;
	[dreg:$0x6] =	wrdreg s3  }
0x26: {  	vm0 =	vmmov $0xffff;
	v1 =	vshrl.u32 v2, $0x3;
	s21 =	simm.s32 $0x13880;
	s7 =	simm.s32 $0x3;
	[dreg:$0x11] =	wrdreg s8  }
0x27: {  	v0 =	vand.u32 $0x7, v2;
	v2 =	vor.u32 $0x8, v2;
	v1 =	vmul.u32 $0x8, v1;
	s3 =	sadd.s32 $0x13000, s1;
	s8 =	simm.s32 $0x80;
	s1 =	simm.s32 $0x2  }
.LBB2_1:
0x28: {  	s0 =	rddreg [dreg:$0x5]  }
0x29: {  	[tilespmem:s2], [sflag:$0x3] =	stream.linear.gather [hbm4b:s0+s2], $0x80, $0x38;
	[tilespmem:$0x1C080] =	vst v63  }
0x2a: {  	_ =	swait.ge [sflag:s7], $0x80  }
0x2b: {  	[sflag:s7] =	ssyncset.done $0x0  }
0x2c: {  	s10 =	rddreg [dreg:$0x6];
	[sflag:s7] =	ssyncadd.s32 $0xFFFFFF80  }
0x2d: {  	[tilespmem:s8], [sflag:$0x3] =	stream.linear.gather [hbm4b:s10+s2], $0x18000, $0x38;
	[tilespmem:$0x1C080] =	vst v63  }
0x2e: {  	_ =	swait.ge [sflag:s7], $0x18000  }
0x2f: {  	[sflag:s7] =	ssyncset.done $0x0  }
0x30: {  	s10 =	rddreg [dreg:$0x7];
	[sflag:s7] =	ssyncadd.s32 $0xFFFE8000  }
0x31: {  	[tilespmem:s9], [sflag:$0x3] =	stream.linear.gather [hbm4b:s10+s2], $0x4000, $0x38;
	[tilespmem:$0x1C080] =	vst v63  }
0x32: {  	_ =	swait.ge [sflag:s7], $0x4000  }
0x33: {  	[sflag:s7] =	ssyncset.done $0x0  }
0x34: {  	[sflag:s7] =	ssyncadd.s32 $0xFFFFC000  }
0x35: {  	v3 =	vld [tilespmem:$0x0];
	_ =	sdelay $0x4  }
0x36: {  	v4 =	vshrl.u32 v3, $0x3  }
0x37: {  	v4 =	vmul.u32 $0x30, v4  }
0x38: {  	v3 =	vand.u32 $0x7, v3  }
0x39: {  	v3 =	vor.u32 v3, v4  }
0x3a: {  	v4 =	vperm.xlane v3, v0;
	_ =	sdelay $0x1  }
0x3b: {  	v4 =	vadd.s32 v1, v4;
	_ =	sdelay $0x3  }
0x3c: {  	v3 =	vperm.xlane v3, v2  }
0x3d: {  	[hbm4b:s3+s2] =	stream.indirect_vreg.scatter [tilespmem:s8], [sflag:$0x1], $0x80, v4, vm0, $0xb8;
	[tilespmem:$0x1C080] =	vst v63  }
0x3e: {  	s0 =	rddreg [dreg:$0x8];
	v3 =	vadd.s32 v1, v3  }
0x3f: {  	[hbm4b:s4+s2] =	stream.indirect_vreg.scatter [tilespmem:s0], [sflag:$0x1], $0x80, v4, vm0, $0xb8;
	[tilespmem:$0x1C080] =	vst v63  }
0x40: {  	s10 =	rddreg [dreg:$0x9]  }
0x41: {  	[hbm4b:s5+s2] =	stream.indirect_vreg.scatter [tilespmem:s10], [sflag:$0x1], $0x80, v4, vm0, $0xb8;
	[tilespmem:$0x1C080] =	vst v63  }
0x42: {  	s0 =	rddreg [dreg:$0xa]  }
0x43: {  	[hbm4b:s3+s2] =	stream.indirect_vreg.scatter [tilespmem:s0], [sflag:$0x1], $0x80, v3, vm0, $0xb8;
	[tilespmem:$0x1C080] =	vst v63  }
0x44: {  	s10 =	rddreg [dreg:$0xb]  }
0x45: {  	[hbm4b:s4+s2] =	stream.indirect_vreg.scatter [tilespmem:s10], [sflag:$0x1], $0x80, v3, vm0, $0xb8;
	[tilespmem:$0x1C080] =	vst v63  }
0x46: {  	s0 =	rddreg [dreg:$0xc]  }
0x47: {  	[hbm4b:s5+s2] =	stream.indirect_vreg.scatter [tilespmem:s0], [sflag:$0x1], $0x80, v3, vm0, $0xb8;
	[tilespmem:$0x1C080] =	vst v63  }
0x48: {  	v3 =	vld [tilespmem:$0x10];
	_ =	sdelay $0x4  }
0x49: {  	v57 =	vshrl.u32 v3, $0x3  }
0x4a: {  	v4 =	vmul.u32 $0x30, v57  }
0x4b: {  	v3 =	vand.u32 $0x7, v3  }
0x4c: {  	v3 =	vor.u32 v3, v4  }
0x4d: {  	v4 =	vperm.xlane v3, v0;
	_ =	sdelay $0x1  }
0x4e: {  	v4 =	vadd.s32 v1, v4;
	_ =	sdelay $0x3  }
0x4f: {  	s0 =	rddreg [dreg:$0xd];
	v3 =	vperm.xlane v3, v2  }
0x50: {  	[hbm4b:s3+s2] =	stream.indirect_vreg.scatter [tilespmem:s0], [sflag:$0x1], $0x80, v4, vm0, $0xb8;
	[tilespmem:$0x1C080] =	vst v63  }
0x51: {  	s10 =	rddreg [dreg:$0xe];
	v3 =	vadd.s32 v1, v3  }
0x52: {  	[hbm4b:s4+s2] =	stream.indirect_vreg.scatter [tilespmem:s10], [sflag:$0x1], $0x80, v4, vm0, $0xb8;
	[tilespmem:$0x1C080] =	vst v63  }
0x53: {  	s0 =	rddreg [dreg:$0xf]  }
0x54: {  	[hbm4b:s5+s2] =	stream.indirect_vreg.scatter [tilespmem:s0], [sflag:$0x1], $0x80, v4, vm0, $0xb8;
	[tilespmem:$0x1C080] =	vst v63  }
0x55: {  	s10 =	rddreg [dreg:$0x10]  }
0x56: {  	[hbm4b:s3+s2] =	stream.indirect_vreg.scatter [tilespmem:s10], [sflag:$0x1], $0x80, v3, vm0, $0xb8;
	[tilespmem:$0x1C080] =	vst v63  }
0x57: {  	s0 =	rddreg [dreg:$0x11]  }
0x58: {  	[hbm4b:s4+s2] =	stream.indirect_vreg.scatter [tilespmem:s0], [sflag:$0x1], $0x80, v3, vm0, $0xb8;
	[tilespmem:$0x1C080] =	vst v63  }
0x59: {  	s10 =	rddreg [dreg:$0x12]  }
0x5a: {  	[hbm4b:s5+s2] =	stream.indirect_vreg.scatter [tilespmem:s10], [sflag:$0x1], $0x80, v3, vm0, $0xb8;
	[tilespmem:$0x1C080] =	vst v63  }
0x5b: {  	v3 =	vld [tilespmem:$0x20];
	_ =	sdelay $0x4  }
0x5c: {  	v58 =	vshrl.u32 v3, $0x3  }
0x5d: {  	v4 =	vmul.u32 $0x30, v58  }
0x5e: {  	v3 =	vand.u32 $0x7, v3  }
0x5f: {  	v3 =	vor.u32 v3, v4  }
0x60: {  	v4 =	vperm.xlane v3, v0;
	_ =	sdelay $0x1  }
0x61: {  	v4 =	vadd.s32 v1, v4;
	_ =	sdelay $0x3  }
0x62: {  	s0 =	rddreg [dreg:$0x13];
	v3 =	vperm.xlane v3, v2  }
0x63: {  	[hbm4b:s3+s2] =	stream.indirect_vreg.scatter [tilespmem:s0], [sflag:$0x1], $0x80, v4, vm0, $0xb8;
	[tilespmem:$0x1C080] =	vst v63  }
0x64: {  	s10 =	rddreg [dreg:$0x14];
	v3 =	vadd.s32 v1, v3  }
0x65: {  	[hbm4b:s4+s2] =	stream.indirect_vreg.scatter [tilespmem:s10], [sflag:$0x1], $0x80, v4, vm0, $0xb8;
	[tilespmem:$0x1C080] =	vst v63  }
0x66: {  	s0 =	rddreg [dreg:$0x15]  }
0x67: {  	[hbm4b:s5+s2] =	stream.indirect_vreg.scatter [tilespmem:s0], [sflag:$0x1], $0x80, v4, vm0, $0xb8;
	[tilespmem:$0x1C080] =	vst v63  }
0x68: {  	s10 =	rddreg [dreg:$0x16]  }
0x69: {  	[hbm4b:s3+s2] =	stream.indirect_vreg.scatter [tilespmem:s10], [sflag:$0x1], $0x80, v3, vm0, $0xb8;
	[tilespmem:$0x1C080] =	vst v63  }
0x6a: {  	s0 =	rddreg [dreg:$0x17]  }
0x6b: {  	[hbm4b:s4+s2] =	stream.indirect_vreg.scatter [tilespmem:s0], [sflag:$0x1], $0x80, v3, vm0, $0xb8;
	[tilespmem:$0x1C080] =	vst v63  }
0x6c: {  	s10 =	rddreg [dreg:$0x18]  }
0x6d: {  	[hbm4b:s5+s2] =	stream.indirect_vreg.scatter [tilespmem:s10], [sflag:$0x1], $0x80, v3, vm0, $0xb8;
	[tilespmem:$0x1C080] =	vst v63  }
0x6e: {  	v3 =	vld [tilespmem:$0x30];
	_ =	sdelay $0x4  }
0x6f: {  	v59 =	vshrl.u32 v3, $0x3  }
0x70: {  	v4 =	vmul.u32 $0x30, v59  }
0x71: {  	v3 =	vand.u32 $0x7, v3  }
0x72: {  	v3 =	vor.u32 v3, v4  }
0x73: {  	v4 =	vperm.xlane v3, v0;
	_ =	sdelay $0x1  }
0x74: {  	v4 =	vadd.s32 v1, v4;
	_ =	sdelay $0x3  }
0x75: {  	s0 =	rddreg [dreg:$0x19];
	v3 =	vperm.xlane v3, v2  }
0x76: {  	[hbm4b:s3+s2] =	stream.indirect_vreg.scatter [tilespmem:s0], [sflag:$0x1], $0x80, v4, vm0, $0xb8;
	[tilespmem:$0x1C080] =	vst v63  }
0x77: {  	s10 =	rddreg [dreg:$0x1a];
	v3 =	vadd.s32 v1, v3  }
0x78: {  	[hbm4b:s4+s2] =	stream.indirect_vreg.scatter [tilespmem:s10], [sflag:$0x1], $0x80, v4, vm0, $0xb8;
	[tilespmem:$0x1C080] =	vst v63  }
0x79: {  	s0 =	rddreg [dreg:$0x1b]  }
0x7a: {  	[hbm4b:s5+s2] =	stream.indirect_vreg.scatter [tilespmem:s0], [sflag:$0x1], $0x80, v4, vm0, $0xb8;
	[tilespmem:$0x1C080] =	vst v63  }
0x7b: {  	s10 =	rddreg [dreg:$0x1c]  }
0x7c: {  	[hbm4b:s3+s2] =	stream.indirect_vreg.scatter [tilespmem:s10], [sflag:$0x1], $0x80, v3, vm0, $0xb8;
	[tilespmem:$0x1C080] =	vst v63  }
0x7d: {  	s0 =	rddreg [dreg:$0x1d]  }
0x7e: {  	[hbm4b:s4+s2] =	stream.indirect_vreg.scatter [tilespmem:s0], [sflag:$0x1], $0x80, v3, vm0, $0xb8;
	[tilespmem:$0x1C080] =	vst v63  }
0x7f: {  	s10 =	rddreg [dreg:$0x1e]  }
0x80: {  	[hbm4b:s5+s2] =	stream.indirect_vreg.scatter [tilespmem:s10], [sflag:$0x1], $0x80, v3, vm0, $0xb8;
	[tilespmem:$0x1C080] =	vst v63  }
0x81: {  	v3 =	vld [tilespmem:$0x40];
	_ =	sdelay $0x4  }
0x82: {  	v60 =	vshrl.u32 v3, $0x3  }
0x83: {  	v4 =	vmul.u32 $0x30, v60  }
0x84: {  	v3 =	vand.u32 $0x7, v3  }
0x85: {  	v3 =	vor.u32 v3, v4  }
0x86: {  	v4 =	vperm.xlane v3, v0;
	_ =	sdelay $0x1  }
0x87: {  	v4 =	vadd.s32 v1, v4;
	_ =	sdelay $0x2  }
0x88: {  	s0 =	rddreg [dreg:$0x1f]  }
0x89: {  	s10 =	sld [smem:$0x7FB];
	v3 =	vperm.xlane v3, v2  }
0x8a: {  	[hbm4b:s3+s2] =	stream.indirect_vreg.scatter [tilespmem:s0], [sflag:$0x1], $0x80, v4, vm0, $0xb8;
	[tilespmem:$0x1C080] =	vst v63  }
0x8b: {  	v3 =	vadd.s32 v1, v3;
	s0 =	sld [smem:$0x7FC]  }
0x8c: {  	[hbm4b:s4+s2] =	stream.indirect_vreg.scatter [tilespmem:s10], [sflag:$0x1], $0x80, v4, vm0, $0xb8;
	[tilespmem:$0x1C080] =	vst v63  }
0x8d: {  	s10 =	sld [smem:$0x7FD]  }
0x8e: {  	[hbm4b:s5+s2] =	stream.indirect_vreg.scatter [tilespmem:s0], [sflag:$0x1], $0x80, v4, vm0, $0xb8;
	[tilespmem:$0x1C080] =	vst v63  }
0x8f: {  	_ = 	snop  }
0x90: {  	[hbm4b:s3+s2] =	stream.indirect_vreg.scatter [tilespmem:s10], [sflag:$0x1], $0x80, v3, vm0, $0xb8;
	[tilespmem:$0x1C080] =	vst v63  }
0x91: {  	s10 =	simm.s32 $0xE080  }
0x92: {  	[hbm4b:s4+s2] =	stream.indirect_vreg.scatter [tilespmem:s10], [sflag:$0x1], $0x80, v3, vm0, $0xb8;
	[tilespmem:$0x1C080] =	vst v63  }
0x93: {  	_ = 	snop  }
0x94: {  	[hbm4b:s5+s2] =	stream.indirect_vreg.scatter [tilespmem:s11], [sflag:$0x1], $0x80, v3, vm0, $0xb8;
	[tilespmem:$0x1C080] =	vst v63  }
0x95: {  	v3 =	vld [tilespmem:$0x50];
	_ =	sdelay $0x4  }
0x96: {  	v61 =	vshrl.u32 v3, $0x3  }
0x97: {  	v4 =	vmul.u32 $0x30, v61  }
0x98: {  	v3 =	vand.u32 $0x7, v3  }
0x99: {  	v3 =	vor.u32 v3, v4  }
0x9a: {  	v4 =	vperm.xlane v3, v0;
	_ =	sdelay $0x1  }
0x9b: {  	v4 =	vadd.s32 v1, v4;
	_ =	sdelay $0x3  }
0x9c: {  	v3 =	vperm.xlane v3, v2  }
0x9d: {  	[hbm4b:s3+s2] =	stream.indirect_vreg.scatter [tilespmem:s12], [sflag:$0x1], $0x80, v4, vm0, $0xb8;
	[tilespmem:$0x1C080] =	vst v63  }
0x9e: {  	v3 =	vadd.s32 v1, v3  }
0x9f: {  	[hbm4b:s4+s2] =	stream.indirect_vreg.scatter [tilespmem:s13], [sflag:$0x1], $0x80, v4, vm0, $0xb8;
	[tilespmem:$0x1C080] =	vst v63  }
0xa0: {  	_ = 	snop  }
0xa1: {  	[hbm4b:s5+s2] =	stream.indirect_vreg.scatter [tilespmem:s14], [sflag:$0x1], $0x80, v4, vm0, $0xb8;
	[tilespmem:$0x1C080] =	vst v63  }
0xa2: {  	_ = 	snop  }
0xa3: {  	[hbm4b:s3+s2] =	stream.indirect_vreg.scatter [tilespmem:s15], [sflag:$0x1], $0x80, v3, vm0, $0xb8;
	[tilespmem:$0x1C080] =	vst v63  }
0xa4: {  	_ = 	snop  }
0xa5: {  	[hbm4b:s4+s2] =	stream.indirect_vreg.scatter [tilespmem:s16], [sflag:$0x1], $0x80, v3, vm0, $0xb8;
	[tilespmem:$0x1C080] =	vst v63  }
0xa6: {  	_ = 	snop  }
0xa7: {  	[hbm4b:s5+s2] =	stream.indirect_vreg.scatter [tilespmem:s17], [sflag:$0x1], $0x80, v3, vm0, $0xb8;
	[tilespmem:$0x1C080] =	vst v63  }
0xa8: {  	v3 =	vld [tilespmem:$0x60];
	_ =	sdelay $0x4  }
0xa9: {  	v62 =	vshrl.u32 v3, $0x3  }
0xaa: {  	v4 =	vmul.u32 $0x30, v62  }
0xab: {  	v3 =	vand.u32 $0x7, v3  }
0xac: {  	v3 =	vor.u32 v3, v4  }
0xad: {  	v4 =	vperm.xlane v3, v0;
	_ =	sdelay $0x1  }
0xae: {  	v4 =	vadd.s32 v1, v4;
	_ =	sdelay $0x3  }
0xaf: {  	v3 =	vperm.xlane v3, v2  }
0xb0: {  	[hbm4b:s3+s2] =	stream.indirect_vreg.scatter [tilespmem:s18], [sflag:$0x1], $0x80, v4, vm0, $0xb8;
	[tilespmem:$0x1C080] =	vst v63  }
0xb1: {  	v3 =	vadd.s32 v1, v3  }
0xb2: {  	[hbm4b:s4+s2] =	stream.indirect_vreg.scatter [tilespmem:s19], [sflag:$0x1], $0x80, v4, vm0, $0xb8;
	[tilespmem:$0x1C080] =	vst v63  }
0xb3: {  	_ = 	snop  }
0xb4: {  	[hbm4b:s5+s2] =	stream.indirect_vreg.scatter [tilespmem:s20], [sflag:$0x1], $0x80, v4, vm0, $0xb8;
	[tilespmem:$0x1C080] =	vst v63  }
0xb5: {  	_ = 	snop  }
0xb6: {  	[hbm4b:s3+s2] =	stream.indirect_vreg.scatter [tilespmem:s21], [sflag:$0x1], $0x80, v3, vm0, $0xb8;
	[tilespmem:$0x1C080] =	vst v63  }
0xb7: {  	_ = 	snop  }
0xb8: {  	[hbm4b:s4+s2] =	stream.indirect_vreg.scatter [tilespmem:s22], [sflag:$0x1], $0x80, v3, vm0, $0xb8;
	[tilespmem:$0x1C080] =	vst v63  }
0xb9: {  	_ = 	snop  }
0xba: {  	[hbm4b:s5+s2] =	stream.indirect_vreg.scatter [tilespmem:s23], [sflag:$0x1], $0x80, v3, vm0, $0xb8;
	[tilespmem:$0x1C080] =	vst v63  }
0xbb: {  	v3 =	vld [tilespmem:$0x70];
	_ =	sdelay $0x4  }
0xbc: {  	v63 =	vshrl.u32 v3, $0x3  }
0xbd: {  	v4 =	vmul.u32 $0x30, v63  }
0xbe: {  	v3 =	vand.u32 $0x7, v3  }
0xbf: {  	v3 =	vor.u32 v3, v4  }
0xc0: {  	v4 =	vperm.xlane v3, v0;
	_ =	sdelay $0x1  }
0xc1: {  	v4 =	vadd.s32 v1, v4;
	_ =	sdelay $0x3  }
0xc2: {  	v3 =	vperm.xlane v3, v2  }
0xc3: {  	[hbm4b:s3+s2] =	stream.indirect_vreg.scatter [tilespmem:s24], [sflag:$0x1], $0x80, v4, vm0, $0xb8;
	[tilespmem:$0x1C080] =	vst v63  }
0xc4: {  	v3 =	vadd.s32 v1, v3  }
0xc5: {  	[hbm4b:s4+s2] =	stream.indirect_vreg.scatter [tilespmem:s25], [sflag:$0x1], $0x80, v4, vm0, $0xb8;
	[tilespmem:$0x1C080] =	vst v63  }
0xc6: {  	_ = 	snop  }
0xc7: {  	[hbm4b:s5+s2] =	stream.indirect_vreg.scatter [tilespmem:s26], [sflag:$0x1], $0x80, v4, vm0, $0xb8;
	[tilespmem:$0x1C080] =	vst v63  }
0xc8: {  	_ = 	snop  }
0xc9: {  	[hbm4b:s3+s2] =	stream.indirect_vreg.scatter [tilespmem:s28], [sflag:$0x1], $0x80, v3, vm0, $0xb8;
	[tilespmem:$0x1C080] =	vst v63  }
0xca: {  	_ = 	snop  }
0xcb: {  	[hbm4b:s4+s2] =	stream.indirect_vreg.scatter [tilespmem:s29], [sflag:$0x1], $0x80, v3, vm0, $0xb8;
	[tilespmem:$0x1C080] =	vst v63  }
0xcc: {  	_ = 	snop  }
0xcd: {  	[hbm4b:s5+s2] =	stream.indirect_vreg.scatter [tilespmem:s30], [sflag:$0x1], $0x80, v3, vm0, $0xb8;
	[tilespmem:$0x1C080] =	vst v63  }
0xce: {  	s10 =	rddreg [dreg:$0x4]  }
0xcf: {  	[hbm4b:s10+s8] =	stream.indirect.scatter [tilespmem:s9], [sflag:$0x2], $0x80, s2, s8, $0xb8;
	[tilespmem:$0x1C080] =	vst v63  }
0xd0: {  	p0 =	sne.s32 s6, $0x1;
	_ =	swait.ge [sflag:s31], $0x18000  }
.Ltmp0:
0xd1: {  	[sflag:s31] =	ssyncset.done $0x0;
	(pc) =	sbr.rel @p0 .LBB2_1-.Ltmp0, $4  }
0xd2: {  	[sflag:s31] =	ssyncadd.s32 $0xFFFE8000  }
0xd3: {  	_ =	swait.ge [sflag:s1], $0x4000  }
0xd4: {  	[sflag:s1] =	ssyncset.done $0x0  }
0xd5: {  	s6 =	sadd.s32 $0xFFFFFFFF, s6;
	[sflag:s1] =	ssyncadd.s32 $0xFFFFC000  }
0xd6: {  	_ =	sfence.sel $0x180000  }
0xd7: {  	[bflag:$0x0] =	sbarrier.arrive $0xFFFF  }
0xd8: {  	_ =	strace $0x90000047  }
0xd9: {  	s0 =	stileid.u32;
	[bflag:$0x2] =	sbarrier.arrive $0xFFFF  }
0xda: {  	p0 =	sne.s32 s0, $0x0;
	s0 =	rddreg [dreg:$0x3]  }
0xdb: {  	s0 =	sadd.s32 @!p0 $0x100000, s0  }
0xdc: {  	[sflag:s0] =	ssyncadd.tile.s32 @!p0 $0x1;
	_ =	shalt  }
.Lfunc_end2:
_tile_overlayer_lowered:
.L_overlay_start_2:
0xdd: {  	(tag) =	ssettag $0x2  }
0xde: {  	s0 =	rddreg [dreg:$0x0];
	s2 =	stileid.u32  }
0xdf: {  	s1 =	rddreg [dreg:$0x1];
	p0 =	sne.s32 s2, $0x0  }
0xe0: {  	s3 =	rddreg [dreg:$0x2];
	[bflag:$0x3] =	sbarrier.arrive $0xFFFF;
	s2 =	simm.s32 @!p0 $0x1C03  }
0xe1: {  	[timem:s3], [sflag:s2] =	dma.local @!p0 [hbm:s0], s1  }
0xe2: {  	s0 =	simm.s32 @!p0 $0x3  }
0xe3: {  	_ =	swait.ge @!p0 [sflag:s0], s1  }
0xe4: {  	s1 =	ssub.s32 @!p0 $0x0, s1;
	[sflag:s0] =	ssyncset.done @!p0 $0x0  }
0xe5: {  	[sflag:s0] =	ssyncadd.s32 @!p0 s1  }
0xe6: {  	[bflag:$0x3] =	sbarrier.arrive $0xFFFF  }
0xe7: {  	_ =	shalt  }

</sc_bundles>
